<compile_context>
chip_gen: v7x
topology: tpu7x:2x2x1
jax: 0.10.2.dev20260603
libtpu: 0.0.44.dev20260713+nightly
codegen_flags: <defaults>
</compile_context>

<pallas_src>
import jax
import jax.numpy as jnp
from jax import lax
from jax.experimental import pallas as pl
from jax.experimental.pallas import tpu as pltpu
from jax.experimental.pallas import tpu_sc as plsc

BS = 8
HQ, WQ = 32, 32
HC, WC = 64, 64
LQ = HQ * WQ
LC = HC * WC
QD = 768
CD = 768
HEADS = 12
DH = 64
INNER = HEADS * DH
NPTS = 4
NSLOT = NPTS * 4

NCORES = 2
NSUB = 16
NWORK = NCORES * NSUB
NQTR = 4
UNITS = BS * HEADS * NQTR
UNITS_PER_W = UNITS // NWORK
QBLK = 16
NBLK = LQ // QBLK
CTX_TILE = 512


def _fuse_body(wq_ref, wcat_ref, wk_ref, wval_ref, wproj_ref, wout_ref,
               bproj_ref, bout_ref, wqc_ref, wkv_ref, wpo_ref, bf_ref):
    wqc_ref[...] = lax.dot_general(wcat_ref[...], wq_ref[...],
                                   (((0,), (1,)), ((), ())),
                                   preferred_element_type=jnp.float32)
    wkv_ref[...] = jnp.dot(wk_ref[...], wval_ref[...],
                           preferred_element_type=jnp.float32)
    wpo = jnp.dot(wproj_ref[...], wout_ref[...],
                  preferred_element_type=jnp.float32)
    wpo_ref[...] = wpo
    bf_ref[...] = jnp.dot(bproj_ref[...], wpo,
                          preferred_element_type=jnp.float32) + bout_ref[...]


def _fuse_weights(wq, wcat, wk, wval, wproj, wout, bproj, bout):
    return pl.pallas_call(
        _fuse_body,
        out_shape=[
            jax.ShapeDtypeStruct((144, QD), jnp.float32),
            jax.ShapeDtypeStruct((CD, INNER), jnp.float32),
            jax.ShapeDtypeStruct((INNER, QD), jnp.float32),
            jax.ShapeDtypeStruct((1, QD), jnp.float32),
        ],
    )(wq, wcat, wk, wval, wproj, wout, bproj, bout)


def _value_body(ctx_ref, wkv_ref, bval_ref, out_ref):
    vt = lax.dot_general(wkv_ref[...], ctx_ref[0],
                         (((0,), (1,)), ((), ())),
                         preferred_element_type=jnp.float32)
    out_ref[0] = (vt + bval_ref[...]).reshape(HEADS * NQTR, 16, CTX_TILE)


def _value_proj(context, wkv, bval):
    nb = context.shape[0]
    return pl.pallas_call(
        _value_body,
        grid=(nb, LC // CTX_TILE),
        in_specs=[
            pl.BlockSpec((1, CTX_TILE, CD), lambda b, i: (b, i, 0)),
            pl.BlockSpec((CD, INNER), lambda b, i: (0, 0)),
            pl.BlockSpec((INNER, 1), lambda b, i: (0, 0)),
        ],
        out_specs=pl.BlockSpec((1, HEADS * NQTR, 16, CTX_TILE),
                               lambda b, i: (b, 0, 0, i)),
        out_shape=jax.ShapeDtypeStruct((nb, HEADS * NQTR, 16, LC),
                                       jnp.float32),
    )(context, wkv, bval)


def _samp_body(x_ref, wqc_ref, boffc_ref, g_ref, w4_ref, i4_ref):
    xb = x_ref[0]
    t = lax.dot_general(wqc_ref[...], xb, (((1,), (1,)), ((), ())),
                        preferred_element_type=jnp.float32) + boffc_ref[...]
    offx = t[0:48, :]
    offy = t[48:96, :]
    att = t[96:144, :]
    e = jnp.exp(att)
    aw = e / jnp.dot(g_ref[...], e, preferred_element_type=jnp.float32)

    qi = lax.broadcasted_iota(jnp.int32, (48, LQ), 1)
    qxf = (qi % WQ).astype(jnp.float32)
    qyf = (qi // WQ).astype(jnp.float32)
    ax = 2.0 * qxf + 0.5 + offx
    ay = 2.0 * qyf + 0.5 + offy
    x0 = jnp.floor(ax)
    y0 = jnp.floor(ay)
    fx = ax - x0
    fy = ay - y0
    x1 = x0 + 1.0
    y1 = y0 + 1.0

    def corner(xc, yc, wx, wy):
        inb = ((xc >= 0.0) & (xc <= WC - 1.0)
               & (yc >= 0.0) & (yc <= HC - 1.0)).astype(jnp.float32)
        xcc = jnp.clip(xc, 0.0, WC - 1.0)
        ycc = jnp.clip(yc, 0.0, HC - 1.0)
        idx = (ycc * WC + xcc).astype(jnp.int32)
        return aw * wx * wy * inb, idx

    w0, i0 = corner(x0, y0, 1.0 - fx, 1.0 - fy)
    w1, i1 = corner(x1, y0, fx, 1.0 - fy)
    w2, i2 = corner(x0, y1, 1.0 - fx, fy)
    w3, i3 = corner(x1, y1, fx, fy)
    w4_ref[0, :, 0, :] = w0
    w4_ref[0, :, 1, :] = w1
    w4_ref[0, :, 2, :] = w2
    w4_ref[0, :, 3, :] = w3
    i4_ref[0, :, 0, :] = i0
    i4_ref[0, :, 1, :] = i1
    i4_ref[0, :, 2, :] = i2
    i4_ref[0, :, 3, :] = i3


def _samp_params(x, wqc, boffc, g):
    nb = x.shape[0]
    return pl.pallas_call(
        _samp_body,
        grid=(nb,),
        in_specs=[
            pl.BlockSpec((1, LQ, QD), lambda b: (b, 0, 0)),
            pl.BlockSpec((144, QD), lambda b: (0, 0)),
            pl.BlockSpec((144, 1), lambda b: (0, 0)),
            pl.BlockSpec((48, 48), lambda b: (0, 0)),
        ],
        out_specs=[
            pl.BlockSpec((1, 48, 4, LQ), lambda b: (b, 0, 0, 0)),
            pl.BlockSpec((1, 48, 4, LQ), lambda b: (b, 0, 0, 0)),
        ],
        out_shape=[
            jax.ShapeDtypeStruct((nb, 48, 4, LQ), jnp.float32),
            jax.ShapeDtypeStruct((nb, 48, 4, LQ), jnp.int32),
        ],
    )(x, wqc, boffc, g)


def _make_sc_body(units_per_w):
    def _sc_body(val_hbm, idx_hbm, w_hbm, out_hbm, table_v, idx_v, w_v,
                 out_v):
        wid = lax.axis_index("s") * NCORES + lax.axis_index("c")

        def unit_body(u, carry):
            g = u * NWORK + wid
            b = g // (HEADS * NQTR)
            r = g % (HEADS * NQTR)
            h = r // NQTR
            pltpu.sync_copy(val_hbm.at[b, r], table_v)
            pltpu.sync_copy(idx_hbm.at[b, h], idx_v)
            pltpu.sync_copy(w_hbm.at[b, h], w_v)

            @plsc.parallel_loop(0, NBLK, 1, unroll=1)
            def blk_body(blk):
                qbase = blk * QBLK
                bvecs = [idx_v[pl.ds(s * LQ + qbase, QBLK)]
                         for s in range(NSLOT)]
                wvecs = [w_v[pl.ds(s * LQ + qbase, QBLK)]
                         for s in range(NSLOT)]
                for ch in range(16):
                    row = jnp.full((QBLK,), ch, dtype=jnp.int32)
                    vals = [plsc.load_gather(table_v, [row, bvecs[s]])
                            for s in range(NSLOT)]
                    accs = [wvecs[0] * vals[0], wvecs[1] * vals[1],
                            wvecs[2] * vals[2], wvecs[3] * vals[3]]
                    for s in range(4, NSLOT):
                        accs[s % 4] = accs[s % 4] + wvecs[s] * vals[s]
                    out_v[pl.ds(ch * LQ + blk * QBLK, QBLK)] = (
                        (accs[0] + accs[1]) + (accs[2] + accs[3]))
            pltpu.sync_copy(out_v, out_hbm.at[b, r])
            return carry

        lax.fori_loop(0, units_per_w, unit_body, 0)

    return _sc_body


def _sc_sample(value4, islots, wslots):
    nb = value4.shape[0]
    units_per_w = nb * HEADS * NQTR // NWORK
    return pl.kernel(
        _make_sc_body(units_per_w),
        out_type=jax.ShapeDtypeStruct((nb, HEADS * NQTR, 16 * LQ),
                                      jnp.float32),
        mesh=plsc.VectorSubcoreMesh(core_axis_name="c", subcore_axis_name="s"),
        compiler_params=pltpu.CompilerParams(needs_layout_passes=False),
        scratch_types=[
            pltpu.VMEM((16, LC), jnp.float32),
            pltpu.VMEM((NBLK * NSLOT * QBLK,), jnp.int32),
            pltpu.VMEM((NBLK * NSLOT * QBLK,), jnp.float32),
            pltpu.VMEM((16 * LQ,), jnp.float32),
        ],
    )(value4, islots, wslots)


def _out_body(s_ref, wpo_ref, bf_ref, y_ref):
    sm = s_ref[0].reshape(INNER, LQ)
    y_ref[0] = lax.dot_general(
        sm, wpo_ref[...], (((0,), (0,)), ((), ())),
        preferred_element_type=jnp.float32) + bf_ref[...]


def _out_proj(s, wpo, bf):
    nb = s.shape[0]
    return pl.pallas_call(
        _out_body,
        grid=(nb,),
        in_specs=[
            pl.BlockSpec((1, HEADS * NQTR, 16 * LQ), lambda b: (b, 0, 0)),
            pl.BlockSpec((INNER, QD), lambda b: (0, 0)),
            pl.BlockSpec((1, QD), lambda b: (0, 0)),
        ],
        out_specs=pl.BlockSpec((1, LQ, QD), lambda b: (b, 0, 0)),
        out_shape=jax.ShapeDtypeStruct((nb, LQ, QD), jnp.float32),
    )(s, wpo, bf)


def kernel(x, context, spatial_shapes, spatial_shapes_c, W_q, W_k, W_off,
           b_off, W_attn, b_attn, W_val, b_val, W_proj, b_proj, W_out, b_out):
    wcat = jnp.concatenate([W_off[:, 0::2], W_off[:, 1::2], W_attn], axis=1)
    boffc = jnp.concatenate([b_off[0::2], b_off[1::2], b_attn])[:, None]
    lane = jnp.arange(48) // NPTS
    g = (lane[:, None] == lane[None, :]).astype(jnp.float32)

    wqc, wkv, wpo, bf = _fuse_weights(
        W_q, wcat, W_k, W_val, W_proj, W_out, b_proj[None, :], b_out[None, :])

    value4 = _value_proj(context, wkv, b_val[:, None])
    w4, i4 = _samp_params(x, wqc, boffc, g)
    wslots = w4.reshape(BS, HEADS, NSLOT * LQ)
    islots = i4.reshape(BS, HEADS, NSLOT * LQ)
    s = _sc_sample(value4, islots, wslots)
    return _out_proj(s, wpo, bf)

# --- scband reference (transcript-rebuilt; emitter-appended) ---
"""Pipeline reference for scband-deformable-cross-attention-6459630813219 (READ-ONLY COPY).

The authoritative reference and input builder live on the scoring server;
editing this copy changes nothing except your own understanding.
"""

import jax, jax.numpy as jnp
import numpy as np

BS = 8
HQ, WQ = 32, 32
HC, WC = 64, 64
LQ = HQ * WQ
LC = HC * WC
QD = 768
CD = 768
HEADS = 12
DH = 64
INNER = HEADS * DH
NPTS = 4
NLVL = 1


def _grid_sample_bilinear(img, grid):
    # img: (B, C, H, W); grid: (B, Hg, Wg, 2), xy order, in [-1, 1]
    # matches torch F.grid_sample(mode='bilinear', padding_mode='zeros', align_corners=False)
    B, C, H, W = img.shape
    Hg, Wg = grid.shape[1], grid.shape[2]
    x = grid[..., 0]
    y = grid[..., 1]
    ix = ((x + 1.0) * W - 1.0) / 2.0
    iy = ((y + 1.0) * H - 1.0) / 2.0
    ix0 = jnp.floor(ix)
    iy0 = jnp.floor(iy)
    ix1 = ix0 + 1.0
    iy1 = iy0 + 1.0
    wx1 = ix - ix0
    wx0 = 1.0 - wx1
    wy1 = iy - iy0
    wy0 = 1.0 - wy1
    imgf = img.reshape(B, C, H * W)

    def gather(iy_, ix_):
        mask = ((ix_ >= 0) & (ix_ <= W - 1) & (iy_ >= 0) & (iy_ <= H - 1)).astype(img.dtype)
        ixc = jnp.clip(ix_, 0, W - 1).astype(jnp.int32)
        iyc = jnp.clip(iy_, 0, H - 1).astype(jnp.int32)
        idx = (iyc * W + ixc).reshape(B, 1, Hg * Wg)
        idx = jnp.broadcast_to(idx, (B, C, Hg * Wg))
        vals = jnp.take_along_axis(imgf, idx, axis=2)
        return vals.reshape(B, C, Hg, Wg), mask

    v00, m00 = gather(iy0, ix0)
    v01, m01 = gather(iy0, ix1)
    v10, m10 = gather(iy1, ix0)
    v11, m11 = gather(iy1, ix1)
    out = (v00 * (wy0 * wx0 * m00)[:, None]
           + v01 * (wy0 * wx1 * m01)[:, None]
           + v10 * (wy1 * wx0 * m10)[:, None]
           + v11 * (wy1 * wx1 * m11)[:, None])
    return out


def setup_inputs(seed: int = 0):
    key = jax.random.key(seed)
    ks = jax.random.split(key, 12)
    s = 0.02
    return {
        'x': jax.random.normal(ks[0], (BS, LQ, QD), dtype=jnp.float32),
        'context': jax.random.normal(ks[1], (BS, LC, CD), dtype=jnp.float32),
        'spatial_shapes': jnp.array([[HQ, WQ]], dtype=jnp.int32),
        'spatial_shapes_c': jnp.array([[HC, WC]], dtype=jnp.int32),
        'W_q': jax.random.normal(ks[2], (QD, INNER), dtype=jnp.float32) * s,
        'W_k': jax.random.normal(ks[3], (CD, INNER), dtype=jnp.float32) * s,
        'W_off': jax.random.normal(ks[4], (INNER, HEADS * NLVL * NPTS * 2), dtype=jnp.float32) * s,
        'b_off': jax.random.normal(ks[5], (HEADS * NLVL * NPTS * 2,), dtype=jnp.float32) * 0.1,
        'W_attn': jax.random.normal(ks[6], (INNER, HEADS * NLVL * NPTS), dtype=jnp.float32) * s,
        'b_attn': jnp.zeros((HEADS * NLVL * NPTS,), dtype=jnp.float32),
        'W_val': jax.random.normal(ks[7], (INNER, INNER), dtype=jnp.float32) * s,
        'b_val': jnp.zeros((INNER,), dtype=jnp.float32),
        'W_proj': jax.random.normal(ks[8], (INNER, INNER), dtype=jnp.float32) * s,
        'b_proj': jnp.zeros((INNER,), dtype=jnp.float32),
        'W_out': jax.random.normal(ks[9], (INNER, QD), dtype=jnp.float32) * s,
        'b_out': jnp.zeros((QD,), dtype=jnp.float32),
    }


def reference(x, context, spatial_shapes, spatial_shapes_c, W_q, W_k, W_off, b_off, W_attn, b_attn, W_val, b_val, W_proj, b_proj, W_out, b_out):
    bs = x.shape[0]
    H_ = HQ
    W_ = WQ
    Hc = HC
    Wc = WC
    Hf = spatial_shapes[0, 0].astype(jnp.float32)
    Wf = spatial_shapes[0, 1].astype(jnp.float32)
    # get_reference_points with valid_ratios == 1
    valid_ratios = jnp.ones((bs, 1, 2), dtype=jnp.float32)
    ref_y, ref_x = jnp.meshgrid(
        jnp.linspace(0.5, H_ - 0.5, H_, dtype=jnp.float32),
        jnp.linspace(0.5, W_ - 0.5, W_, dtype=jnp.float32),
        indexing='ij')
    ref_y = ref_y.reshape(-1)[None] / (valid_ratios[:, None, 0, 1] * Hf)
    ref_x = ref_x.reshape(-1)[None] / (valid_ratios[:, None, 0, 0] * Wf)
    ref = jnp.stack((ref_x, ref_y), -1)
    reference_points = ref[:, :, None] * valid_ratios[:, None]  # (bs, Lq, 1, 2)

    q = x @ W_q
    ctx = context @ W_k
    Lq = q.shape[1]
    Lin = ctx.shape[1]

    # MSDeformAttn (pure-pytorch core, 1 level)
    value = (ctx @ W_val + b_val).reshape(bs, Lin, HEADS, DH)
    off = (q @ W_off + b_off).reshape(bs, Lq, HEADS, NLVL, NPTS, 2)
    aw = (q @ W_attn + b_attn).reshape(bs, Lq, HEADS, NLVL * NPTS)
    aw = jax.nn.softmax(aw, axis=-1).reshape(bs, Lq, HEADS, NLVL, NPTS)
    offset_normalizer = jnp.stack([spatial_shapes_c[..., 1], spatial_shapes_c[..., 0]], -1).astype(jnp.float32)
    loc = reference_points[:, :, None, :, None, :] + off / offset_normalizer[None, None, None, :, None, :]
    grids = 2.0 * loc - 1.0  # (bs, Lq, HEADS, NLVL, NPTS, 2)
    value_l = value.transpose(0, 2, 3, 1).reshape(bs * HEADS, DH, Hc, Wc)
    grid_l = grids[:, :, :, 0].transpose(0, 2, 1, 3, 4).reshape(bs * HEADS, Lq, NPTS, 2)
    sampled = _grid_sample_bilinear(value_l, grid_l)  # (bs*HEADS, DH, Lq, NPTS)
    attn_r = aw.transpose(0, 2, 1, 3, 4).reshape(bs * HEADS, 1, Lq, NLVL * NPTS)
    out = (sampled * attn_r).sum(-1)  # (bs*HEADS, DH, Lq)
    out = out.reshape(bs, HEADS * DH, Lq).transpose(0, 2, 1)
    out = out @ W_proj + b_proj
    out = out @ W_out + b_out  # to_out (dropout = eval identity)
    return out

if __name__ == "__main__":
    import jax
    _d = setup_inputs()
    print(jax.jit(kernel)(*tuple(_d.values())))

</pallas_src>

<mosaic_0001>
#map = affine_map<(d0, d1) -> (0, 0, 0, 0)>
#map1 = affine_map<(d0, d1) -> (0, 0, 0)>
module attributes {stable_mosaic.version = 14 : i64} {
  func.func @_sc_body(%arg0: i32, %arg1: i32, %arg2: memref<8x48x16x4096xf32, #tpu.memory_space<hbm>>, %arg3: memref<8x12x16384xi32, #tpu.memory_space<hbm>>, %arg4: memref<8x12x16384xf32, #tpu.memory_space<hbm>>, %arg5: memref<8x48x16384xf32, #tpu.memory_space<hbm>>, %arg6: memref<16x4096xf32, #tpu.memory_space<vmem>>, %arg7: memref<16384xi32, #tpu.memory_space<vmem>>, %arg8: memref<16384xf32, #tpu.memory_space<vmem>>, %arg9: memref<16384xf32, #tpu.memory_space<vmem>>) attributes {dimension_semantics = [#tpu.dimension_semantics<core_parallel>, #tpu.dimension_semantics<subcore_parallel>], iteration_bounds = array<i64: 2, 16>, scalar_prefetch = 0 : i64, scratch_operands = 4 : i64, tpu.core_type = #tpu.core_type<sc_vector_subcore>, window_params = [{transform_indices = #map}, {transform_indices = #map1}, {transform_indices = #map1}, {transform_indices = #map1}]} {
    %mul3A = arith.constant 2 : i32
    %mul3A_0 = arith.muli %arg1, %mul3A : i32
    %add3A = arith.addi %mul3A_0, %arg0 : i32
    %scan3A = arith.constant 0 : i32
    %scan3A_1 = arith.constant 0 : i32
    %scan3A_2 = arith.constant 12 : i32
    %scan3A_3 = arith.addi %scan3A_1, %scan3A_2 : i32
    %scan3A_4 = arith.constant 1 : i32
    scf.for %scan3A_6 = %scan3A_1 to %scan3A_3 step %scan3A_4  : i32 {
      %mul3A_7 = arith.constant 32 : i32
      %mul3A_8 = arith.muli %scan3A_6, %mul3A_7 : i32
      %add3A_9 = arith.addi %mul3A_8, %add3A : i32
      %jit3A = arith.constant 48 : i32
      %div3A = arith.divsi %add3A_9, %jit3A : i32
      %sign3A = arith.constant 0 : i32
      %sign3A_10 = arith.cmpi sgt, %add3A_9, %sign3A : i32
      %sign3A_11 = arith.extui %sign3A_10 : i1 to i32
      %sign3A_12 = arith.constant 0 : i32
      %sign3A_13 = arith.cmpi slt, %add3A_9, %sign3A_12 : i32
      %sign3A_14 = arith.extui %sign3A_13 : i1 to i32
      %sign3A_15 = arith.subi %sign3A_11, %sign3A_14 : i32
      %sign3A_16 = arith.constant 0 : i32
      %sign3A_17 = arith.cmpi sgt, %jit3A, %sign3A_16 : i32
      %sign3A_18 = arith.extui %sign3A_17 : i1 to i32
      %sign3A_19 = arith.constant 0 : i32
      %sign3A_20 = arith.cmpi slt, %jit3A, %sign3A_19 : i32
      %sign3A_21 = arith.extui %sign3A_20 : i1 to i32
      %sign3A_22 = arith.subi %sign3A_18, %sign3A_21 : i32
      %ne3A = arith.cmpi ne, %sign3A_15, %sign3A_22 : i32
      %rem3A = arith.remsi %add3A_9, %jit3A : i32
      %ne3A_23 = arith.constant 0 : i32
      %ne3A_24 = arith.cmpi ne, %rem3A, %ne3A_23 : i32
      %and3A = arith.andi %ne3A, %ne3A_24 : i1
      %sub3A = arith.constant 1 : i32
      %sub3A_25 = arith.subi %div3A, %sub3A : i32
      %select_n3A = arith.select %and3A, %sub3A_25, %div3A : i32
      %jit3A_26 = arith.constant 48 : i32
      %eq3A = arith.constant 0 : i32
      %eq3A_27 = arith.cmpi eq, %jit3A_26, %eq3A : i32
      %jit3A_28 = arith.constant 1 : i32
      %select_n3A_29 = arith.select %eq3A_27, %jit3A_28, %jit3A_26 : i32
      %rem3A_30 = arith.remsi %add3A_9, %select_n3A_29 : i32
      %ne3A_31 = arith.constant 0 : i32
      %ne3A_32 = arith.cmpi ne, %rem3A_30, %ne3A_31 : i32
      %lt3A = arith.constant 0 : i32
      %lt3A_33 = arith.cmpi slt, %rem3A_30, %lt3A : i32
      %lt3A_34 = arith.constant 0 : i32
      %lt3A_35 = arith.cmpi slt, %select_n3A_29, %lt3A_34 : i32
      %ne3A_36 = arith.xori %lt3A_33, %lt3A_35 : i1
      %and3A_37 = arith.andi %ne3A_36, %ne3A_32 : i1
      %add3A_38 = arith.addi %rem3A_30, %select_n3A_29 : i32
      %select_n3A_39 = arith.select %and3A_37, %add3A_38, %rem3A_30 : i32
      %jit3A_40 = arith.constant 4 : i32
      %div3A_41 = arith.divsi %select_n3A_39, %jit3A_40 : i32
      %sign3A_42 = arith.constant 0 : i32
      %sign3A_43 = arith.cmpi sgt, %select_n3A_39, %sign3A_42 : i32
      %sign3A_44 = arith.extui %sign3A_43 : i1 to i32
      %sign3A_45 = arith.constant 0 : i32
      %sign3A_46 = arith.cmpi slt, %select_n3A_39, %sign3A_45 : i32
      %sign3A_47 = arith.extui %sign3A_46 : i1 to i32
      %sign3A_48 = arith.subi %sign3A_44, %sign3A_47 : i32
      %sign3A_49 = arith.constant 0 : i32
      %sign3A_50 = arith.cmpi sgt, %jit3A_40, %sign3A_49 : i32
      %sign3A_51 = arith.extui %sign3A_50 : i1 to i32
      %sign3A_52 = arith.constant 0 : i32
      %sign3A_53 = arith.cmpi slt, %jit3A_40, %sign3A_52 : i32
      %sign3A_54 = arith.extui %sign3A_53 : i1 to i32
      %sign3A_55 = arith.subi %sign3A_51, %sign3A_54 : i32
      %ne3A_56 = arith.cmpi ne, %sign3A_48, %sign3A_55 : i32
      %rem3A_57 = arith.remsi %select_n3A_39, %jit3A_40 : i32
      %ne3A_58 = arith.constant 0 : i32
      %ne3A_59 = arith.cmpi ne, %rem3A_57, %ne3A_58 : i32
      %and3A_60 = arith.andi %ne3A_56, %ne3A_59 : i1
      %sub3A_61 = arith.constant 1 : i32
      %sub3A_62 = arith.subi %div3A_41, %sub3A_61 : i32
      %select_n3A_63 = arith.select %and3A_60, %sub3A_62, %div3A_41 : i32
      "tpu.region"() ({
        %run_scoped3A = tpu.sem_alloc : memref<!tpu.dma_semaphore, #tpu.memory_space<semaphore_mem>>
        %dma_start3A = arith.constant 0 : i32
        %dma_start3A_66 = arith.constant 0 : i32
        %dma_start3A_67 = tpu.memref_slice %arg2[%select_n3A, %select_n3A_39, %dma_start3A, %dma_start3A_66] : memref<8x48x16x4096xf32, #tpu.memory_space<hbm>> -> memref<1x1x16x4096xf32, #tpu.memory_space<hbm>>
        %dma_start3A_68 = tpu.memref_squeeze %dma_start3A_67 : memref<1x1x16x4096xf32, #tpu.memory_space<hbm>> -> memref<16x4096xf32, #tpu.memory_space<hbm>>
        %dma_start3A_69 = arith.constant 0 : i32
        %dma_start3A_70 = arith.constant 0 : i32
        %dma_start3A_71 = tpu.memref_slice %arg2[%select_n3A, %select_n3A_39, %dma_start3A_69, %dma_start3A_70] : memref<8x48x16x4096xf32, #tpu.memory_space<hbm>> -> memref<1x1x16x4096xf32, #tpu.memory_space<hbm>>
        %dma_start3A_72 = tpu.memref_squeeze %dma_start3A_71 : memref<1x1x16x4096xf32, #tpu.memory_space<hbm>> -> memref<16x4096xf32, #tpu.memory_space<hbm>>
        tpu.enqueue_dma source(%dma_start3A_72 : memref<16x4096xf32, #tpu.memory_space<hbm>>) target(%arg6 : memref<16x4096xf32, #tpu.memory_space<vmem>>) target_semaphore(%run_scoped3A : memref<!tpu.dma_semaphore, #tpu.memory_space<semaphore_mem>>)
        %dma_wait3A = arith.constant 0 : i32
        %dma_wait3A_73 = arith.constant 0 : i32
        %dma_wait3A_74 = tpu.memref_slice %arg2[%select_n3A, %select_n3A_39, %dma_wait3A, %dma_wait3A_73] : memref<8x48x16x4096xf32, #tpu.memory_space<hbm>> -> memref<1x1x16x4096xf32, #tpu.memory_space<hbm>>
        %dma_wait3A_75 = tpu.memref_squeeze %dma_wait3A_74 : memref<1x1x16x4096xf32, #tpu.memory_space<hbm>> -> memref<16x4096xf32, #tpu.memory_space<hbm>>
        %dma_wait3A_76 = arith.constant 0 : i32
        %dma_wait3A_77 = arith.constant 0 : i32
        %dma_wait3A_78 = tpu.memref_slice %arg2[%select_n3A, %select_n3A_39, %dma_wait3A_76, %dma_wait3A_77] : memref<8x48x16x4096xf32, #tpu.memory_space<hbm>> -> memref<1x1x16x4096xf32, #tpu.memory_space<hbm>>
        %dma_wait3A_79 = tpu.memref_squeeze %dma_wait3A_78 : memref<1x1x16x4096xf32, #tpu.memory_space<hbm>> -> memref<16x4096xf32, #tpu.memory_space<hbm>>
        tpu.wait_dma2 semaphore(%run_scoped3A : memref<!tpu.dma_semaphore, #tpu.memory_space<semaphore_mem>>) src(%dma_wait3A_79 : memref<16x4096xf32, #tpu.memory_space<hbm>>) dst(%arg6 : memref<16x4096xf32, #tpu.memory_space<vmem>>)
        tpu.yield
      }) : () -> ()
      "tpu.region"() ({
        %run_scoped3A = tpu.sem_alloc : memref<!tpu.dma_semaphore, #tpu.memory_space<semaphore_mem>>
        %dma_start3A = arith.constant 0 : i32
        %dma_start3A_66 = tpu.memref_slice %arg3[%select_n3A, %select_n3A_63, %dma_start3A] : memref<8x12x16384xi32, #tpu.memory_space<hbm>> -> memref<1x1x16384xi32, #tpu.memory_space<hbm>>
        %dma_start3A_67 = tpu.memref_squeeze %dma_start3A_66 : memref<1x1x16384xi32, #tpu.memory_space<hbm>> -> memref<16384xi32, #tpu.memory_space<hbm>>
        %dma_start3A_68 = arith.constant 0 : i32
        %dma_start3A_69 = tpu.memref_slice %arg3[%select_n3A, %select_n3A_63, %dma_start3A_68] : memref<8x12x16384xi32, #tpu.memory_space<hbm>> -> memref<1x1x16384xi32, #tpu.memory_space<hbm>>
        %dma_start3A_70 = tpu.memref_squeeze %dma_start3A_69 : memref<1x1x16384xi32, #tpu.memory_space<hbm>> -> memref<16384xi32, #tpu.memory_space<hbm>>
        tpu.enqueue_dma source(%dma_start3A_70 : memref<16384xi32, #tpu.memory_space<hbm>>) target(%arg7 : memref<16384xi32, #tpu.memory_space<vmem>>) target_semaphore(%run_scoped3A : memref<!tpu.dma_semaphore, #tpu.memory_space<semaphore_mem>>)
        %dma_wait3A = arith.constant 0 : i32
        %dma_wait3A_71 = tpu.memref_slice %arg3[%select_n3A, %select_n3A_63, %dma_wait3A] : memref<8x12x16384xi32, #tpu.memory_space<hbm>> -> memref<1x1x16384xi32, #tpu.memory_space<hbm>>
        %dma_wait3A_72 = tpu.memref_squeeze %dma_wait3A_71 : memref<1x1x16384xi32, #tpu.memory_space<hbm>> -> memref<16384xi32, #tpu.memory_space<hbm>>
        %dma_wait3A_73 = arith.constant 0 : i32
        %dma_wait3A_74 = tpu.memref_slice %arg3[%select_n3A, %select_n3A_63, %dma_wait3A_73] : memref<8x12x16384xi32, #tpu.memory_space<hbm>> -> memref<1x1x16384xi32, #tpu.memory_space<hbm>>
        %dma_wait3A_75 = tpu.memref_squeeze %dma_wait3A_74 : memref<1x1x16384xi32, #tpu.memory_space<hbm>> -> memref<16384xi32, #tpu.memory_space<hbm>>
        tpu.wait_dma2 semaphore(%run_scoped3A : memref<!tpu.dma_semaphore, #tpu.memory_space<semaphore_mem>>) src(%dma_wait3A_75 : memref<16384xi32, #tpu.memory_space<hbm>>) dst(%arg7 : memref<16384xi32, #tpu.memory_space<vmem>>)
        tpu.yield
      }) : () -> ()
      "tpu.region"() ({
        %run_scoped3A = tpu.sem_alloc : memref<!tpu.dma_semaphore, #tpu.memory_space<semaphore_mem>>
        %dma_start3A = arith.constant 0 : i32
        %dma_start3A_66 = tpu.memref_slice %arg4[%select_n3A, %select_n3A_63, %dma_start3A] : memref<8x12x16384xf32, #tpu.memory_space<hbm>> -> memref<1x1x16384xf32, #tpu.memory_space<hbm>>
        %dma_start3A_67 = tpu.memref_squeeze %dma_start3A_66 : memref<1x1x16384xf32, #tpu.memory_space<hbm>> -> memref<16384xf32, #tpu.memory_space<hbm>>
        %dma_start3A_68 = arith.constant 0 : i32
        %dma_start3A_69 = tpu.memref_slice %arg4[%select_n3A, %select_n3A_63, %dma_start3A_68] : memref<8x12x16384xf32, #tpu.memory_space<hbm>> -> memref<1x1x16384xf32, #tpu.memory_space<hbm>>
        %dma_start3A_70 = tpu.memref_squeeze %dma_start3A_69 : memref<1x1x16384xf32, #tpu.memory_space<hbm>> -> memref<16384xf32, #tpu.memory_space<hbm>>
        tpu.enqueue_dma source(%dma_start3A_70 : memref<16384xf32, #tpu.memory_space<hbm>>) target(%arg8 : memref<16384xf32, #tpu.memory_space<vmem>>) target_semaphore(%run_scoped3A : memref<!tpu.dma_semaphore, #tpu.memory_space<semaphore_mem>>)
        %dma_wait3A = arith.constant 0 : i32
        %dma_wait3A_71 = tpu.memref_slice %arg4[%select_n3A, %select_n3A_63, %dma_wait3A] : memref<8x12x16384xf32, #tpu.memory_space<hbm>> -> memref<1x1x16384xf32, #tpu.memory_space<hbm>>
        %dma_wait3A_72 = tpu.memref_squeeze %dma_wait3A_71 : memref<1x1x16384xf32, #tpu.memory_space<hbm>> -> memref<16384xf32, #tpu.memory_space<hbm>>
        %dma_wait3A_73 = arith.constant 0 : i32
        %dma_wait3A_74 = tpu.memref_slice %arg4[%select_n3A, %select_n3A_63, %dma_wait3A_73] : memref<8x12x16384xf32, #tpu.memory_space<hbm>> -> memref<1x1x16384xf32, #tpu.memory_space<hbm>>
        %dma_wait3A_75 = tpu.memref_squeeze %dma_wait3A_74 : memref<1x1x16384xf32, #tpu.memory_space<hbm>> -> memref<16384xf32, #tpu.memory_space<hbm>>
        tpu.wait_dma2 semaphore(%run_scoped3A : memref<!tpu.dma_semaphore, #tpu.memory_space<semaphore_mem>>) src(%dma_wait3A_75 : memref<16384xf32, #tpu.memory_space<hbm>>) dst(%arg8 : memref<16384xf32, #tpu.memory_space<vmem>>)
        tpu.yield
      }) : () -> ()
      %parallel_loop3A = arith.constant 0 : i32
      %parallel_loop3A_64 = arith.constant 64 : i32
      %parallel_loop3A_65 = arith.constant 1 : i32
      scf.for %parallel_loop3A_66 = %parallel_loop3A to %parallel_loop3A_64 step %parallel_loop3A_65  : i32 {
        %parallel_loop3A_67 = arith.constant 16 : i32
        %parallel_loop3A_68 = arith.muli %parallel_loop3A_66, %parallel_loop3A_67 : i32
        %parallel_loop3A_69 = arith.constant 0 : i32
        %parallel_loop3A_70 = arith.addi %parallel_loop3A_69, %parallel_loop3A_68 : i32
        %parallel_loop3A_71 = arith.index_cast %parallel_loop3A_70 : i32 to index
        %parallel_loop3A_72 = tpu.vector_load %arg7[%parallel_loop3A_71] {strides = array<i32>} : memref<16384xi32, #tpu.memory_space<vmem>>, vector<16xi32>,
        %parallel_loop3A_73 = arith.constant 1024 : i32
        %parallel_loop3A_74 = arith.addi %parallel_loop3A_73, %parallel_loop3A_68 : i32
        %parallel_loop3A_75 = arith.index_cast %parallel_loop3A_74 : i32 to index
        %parallel_loop3A_76 = tpu.vector_load %arg7[%parallel_loop3A_75] {strides = array<i32>} : memref<16384xi32, #tpu.memory_space<vmem>>, vector<16xi32>,
        %parallel_loop3A_77 = arith.constant 2048 : i32
        %parallel_loop3A_78 = arith.addi %parallel_loop3A_77, %parallel_loop3A_68 : i32
        %parallel_loop3A_79 = arith.index_cast %parallel_loop3A_78 : i32 to index
        %parallel_loop3A_80 = tpu.vector_load %arg7[%parallel_loop3A_79] {strides = array<i32>} : memref<16384xi32, #tpu.memory_space<vmem>>, vector<16xi32>,
        %parallel_loop3A_81 = arith.constant 3072 : i32
        %parallel_loop3A_82 = arith.addi %parallel_loop3A_81, %parallel_loop3A_68 : i32
        %parallel_loop3A_83 = arith.index_cast %parallel_loop3A_82 : i32 to index
        %parallel_loop3A_84 = tpu.vector_load %arg7[%parallel_loop3A_83] {strides = array<i32>} : memref<16384xi32, #tpu.memory_space<vmem>>, vector<16xi32>,
        %parallel_loop3A_85 = arith.constant 4096 : i32
        %parallel_loop3A_86 = arith.addi %parallel_loop3A_85, %parallel_loop3A_68 : i32
        %parallel_loop3A_87 = arith.index_cast %parallel_loop3A_86 : i32 to index
        %parallel_loop3A_88 = tpu.vector_load %arg7[%parallel_loop3A_87] {strides = array<i32>} : memref<16384xi32, #tpu.memory_space<vmem>>, vector<16xi32>,
        %parallel_loop3A_89 = arith.constant 5120 : i32
        %parallel_loop3A_90 = arith.addi %parallel_loop3A_89, %parallel_loop3A_68 : i32
        %parallel_loop3A_91 = arith.index_cast %parallel_loop3A_90 : i32 to index
        %parallel_loop3A_92 = tpu.vector_load %arg7[%parallel_loop3A_91] {strides = array<i32>} : memref<16384xi32, #tpu.memory_space<vmem>>, vector<16xi32>,
        %parallel_loop3A_93 = arith.constant 6144 : i32
        %parallel_loop3A_94 = arith.addi %parallel_loop3A_93, %parallel_loop3A_68 : i32
        %parallel_loop3A_95 = arith.index_cast %parallel_loop3A_94 : i32 to index
        %parallel_loop3A_96 = tpu.vector_load %arg7[%parallel_loop3A_95] {strides = array<i32>} : memref<16384xi32, #tpu.memory_space<vmem>>, vector<16xi32>,
        %parallel_loop3A_97 = arith.constant 7168 : i32
        %parallel_loop3A_98 = arith.addi %parallel_loop3A_97, %parallel_loop3A_68 : i32
        %parallel_loop3A_99 = arith.index_cast %parallel_loop3A_98 : i32 to index
        %parallel_loop3A_100 = tpu.vector_load %arg7[%parallel_loop3A_99] {strides = array<i32>} : memref<16384xi32, #tpu.memory_space<vmem>>, vector<16xi32>,
        %parallel_loop3A_101 = arith.constant 8192 : i32
        %parallel_loop3A_102 = arith.addi %parallel_loop3A_101, %parallel_loop3A_68 : i32
        %parallel_loop3A_103 = arith.index_cast %parallel_loop3A_102 : i32 to index
        %parallel_loop3A_104 = tpu.vector_load %arg7[%parallel_loop3A_103] {strides = array<i32>} : memref<16384xi32, #tpu.memory_space<vmem>>, vector<16xi32>,
        %parallel_loop3A_105 = arith.constant 9216 : i32
        %parallel_loop3A_106 = arith.addi %parallel_loop3A_105, %parallel_loop3A_68 : i32
        %parallel_loop3A_107 = arith.index_cast %parallel_loop3A_106 : i32 to index
        %parallel_loop3A_108 = tpu.vector_load %arg7[%parallel_loop3A_107] {strides = array<i32>} : memref<16384xi32, #tpu.memory_space<vmem>>, vector<16xi32>,
        %parallel_loop3A_109 = arith.constant 10240 : i32
        %parallel_loop3A_110 = arith.addi %parallel_loop3A_109, %parallel_loop3A_68 : i32
        %parallel_loop3A_111 = arith.index_cast %parallel_loop3A_110 : i32 to index
        %parallel_loop3A_112 = tpu.vector_load %arg7[%parallel_loop3A_111] {strides = array<i32>} : memref<16384xi32, #tpu.memory_space<vmem>>, vector<16xi32>,
        %parallel_loop3A_113 = arith.constant 11264 : i32
        %parallel_loop3A_114 = arith.addi %parallel_loop3A_113, %parallel_loop3A_68 : i32
        %parallel_loop3A_115 = arith.index_cast %parallel_loop3A_114 : i32 to index
        %parallel_loop3A_116 = tpu.vector_load %arg7[%parallel_loop3A_115] {strides = array<i32>} : memref<16384xi32, #tpu.memory_space<vmem>>, vector<16xi32>,
        %parallel_loop3A_117 = arith.constant 12288 : i32
        %parallel_loop3A_118 = arith.addi %parallel_loop3A_117, %parallel_loop3A_68 : i32
        %parallel_loop3A_119 = arith.index_cast %parallel_loop3A_118 : i32 to index
        %parallel_loop3A_120 = tpu.vector_load %arg7[%parallel_loop3A_119] {strides = array<i32>} : memref<16384xi32, #tpu.memory_space<vmem>>, vector<16xi32>,
        %parallel_loop3A_121 = arith.constant 13312 : i32
        %parallel_loop3A_122 = arith.addi %parallel_loop3A_121, %parallel_loop3A_68 : i32
        %parallel_loop3A_123 = arith.index_cast %parallel_loop3A_122 : i32 to index
        %parallel_loop3A_124 = tpu.vector_load %arg7[%parallel_loop3A_123] {strides = array<i32>} : memref<16384xi32, #tpu.memory_space<vmem>>, vector<16xi32>,
        %parallel_loop3A_125 = arith.constant 14336 : i32
        %parallel_loop3A_126 = arith.addi %parallel_loop3A_125, %parallel_loop3A_68 : i32
        %parallel_loop3A_127 = arith.index_cast %parallel_loop3A_126 : i32 to index
        %parallel_loop3A_128 = tpu.vector_load %arg7[%parallel_loop3A_127] {strides = array<i32>} : memref<16384xi32, #tpu.memory_space<vmem>>, vector<16xi32>,
        %parallel_loop3A_129 = arith.constant 15360 : i32
        %parallel_loop3A_130 = arith.addi %parallel_loop3A_129, %parallel_loop3A_68 : i32
        %parallel_loop3A_131 = arith.index_cast %parallel_loop3A_130 : i32 to index
        %parallel_loop3A_132 = tpu.vector_load %arg7[%parallel_loop3A_131] {strides = array<i32>} : memref<16384xi32, #tpu.memory_space<vmem>>, vector<16xi32>,
        %parallel_loop3A_133 = arith.constant 0 : i32
        %parallel_loop3A_134 = arith.addi %parallel_loop3A_133, %parallel_loop3A_68 : i32
        %parallel_loop3A_135 = arith.index_cast %parallel_loop3A_134 : i32 to index
        %parallel_loop3A_136 = tpu.vector_load %arg8[%parallel_loop3A_135] {strides = array<i32>} : memref<16384xf32, #tpu.memory_space<vmem>>, vector<16xf32>,
        %parallel_loop3A_137 = arith.constant 1024 : i32
        %parallel_loop3A_138 = arith.addi %parallel_loop3A_137, %parallel_loop3A_68 : i32
        %parallel_loop3A_139 = arith.index_cast %parallel_loop3A_138 : i32 to index
        %parallel_loop3A_140 = tpu.vector_load %arg8[%parallel_loop3A_139] {strides = array<i32>} : memref<16384xf32, #tpu.memory_space<vmem>>, vector<16xf32>,
        %parallel_loop3A_141 = arith.constant 2048 : i32
        %parallel_loop3A_142 = arith.addi %parallel_loop3A_141, %parallel_loop3A_68 : i32
        %parallel_loop3A_143 = arith.index_cast %parallel_loop3A_142 : i32 to index
        %parallel_loop3A_144 = tpu.vector_load %arg8[%parallel_loop3A_143] {strides = array<i32>} : memref<16384xf32, #tpu.memory_space<vmem>>, vector<16xf32>,
        %parallel_loop3A_145 = arith.constant 3072 : i32
        %parallel_loop3A_146 = arith.addi %parallel_loop3A_145, %parallel_loop3A_68 : i32
        %parallel_loop3A_147 = arith.index_cast %parallel_loop3A_146 : i32 to index
        %parallel_loop3A_148 = tpu.vector_load %arg8[%parallel_loop3A_147] {strides = array<i32>} : memref<16384xf32, #tpu.memory_space<vmem>>, vector<16xf32>,
        %parallel_loop3A_149 = arith.constant 4096 : i32
        %parallel_loop3A_150 = arith.addi %parallel_loop3A_149, %parallel_loop3A_68 : i32
        %parallel_loop3A_151 = arith.index_cast %parallel_loop3A_150 : i32 to index
        %parallel_loop3A_152 = tpu.vector_load %arg8[%parallel_loop3A_151] {strides = array<i32>} : memref<16384xf32, #tpu.memory_space<vmem>>, vector<16xf32>,
        %parallel_loop3A_153 = arith.constant 5120 : i32
        %parallel_loop3A_154 = arith.addi %parallel_loop3A_153, %parallel_loop3A_68 : i32
        %parallel_loop3A_155 = arith.index_cast %parallel_loop3A_154 : i32 to index
        %parallel_loop3A_156 = tpu.vector_load %arg8[%parallel_loop3A_155] {strides = array<i32>} : memref<16384xf32, #tpu.memory_space<vmem>>, vector<16xf32>,
        %parallel_loop3A_157 = arith.constant 6144 : i32
        %parallel_loop3A_158 = arith.addi %parallel_loop3A_157, %parallel_loop3A_68 : i32
        %parallel_loop3A_159 = arith.index_cast %parallel_loop3A_158 : i32 to index
        %parallel_loop3A_160 = tpu.vector_load %arg8[%parallel_loop3A_159] {strides = array<i32>} : memref<16384xf32, #tpu.memory_space<vmem>>, vector<16xf32>,
        %parallel_loop3A_161 = arith.constant 7168 : i32
        %parallel_loop3A_162 = arith.addi %parallel_loop3A_161, %parallel_loop3A_68 : i32
        %parallel_loop3A_163 = arith.index_cast %parallel_loop3A_162 : i32 to index
        %parallel_loop3A_164 = tpu.vector_load %arg8[%parallel_loop3A_163] {strides = array<i32>} : memref<16384xf32, #tpu.memory_space<vmem>>, vector<16xf32>,
        %parallel_loop3A_165 = arith.constant 8192 : i32
        %parallel_loop3A_166 = arith.addi %parallel_loop3A_165, %parallel_loop3A_68 : i32
        %parallel_loop3A_167 = arith.index_cast %parallel_loop3A_166 : i32 to index
        %parallel_loop3A_168 = tpu.vector_load %arg8[%parallel_loop3A_167] {strides = array<i32>} : memref<16384xf32, #tpu.memory_space<vmem>>, vector<16xf32>,
        %parallel_loop3A_169 = arith.constant 9216 : i32
        %parallel_loop3A_170 = arith.addi %parallel_loop3A_169, %parallel_loop3A_68 : i32
        %parallel_loop3A_171 = arith.index_cast %parallel_loop3A_170 : i32 to index
        %parallel_loop3A_172 = tpu.vector_load %arg8[%parallel_loop3A_171] {strides = array<i32>} : memref<16384xf32, #tpu.memory_space<vmem>>, vector<16xf32>,
        %parallel_loop3A_173 = arith.constant 10240 : i32
        %parallel_loop3A_174 = arith.addi %parallel_loop3A_173, %parallel_loop3A_68 : i32
        %parallel_loop3A_175 = arith.index_cast %parallel_loop3A_174 : i32 to index
        %parallel_loop3A_176 = tpu.vector_load %arg8[%parallel_loop3A_175] {strides = array<i32>} : memref<16384xf32, #tpu.memory_space<vmem>>, vector<16xf32>,
        %parallel_loop3A_177 = arith.constant 11264 : i32
        %parallel_loop3A_178 = arith.addi %parallel_loop3A_177, %parallel_loop3A_68 : i32
        %parallel_loop3A_179 = arith.index_cast %parallel_loop3A_178 : i32 to index
        %parallel_loop3A_180 = tpu.vector_load %arg8[%parallel_loop3A_179] {strides = array<i32>} : memref<16384xf32, #tpu.memory_space<vmem>>, vector<16xf32>,
        %parallel_loop3A_181 = arith.constant 12288 : i32
        %parallel_loop3A_182 = arith.addi %parallel_loop3A_181, %parallel_loop3A_68 : i32
        %parallel_loop3A_183 = arith.index_cast %parallel_loop3A_182 : i32 to index
        %parallel_loop3A_184 = tpu.vector_load %arg8[%parallel_loop3A_183] {strides = array<i32>} : memref<16384xf32, #tpu.memory_space<vmem>>, vector<16xf32>,
        %parallel_loop3A_185 = arith.constant 13312 : i32
        %parallel_loop3A_186 = arith.addi %parallel_loop3A_185, %parallel_loop3A_68 : i32
        %parallel_loop3A_187 = arith.index_cast %parallel_loop3A_186 : i32 to index
        %parallel_loop3A_188 = tpu.vector_load %arg8[%parallel_loop3A_187] {strides = array<i32>} : memref<16384xf32, #tpu.memory_space<vmem>>, vector<16xf32>,
        %parallel_loop3A_189 = arith.constant 14336 : i32
        %parallel_loop3A_190 = arith.addi %parallel_loop3A_189, %parallel_loop3A_68 : i32
        %parallel_loop3A_191 = arith.index_cast %parallel_loop3A_190 : i32 to index
        %parallel_loop3A_192 = tpu.vector_load %arg8[%parallel_loop3A_191] {strides = array<i32>} : memref<16384xf32, #tpu.memory_space<vmem>>, vector<16xf32>,
        %parallel_loop3A_193 = arith.constant 15360 : i32
        %parallel_loop3A_194 = arith.addi %parallel_loop3A_193, %parallel_loop3A_68 : i32
        %parallel_loop3A_195 = arith.index_cast %parallel_loop3A_194 : i32 to index
        %parallel_loop3A_196 = tpu.vector_load %arg8[%parallel_loop3A_195] {strides = array<i32>} : memref<16384xf32, #tpu.memory_space<vmem>>, vector<16xf32>,
        %parallel_loop3A_197 = arith.constant 0 : i32
        %parallel_loop3A_198 = vector.broadcast %parallel_loop3A_197 : i32 to vector<16xi32>
        %parallel_loop3A_199 = tpu.vector_load_idx %arg6[%parallel_loop3A_198, %parallel_loop3A_72] : memref<16x4096xf32, #tpu.memory_space<vmem>>[vector<16xi32>, vector<16xi32>], vector<16xf32>,
        %parallel_loop3A_200 = tpu.vector_load_idx %arg6[%parallel_loop3A_198, %parallel_loop3A_76] : memref<16x4096xf32, #tpu.memory_space<vmem>>[vector<16xi32>, vector<16xi32>], vector<16xf32>,
        %parallel_loop3A_201 = tpu.vector_load_idx %arg6[%parallel_loop3A_198, %parallel_loop3A_80] : memref<16x4096xf32, #tpu.memory_space<vmem>>[vector<16xi32>, vector<16xi32>], vector<16xf32>,
        %parallel_loop3A_202 = tpu.vector_load_idx %arg6[%parallel_loop3A_198, %parallel_loop3A_84] : memref<16x4096xf32, #tpu.memory_space<vmem>>[vector<16xi32>, vector<16xi32>], vector<16xf32>,
        %parallel_loop3A_203 = tpu.vector_load_idx %arg6[%parallel_loop3A_198, %parallel_loop3A_88] : memref<16x4096xf32, #tpu.memory_space<vmem>>[vector<16xi32>, vector<16xi32>], vector<16xf32>,
        %parallel_loop3A_204 = tpu.vector_load_idx %arg6[%parallel_loop3A_198, %parallel_loop3A_92] : memref<16x4096xf32, #tpu.memory_space<vmem>>[vector<16xi32>, vector<16xi32>], vector<16xf32>,
        %parallel_loop3A_205 = tpu.vector_load_idx %arg6[%parallel_loop3A_198, %parallel_loop3A_96] : memref<16x4096xf32, #tpu.memory_space<vmem>>[vector<16xi32>, vector<16xi32>], vector<16xf32>,
        %parallel_loop3A_206 = tpu.vector_load_idx %arg6[%parallel_loop3A_198, %parallel_loop3A_100] : memref<16x4096xf32, #tpu.memory_space<vmem>>[vector<16xi32>, vector<16xi32>], vector<16xf32>,
        %parallel_loop3A_207 = tpu.vector_load_idx %arg6[%parallel_loop3A_198, %parallel_loop3A_104] : memref<16x4096xf32, #tpu.memory_space<vmem>>[vector<16xi32>, vector<16xi32>], vector<16xf32>,
        %parallel_loop3A_208 = tpu.vector_load_idx %arg6[%parallel_loop3A_198, %parallel_loop3A_108] : memref<16x4096xf32, #tpu.memory_space<vmem>>[vector<16xi32>, vector<16xi32>], vector<16xf32>,
        %parallel_loop3A_209 = tpu.vector_load_idx %arg6[%parallel_loop3A_198, %parallel_loop3A_112] : memref<16x4096xf32, #tpu.memory_space<vmem>>[vector<16xi32>, vector<16xi32>], vector<16xf32>,
        %parallel_loop3A_210 = tpu.vector_load_idx %arg6[%parallel_loop3A_198, %parallel_loop3A_116] : memref<16x4096xf32, #tpu.memory_space<vmem>>[vector<16xi32>, vector<16xi32>], vector<16xf32>,
        %parallel_loop3A_211 = tpu.vector_load_idx %arg6[%parallel_loop3A_198, %parallel_loop3A_120] : memref<16x4096xf32, #tpu.memory_space<vmem>>[vector<16xi32>, vector<16xi32>], vector<16xf32>,
        %parallel_loop3A_212 = tpu.vector_load_idx %arg6[%parallel_loop3A_198, %parallel_loop3A_124] : memref<16x4096xf32, #tpu.memory_space<vmem>>[vector<16xi32>, vector<16xi32>], vector<16xf32>,
        %parallel_loop3A_213 = tpu.vector_load_idx %arg6[%parallel_loop3A_198, %parallel_loop3A_128] : memref<16x4096xf32, #tpu.memory_space<vmem>>[vector<16xi32>, vector<16xi32>], vector<16xf32>,
        %parallel_loop3A_214 = tpu.vector_load_idx %arg6[%parallel_loop3A_198, %parallel_loop3A_132] : memref<16x4096xf32, #tpu.memory_space<vmem>>[vector<16xi32>, vector<16xi32>], vector<16xf32>,
        %parallel_loop3A_215 = arith.mulf %parallel_loop3A_136, %parallel_loop3A_199 : vector<16xf32>
        %parallel_loop3A_216 = arith.mulf %parallel_loop3A_140, %parallel_loop3A_200 : vector<16xf32>
        %parallel_loop3A_217 = arith.mulf %parallel_loop3A_144, %parallel_loop3A_201 : vector<16xf32>
        %parallel_loop3A_218 = arith.mulf %parallel_loop3A_148, %parallel_loop3A_202 : vector<16xf32>
        %parallel_loop3A_219 = arith.mulf %parallel_loop3A_152, %parallel_loop3A_203 : vector<16xf32>
        %parallel_loop3A_220 = arith.addf %parallel_loop3A_215, %parallel_loop3A_219 : vector<16xf32>
        %parallel_loop3A_221 = arith.mulf %parallel_loop3A_156, %parallel_loop3A_204 : vector<16xf32>
        %parallel_loop3A_222 = arith.addf %parallel_loop3A_216, %parallel_loop3A_221 : vector<16xf32>
        %parallel_loop3A_223 = arith.mulf %parallel_loop3A_160, %parallel_loop3A_205 : vector<16xf32>
        %parallel_loop3A_224 = arith.addf %parallel_loop3A_217, %parallel_loop3A_223 : vector<16xf32>
        %parallel_loop3A_225 = arith.mulf %parallel_loop3A_164, %parallel_loop3A_206 : vector<16xf32>
        %parallel_loop3A_226 = arith.addf %parallel_loop3A_218, %parallel_loop3A_225 : vector<16xf32>
        %parallel_loop3A_227 = arith.mulf %parallel_loop3A_168, %parallel_loop3A_207 : vector<16xf32>
        %parallel_loop3A_228 = arith.addf %parallel_loop3A_220, %parallel_loop3A_227 : vector<16xf32>
        %parallel_loop3A_229 = arith.mulf %parallel_loop3A_172, %parallel_loop3A_208 : vector<16xf32>
        %parallel_loop3A_230 = arith.addf %parallel_loop3A_222, %parallel_loop3A_229 : vector<16xf32>
        %parallel_loop3A_231 = arith.mulf %parallel_loop3A_176, %parallel_loop3A_209 : vector<16xf32>
        %parallel_loop3A_232 = arith.addf %parallel_loop3A_224, %parallel_loop3A_231 : vector<16xf32>
        %parallel_loop3A_233 = arith.mulf %parallel_loop3A_180, %parallel_loop3A_210 : vector<16xf32>
        %parallel_loop3A_234 = arith.addf %parallel_loop3A_226, %parallel_loop3A_233 : vector<16xf32>
        %parallel_loop3A_235 = arith.mulf %parallel_loop3A_184, %parallel_loop3A_211 : vector<16xf32>
        %parallel_loop3A_236 = arith.addf %parallel_loop3A_228, %parallel_loop3A_235 : vector<16xf32>
        %parallel_loop3A_237 = arith.mulf %parallel_loop3A_188, %parallel_loop3A_212 : vector<16xf32>
        %parallel_loop3A_238 = arith.addf %parallel_loop3A_230, %parallel_loop3A_237 : vector<16xf32>
        %parallel_loop3A_239 = arith.mulf %parallel_loop3A_192, %parallel_loop3A_213 : vector<16xf32>
        %parallel_loop3A_240 = arith.addf %parallel_loop3A_232, %parallel_loop3A_239 : vector<16xf32>
        %parallel_loop3A_241 = arith.mulf %parallel_loop3A_196, %parallel_loop3A_214 : vector<16xf32>
        %parallel_loop3A_242 = arith.addf %parallel_loop3A_234, %parallel_loop3A_241 : vector<16xf32>
        %parallel_loop3A_243 = arith.addf %parallel_loop3A_236, %parallel_loop3A_238 : vector<16xf32>
        %parallel_loop3A_244 = arith.addf %parallel_loop3A_240, %parallel_loop3A_242 : vector<16xf32>
        %parallel_loop3A_245 = arith.addf %parallel_loop3A_243, %parallel_loop3A_244 : vector<16xf32>
        %parallel_loop3A_246 = arith.constant 16 : i32
        %parallel_loop3A_247 = arith.muli %parallel_loop3A_66, %parallel_loop3A_246 : i32
        %parallel_loop3A_248 = arith.constant 0 : i32
        %parallel_loop3A_249 = arith.addi %parallel_loop3A_248, %parallel_loop3A_247 : i32
        %parallel_loop3A_250 = arith.index_cast %parallel_loop3A_249 : i32 to index
        %parallel_loop3A_251 = tpu.vector_load %arg9[%parallel_loop3A_250] {strides = array<i32>} : memref<16384xf32, #tpu.memory_space<vmem>>, vector<16xf32>,
        tpu.vector_store %arg9[%parallel_loop3A_250], %parallel_loop3A_245 {strides = array<i32>} : memref<16384xf32, #tpu.memory_space<vmem>>, vector<16xf32>,
        %parallel_loop3A_252 = arith.constant 1 : i32
        %parallel_loop3A_253 = vector.broadcast %parallel_loop3A_252 : i32 to vector<16xi32>
        %parallel_loop3A_254 = tpu.vector_load_idx %arg6[%parallel_loop3A_253, %parallel_loop3A_72] : memref<16x4096xf32, #tpu.memory_space<vmem>>[vector<16xi32>, vector<16xi32>], vector<16xf32>,
        %parallel_loop3A_255 = tpu.vector_load_idx %arg6[%parallel_loop3A_253, %parallel_loop3A_76] : memref<16x4096xf32, #tpu.memory_space<vmem>>[vector<16xi32>, vector<16xi32>], vector<16xf32>,
        %parallel_loop3A_256 = tpu.vector_load_idx %arg6[%parallel_loop3A_253, %parallel_loop3A_80] : memref<16x4096xf32, #tpu.memory_space<vmem>>[vector<16xi32>, vector<16xi32>], vector<16xf32>,
        %parallel_loop3A_257 = tpu.vector_load_idx %arg6[%parallel_loop3A_253, %parallel_loop3A_84] : memref<16x4096xf32, #tpu.memory_space<vmem>>[vector<16xi32>, vector<16xi32>], vector<16xf32>,
        %parallel_loop3A_258 = tpu.vector_load_idx %arg6[%parallel_loop3A_253, %parallel_loop3A_88] : memref<16x4096xf32, #tpu.memory_space<vmem>>[vector<16xi32>, vector<16xi32>], vector<16xf32>,
        %parallel_loop3A_259 = tpu.vector_load_idx %arg6[%parallel_loop3A_253, %parallel_loop3A_92] : memref<16x4096xf32, #tpu.memory_space<vmem>>[vector<16xi32>, vector<16xi32>], vector<16xf32>,
        %parallel_loop3A_260 = tpu.vector_load_idx %arg6[%parallel_loop3A_253, %parallel_loop3A_96] : memref<16x4096xf32, #tpu.memory_space<vmem>>[vector<16xi32>, vector<16xi32>], vector<16xf32>,
        %parallel_loop3A_261 = tpu.vector_load_idx %arg6[%parallel_loop3A_253, %parallel_loop3A_100] : memref<16x4096xf32, #tpu.memory_space<vmem>>[vector<16xi32>, vector<16xi32>], vector<16xf32>,
        %parallel_loop3A_262 = tpu.vector_load_idx %arg6[%parallel_loop3A_253, %parallel_loop3A_104] : memref<16x4096xf32, #tpu.memory_space<vmem>>[vector<16xi32>, vector<16xi32>], vector<16xf32>,
        %parallel_loop3A_263 = tpu.vector_load_idx %arg6[%parallel_loop3A_253, %parallel_loop3A_108] : memref<16x4096xf32, #tpu.memory_space<vmem>>[vector<16xi32>, vector<16xi32>], vector<16xf32>,
        %parallel_loop3A_264 = tpu.vector_load_idx %arg6[%parallel_loop3A_253, %parallel_loop3A_112] : memref<16x4096xf32, #tpu.memory_space<vmem>>[vector<16xi32>, vector<16xi32>], vector<16xf32>,
        %parallel_loop3A_265 = tpu.vector_load_idx %arg6[%parallel_loop3A_253, %parallel_loop3A_116] : memref<16x4096xf32, #tpu.memory_space<vmem>>[vector<16xi32>, vector<16xi32>], vector<16xf32>,
        %parallel_loop3A_266 = tpu.vector_load_idx %arg6[%parallel_loop3A_253, %parallel_loop3A_120] : memref<16x4096xf32, #tpu.memory_space<vmem>>[vector<16xi32>, vector<16xi32>], vector<16xf32>,
        %parallel_loop3A_267 = tpu.vector_load_idx %arg6[%parallel_loop3A_253, %parallel_loop3A_124] : memref<16x4096xf32, #tpu.memory_space<vmem>>[vector<16xi32>, vector<16xi32>], vector<16xf32>,
        %parallel_loop3A_268 = tpu.vector_load_idx %arg6[%parallel_loop3A_253, %parallel_loop3A_128] : memref<16x4096xf32, #tpu.memory_space<vmem>>[vector<16xi32>, vector<16xi32>], vector<16xf32>,
        %parallel_loop3A_269 = tpu.vector_load_idx %arg6[%parallel_loop3A_253, %parallel_loop3A_132] : memref<16x4096xf32, #tpu.memory_space<vmem>>[vector<16xi32>, vector<16xi32>], vector<16xf32>,
        %parallel_loop3A_270 = arith.mulf %parallel_loop3A_136, %parallel_loop3A_254 : vector<16xf32>
        %parallel_loop3A_271 = arith.mulf %parallel_loop3A_140, %parallel_loop3A_255 : vector<16xf32>
        %parallel_loop3A_272 = arith.mulf %parallel_loop3A_144, %parallel_loop3A_256 : vector<16xf32>
        %parallel_loop3A_273 = arith.mulf %parallel_loop3A_148, %parallel_loop3A_257 : vector<16xf32>
        %parallel_loop3A_274 = arith.mulf %parallel_loop3A_152, %parallel_loop3A_258 : vector<16xf32>
        %parallel_loop3A_275 = arith.addf %parallel_loop3A_270, %parallel_loop3A_274 : vector<16xf32>
        %parallel_loop3A_276 = arith.mulf %parallel_loop3A_156, %parallel_loop3A_259 : vector<16xf32>
        %parallel_loop3A_277 = arith.addf %parallel_loop3A_271, %parallel_loop3A_276 : vector<16xf32>
        %parallel_loop3A_278 = arith.mulf %parallel_loop3A_160, %parallel_loop3A_260 : vector<16xf32>
        %parallel_loop3A_279 = arith.addf %parallel_loop3A_272, %parallel_loop3A_278 : vector<16xf32>
        %parallel_loop3A_280 = arith.mulf %parallel_loop3A_164, %parallel_loop3A_261 : vector<16xf32>
        %parallel_loop3A_281 = arith.addf %parallel_loop3A_273, %parallel_loop3A_280 : vector<16xf32>
        %parallel_loop3A_282 = arith.mulf %parallel_loop3A_168, %parallel_loop3A_262 : vector<16xf32>
        %parallel_loop3A_283 = arith.addf %parallel_loop3A_275, %parallel_loop3A_282 : vector<16xf32>
        %parallel_loop3A_284 = arith.mulf %parallel_loop3A_172, %parallel_loop3A_263 : vector<16xf32>
        %parallel_loop3A_285 = arith.addf %parallel_loop3A_277, %parallel_loop3A_284 : vector<16xf32>
        %parallel_loop3A_286 = arith.mulf %parallel_loop3A_176, %parallel_loop3A_264 : vector<16xf32>
        %parallel_loop3A_287 = arith.addf %parallel_loop3A_279, %parallel_loop3A_286 : vector<16xf32>
        %parallel_loop3A_288 = arith.mulf %parallel_loop3A_180, %parallel_loop3A_265 : vector<16xf32>
        %parallel_loop3A_289 = arith.addf %parallel_loop3A_281, %parallel_loop3A_288 : vector<16xf32>
        %parallel_loop3A_290 = arith.mulf %parallel_loop3A_184, %parallel_loop3A_266 : vector<16xf32>
        %parallel_loop3A_291 = arith.addf %parallel_loop3A_283, %parallel_loop3A_290 : vector<16xf32>
        %parallel_loop3A_292 = arith.mulf %parallel_loop3A_188, %parallel_loop3A_267 : vector<16xf32>
        %parallel_loop3A_293 = arith.addf %parallel_loop3A_285, %parallel_loop3A_292 : vector<16xf32>
        %parallel_loop3A_294 = arith.mulf %parallel_loop3A_192, %parallel_loop3A_268 : vector<16xf32>
        %parallel_loop3A_295 = arith.addf %parallel_loop3A_287, %parallel_loop3A_294 : vector<16xf32>
        %parallel_loop3A_296 = arith.mulf %parallel_loop3A_196, %parallel_loop3A_269 : vector<16xf32>
        %parallel_loop3A_297 = arith.addf %parallel_loop3A_289, %parallel_loop3A_296 : vector<16xf32>
        %parallel_loop3A_298 = arith.addf %parallel_loop3A_291, %parallel_loop3A_293 : vector<16xf32>
        %parallel_loop3A_299 = arith.addf %parallel_loop3A_295, %parallel_loop3A_297 : vector<16xf32>
        %parallel_loop3A_300 = arith.addf %parallel_loop3A_298, %parallel_loop3A_299 : vector<16xf32>
        %parallel_loop3A_301 = arith.constant 16 : i32
        %parallel_loop3A_302 = arith.muli %parallel_loop3A_66, %parallel_loop3A_301 : i32
        %parallel_loop3A_303 = arith.constant 1024 : i32
        %parallel_loop3A_304 = arith.addi %parallel_loop3A_303, %parallel_loop3A_302 : i32
        %parallel_loop3A_305 = arith.index_cast %parallel_loop3A_304 : i32 to index
        %parallel_loop3A_306 = tpu.vector_load %arg9[%parallel_loop3A_305] {strides = array<i32>} : memref<16384xf32, #tpu.memory_space<vmem>>, vector<16xf32>,
        tpu.vector_store %arg9[%parallel_loop3A_305], %parallel_loop3A_300 {strides = array<i32>} : memref<16384xf32, #tpu.memory_space<vmem>>, vector<16xf32>,
        %parallel_loop3A_307 = arith.constant 2 : i32
        %parallel_loop3A_308 = vector.broadcast %parallel_loop3A_307 : i32 to vector<16xi32>
        %parallel_loop3A_309 = tpu.vector_load_idx %arg6[%parallel_loop3A_308, %parallel_loop3A_72] : memref<16x4096xf32, #tpu.memory_space<vmem>>[vector<16xi32>, vector<16xi32>], vector<16xf32>,
        %parallel_loop3A_310 = tpu.vector_load_idx %arg6[%parallel_loop3A_308, %parallel_loop3A_76] : memref<16x4096xf32, #tpu.memory_space<vmem>>[vector<16xi32>, vector<16xi32>], vector<16xf32>,
        %parallel_loop3A_311 = tpu.vector_load_idx %arg6[%parallel_loop3A_308, %parallel_loop3A_80] : memref<16x4096xf32, #tpu.memory_space<vmem>>[vector<16xi32>, vector<16xi32>], vector<16xf32>,
        %parallel_loop3A_312 = tpu.vector_load_idx %arg6[%parallel_loop3A_308, %parallel_loop3A_84] : memref<16x4096xf32, #tpu.memory_space<vmem>>[vector<16xi32>, vector<16xi32>], vector<16xf32>,
        %parallel_loop3A_313 = tpu.vector_load_idx %arg6[%parallel_loop3A_308, %parallel_loop3A_88] : memref<16x4096xf32, #tpu.memory_space<vmem>>[vector<16xi32>, vector<16xi32>], vector<16xf32>,
        %parallel_loop3A_314 = tpu.vector_load_idx %arg6[%parallel_loop3A_308, %parallel_loop3A_92] : memref<16x4096xf32, #tpu.memory_space<vmem>>[vector<16xi32>, vector<16xi32>], vector<16xf32>,
        %parallel_loop3A_315 = tpu.vector_load_idx %arg6[%parallel_loop3A_308, %parallel_loop3A_96] : memref<16x4096xf32, #tpu.memory_space<vmem>>[vector<16xi32>, vector<16xi32>], vector<16xf32>,
        %parallel_loop3A_316 = tpu.vector_load_idx %arg6[%parallel_loop3A_308, %parallel_loop3A_100] : memref<16x4096xf32, #tpu.memory_space<vmem>>[vector<16xi32>, vector<16xi32>], vector<16xf32>,
        %parallel_loop3A_317 = tpu.vector_load_idx %arg6[%parallel_loop3A_308, %parallel_loop3A_104] : memref<16x4096xf32, #tpu.memory_space<vmem>>[vector<16xi32>, vector<16xi32>], vector<16xf32>,
        %parallel_loop3A_318 = tpu.vector_load_idx %arg6[%parallel_loop3A_308, %parallel_loop3A_108] : memref<16x4096xf32, #tpu.memory_space<vmem>>[vector<16xi32>, vector<16xi32>], vector<16xf32>,
        %parallel_loop3A_319 = tpu.vector_load_idx %arg6[%parallel_loop3A_308, %parallel_loop3A_112] : memref<16x4096xf32, #tpu.memory_space<vmem>>[vector<16xi32>, vector<16xi32>], vector<16xf32>,
        %parallel_loop3A_320 = tpu.vector_load_idx %arg6[%parallel_loop3A_308, %parallel_loop3A_116] : memref<16x4096xf32, #tpu.memory_space<vmem>>[vector<16xi32>, vector<16xi32>], vector<16xf32>,
        %parallel_loop3A_321 = tpu.vector_load_idx %arg6[%parallel_loop3A_308, %parallel_loop3A_120] : memref<16x4096xf32, #tpu.memory_space<vmem>>[vector<16xi32>, vector<16xi32>], vector<16xf32>,
        %parallel_loop3A_322 = tpu.vector_load_idx %arg6[%parallel_loop3A_308, %parallel_loop3A_124] : memref<16x4096xf32, #tpu.memory_space<vmem>>[vector<16xi32>, vector<16xi32>], vector<16xf32>,
        %parallel_loop3A_323 = tpu.vector_load_idx %arg6[%parallel_loop3A_308, %parallel_loop3A_128] : memref<16x4096xf32, #tpu.memory_space<vmem>>[vector<16xi32>, vector<16xi32>], vector<16xf32>,
        %parallel_loop3A_324 = tpu.vector_load_idx %arg6[%parallel_loop3A_308, %parallel_loop3A_132] : memref<16x4096xf32, #tpu.memory_space<vmem>>[vector<16xi32>, vector<16xi32>], vector<16xf32>,
        %parallel_loop3A_325 = arith.mulf %parallel_loop3A_136, %parallel_loop3A_309 : vector<16xf32>
        %parallel_loop3A_326 = arith.mulf %parallel_loop3A_140, %parallel_loop3A_310 : vector<16xf32>
        %parallel_loop3A_327 = arith.mulf %parallel_loop3A_144, %parallel_loop3A_311 : vector<16xf32>
        %parallel_loop3A_328 = arith.mulf %parallel_loop3A_148, %parallel_loop3A_312 : vector<16xf32>
        %parallel_loop3A_329 = arith.mulf %parallel_loop3A_152, %parallel_loop3A_313 : vector<16xf32>
        %parallel_loop3A_330 = arith.addf %parallel_loop3A_325, %parallel_loop3A_329 : vector<16xf32>
        %parallel_loop3A_331 = arith.mulf %parallel_loop3A_156, %parallel_loop3A_314 : vector<16xf32>
        %parallel_loop3A_332 = arith.addf %parallel_loop3A_326, %parallel_loop3A_331 : vector<16xf32>
        %parallel_loop3A_333 = arith.mulf %parallel_loop3A_160, %parallel_loop3A_315 : vector<16xf32>
        %parallel_loop3A_334 = arith.addf %parallel_loop3A_327, %parallel_loop3A_333 : vector<16xf32>
        %parallel_loop3A_335 = arith.mulf %parallel_loop3A_164, %parallel_loop3A_316 : vector<16xf32>
        %parallel_loop3A_336 = arith.addf %parallel_loop3A_328, %parallel_loop3A_335 : vector<16xf32>
        %parallel_loop3A_337 = arith.mulf %parallel_loop3A_168, %parallel_loop3A_317 : vector<16xf32>
        %parallel_loop3A_338 = arith.addf %parallel_loop3A_330, %parallel_loop3A_337 : vector<16xf32>
        %parallel_loop3A_339 = arith.mulf %parallel_loop3A_172, %parallel_loop3A_318 : vector<16xf32>
        %parallel_loop3A_340 = arith.addf %parallel_loop3A_332, %parallel_loop3A_339 : vector<16xf32>
        %parallel_loop3A_341 = arith.mulf %parallel_loop3A_176, %parallel_loop3A_319 : vector<16xf32>
        %parallel_loop3A_342 = arith.addf %parallel_loop3A_334, %parallel_loop3A_341 : vector<16xf32>
        %parallel_loop3A_343 = arith.mulf %parallel_loop3A_180, %parallel_loop3A_320 : vector<16xf32>
        %parallel_loop3A_344 = arith.addf %parallel_loop3A_336, %parallel_loop3A_343 : vector<16xf32>
        %parallel_loop3A_345 = arith.mulf %parallel_loop3A_184, %parallel_loop3A_321 : vector<16xf32>
        %parallel_loop3A_346 = arith.addf %parallel_loop3A_338, %parallel_loop3A_345 : vector<16xf32>
        %parallel_loop3A_347 = arith.mulf %parallel_loop3A_188, %parallel_loop3A_322 : vector<16xf32>
        %parallel_loop3A_348 = arith.addf %parallel_loop3A_340, %parallel_loop3A_347 : vector<16xf32>
        %parallel_loop3A_349 = arith.mulf %parallel_loop3A_192, %parallel_loop3A_323 : vector<16xf32>
        %parallel_loop3A_350 = arith.addf %parallel_loop3A_342, %parallel_loop3A_349 : vector<16xf32>
        %parallel_loop3A_351 = arith.mulf %parallel_loop3A_196, %parallel_loop3A_324 : vector<16xf32>
        %parallel_loop3A_352 = arith.addf %parallel_loop3A_344, %parallel_loop3A_351 : vector<16xf32>
        %parallel_loop3A_353 = arith.addf %parallel_loop3A_346, %parallel_loop3A_348 : vector<16xf32>
        %parallel_loop3A_354 = arith.addf %parallel_loop3A_350, %parallel_loop3A_352 : vector<16xf32>
        %parallel_loop3A_355 = arith.addf %parallel_loop3A_353, %parallel_loop3A_354 : vector<16xf32>
        %parallel_loop3A_356 = arith.constant 16 : i32
        %parallel_loop3A_357 = arith.muli %parallel_loop3A_66, %parallel_loop3A_356 : i32
        %parallel_loop3A_358 = arith.constant 2048 : i32
        %parallel_loop3A_359 = arith.addi %parallel_loop3A_358, %parallel_loop3A_357 : i32
        %parallel_loop3A_360 = arith.index_cast %parallel_loop3A_359 : i32 to index
        %parallel_loop3A_361 = tpu.vector_load %arg9[%parallel_loop3A_360] {strides = array<i32>} : memref<16384xf32, #tpu.memory_space<vmem>>, vector<16xf32>,
        tpu.vector_store %arg9[%parallel_loop3A_360], %parallel_loop3A_355 {strides = array<i32>} : memref<16384xf32, #tpu.memory_space<vmem>>, vector<16xf32>,
        %parallel_loop3A_362 = arith.constant 3 : i32
        %parallel_loop3A_363 = vector.broadcast %parallel_loop3A_362 : i32 to vector<16xi32>
        %parallel_loop3A_364 = tpu.vector_load_idx %arg6[%parallel_loop3A_363, %parallel_loop3A_72] : memref<16x4096xf32, #tpu.memory_space<vmem>>[vector<16xi32>, vector<16xi32>], vector<16xf32>,
        %parallel_loop3A_365 = tpu.vector_load_idx %arg6[%parallel_loop3A_363, %parallel_loop3A_76] : memref<16x4096xf32, #tpu.memory_space<vmem>>[vector<16xi32>, vector<16xi32>], vector<16xf32>,
        %parallel_loop3A_366 = tpu.vector_load_idx %arg6[%parallel_loop3A_363, %parallel_loop3A_80] : memref<16x4096xf32, #tpu.memory_space<vmem>>[vector<16xi32>, vector<16xi32>], vector<16xf32>,
        %parallel_loop3A_367 = tpu.vector_load_idx %arg6[%parallel_loop3A_363, %parallel_loop3A_84] : memref<16x4096xf32, #tpu.memory_space<vmem>>[vector<16xi32>, vector<16xi32>], vector<16xf32>,
        %parallel_loop3A_368 = tpu.vector_load_idx %arg6[%parallel_loop3A_363, %parallel_loop3A_88] : memref<16x4096xf32, #tpu.memory_space<vmem>>[vector<16xi32>, vector<16xi32>], vector<16xf32>,
        %parallel_loop3A_369 = tpu.vector_load_idx %arg6[%parallel_loop3A_363, %parallel_loop3A_92] : memref<16x4096xf32, #tpu.memory_space<vmem>>[vector<16xi32>, vector<16xi32>], vector<16xf32>,
        %parallel_loop3A_370 = tpu.vector_load_idx %arg6[%parallel_loop3A_363, %parallel_loop3A_96] : memref<16x4096xf32, #tpu.memory_space<vmem>>[vector<16xi32>, vector<16xi32>], vector<16xf32>,
        %parallel_loop3A_371 = tpu.vector_load_idx %arg6[%parallel_loop3A_363, %parallel_loop3A_100] : memref<16x4096xf32, #tpu.memory_space<vmem>>[vector<16xi32>, vector<16xi32>], vector<16xf32>,
        %parallel_loop3A_372 = tpu.vector_load_idx %arg6[%parallel_loop3A_363, %parallel_loop3A_104] : memref<16x4096xf32, #tpu.memory_space<vmem>>[vector<16xi32>, vector<16xi32>], vector<16xf32>,
        %parallel_loop3A_373 = tpu.vector_load_idx %arg6[%parallel_loop3A_363, %parallel_loop3A_108] : memref<16x4096xf32, #tpu.memory_space<vmem>>[vector<16xi32>, vector<16xi32>], vector<16xf32>,
        %parallel_loop3A_374 = tpu.vector_load_idx %arg6[%parallel_loop3A_363, %parallel_loop3A_112] : memref<16x4096xf32, #tpu.memory_space<vmem>>[vector<16xi32>, vector<16xi32>], vector<16xf32>,
        %parallel_loop3A_375 = tpu.vector_load_idx %arg6[%parallel_loop3A_363, %parallel_loop3A_116] : memref<16x4096xf32, #tpu.memory_space<vmem>>[vector<16xi32>, vector<16xi32>], vector<16xf32>,
        %parallel_loop3A_376 = tpu.vector_load_idx %arg6[%parallel_loop3A_363, %parallel_loop3A_120] : memref<16x4096xf32, #tpu.memory_space<vmem>>[vector<16xi32>, vector<16xi32>], vector<16xf32>,
        %parallel_loop3A_377 = tpu.vector_load_idx %arg6[%parallel_loop3A_363, %parallel_loop3A_124] : memref<16x4096xf32, #tpu.memory_space<vmem>>[vector<16xi32>, vector<16xi32>], vector<16xf32>,
        %parallel_loop3A_378 = tpu.vector_load_idx %arg6[%parallel_loop3A_363, %parallel_loop3A_128] : memref<16x4096xf32, #tpu.memory_space<vmem>>[vector<16xi32>, vector<16xi32>], vector<16xf32>,
        %parallel_loop3A_379 = tpu.vector_load_idx %arg6[%parallel_loop3A_363, %parallel_loop3A_132] : memref<16x4096xf32, #tpu.memory_space<vmem>>[vector<16xi32>, vector<16xi32>], vector<16xf32>,
        %parallel_loop3A_380 = arith.mulf %parallel_loop3A_136, %parallel_loop3A_364 : vector<16xf32>
        %parallel_loop3A_381 = arith.mulf %parallel_loop3A_140, %parallel_loop3A_365 : vector<16xf32>
        %parallel_loop3A_382 = arith.mulf %parallel_loop3A_144, %parallel_loop3A_366 : vector<16xf32>
        %parallel_loop3A_383 = arith.mulf %parallel_loop3A_148, %parallel_loop3A_367 : vector<16xf32>
        %parallel_loop3A_384 = arith.mulf %parallel_loop3A_152, %parallel_loop3A_368 : vector<16xf32>
        %parallel_loop3A_385 = arith.addf %parallel_loop3A_380, %parallel_loop3A_384 : vector<16xf32>
        %parallel_loop3A_386 = arith.mulf %parallel_loop3A_156, %parallel_loop3A_369 : vector<16xf32>
        %parallel_loop3A_387 = arith.addf %parallel_loop3A_381, %parallel_loop3A_386 : vector<16xf32>
        %parallel_loop3A_388 = arith.mulf %parallel_loop3A_160, %parallel_loop3A_370 : vector<16xf32>
        %parallel_loop3A_389 = arith.addf %parallel_loop3A_382, %parallel_loop3A_388 : vector<16xf32>
        %parallel_loop3A_390 = arith.mulf %parallel_loop3A_164, %parallel_loop3A_371 : vector<16xf32>
        %parallel_loop3A_391 = arith.addf %parallel_loop3A_383, %parallel_loop3A_390 : vector<16xf32>
        %parallel_loop3A_392 = arith.mulf %parallel_loop3A_168, %parallel_loop3A_372 : vector<16xf32>
        %parallel_loop3A_393 = arith.addf %parallel_loop3A_385, %parallel_loop3A_392 : vector<16xf32>
        %parallel_loop3A_394 = arith.mulf %parallel_loop3A_172, %parallel_loop3A_373 : vector<16xf32>
        %parallel_loop3A_395 = arith.addf %parallel_loop3A_387, %parallel_loop3A_394 : vector<16xf32>
        %parallel_loop3A_396 = arith.mulf %parallel_loop3A_176, %parallel_loop3A_374 : vector<16xf32>
        %parallel_loop3A_397 = arith.addf %parallel_loop3A_389, %parallel_loop3A_396 : vector<16xf32>
        %parallel_loop3A_398 = arith.mulf %parallel_loop3A_180, %parallel_loop3A_375 : vector<16xf32>
        %parallel_loop3A_399 = arith.addf %parallel_loop3A_391, %parallel_loop3A_398 : vector<16xf32>
        %parallel_loop3A_400 = arith.mulf %parallel_loop3A_184, %parallel_loop3A_376 : vector<16xf32>
        %parallel_loop3A_401 = arith.addf %parallel_loop3A_393, %parallel_loop3A_400 : vector<16xf32>
        %parallel_loop3A_402 = arith.mulf %parallel_loop3A_188, %parallel_loop3A_377 : vector<16xf32>
        %parallel_loop3A_403 = arith.addf %parallel_loop3A_395, %parallel_loop3A_402 : vector<16xf32>
        %parallel_loop3A_404 = arith.mulf %parallel_loop3A_192, %parallel_loop3A_378 : vector<16xf32>
        %parallel_loop3A_405 = arith.addf %parallel_loop3A_397, %parallel_loop3A_404 : vector<16xf32>
        %parallel_loop3A_406 = arith.mulf %parallel_loop3A_196, %parallel_loop3A_379 : vector<16xf32>
        %parallel_loop3A_407 = arith.addf %parallel_loop3A_399, %parallel_loop3A_406 : vector<16xf32>
        %parallel_loop3A_408 = arith.addf %parallel_loop3A_401, %parallel_loop3A_403 : vector<16xf32>
        %parallel_loop3A_409 = arith.addf %parallel_loop3A_405, %parallel_loop3A_407 : vector<16xf32>
        %parallel_loop3A_410 = arith.addf %parallel_loop3A_408, %parallel_loop3A_409 : vector<16xf32>
        %parallel_loop3A_411 = arith.constant 16 : i32
        %parallel_loop3A_412 = arith.muli %parallel_loop3A_66, %parallel_loop3A_411 : i32
        %parallel_loop3A_413 = arith.constant 3072 : i32
        %parallel_loop3A_414 = arith.addi %parallel_loop3A_413, %parallel_loop3A_412 : i32
        %parallel_loop3A_415 = arith.index_cast %parallel_loop3A_414 : i32 to index
        %parallel_loop3A_416 = tpu.vector_load %arg9[%parallel_loop3A_415] {strides = array<i32>} : memref<16384xf32, #tpu.memory_space<vmem>>, vector<16xf32>,
        tpu.vector_store %arg9[%parallel_loop3A_415], %parallel_loop3A_410 {strides = array<i32>} : memref<16384xf32, #tpu.memory_space<vmem>>, vector<16xf32>,
        %parallel_loop3A_417 = arith.constant 4 : i32
        %parallel_loop3A_418 = vector.broadcast %parallel_loop3A_417 : i32 to vector<16xi32>
        %parallel_loop3A_419 = tpu.vector_load_idx %arg6[%parallel_loop3A_418, %parallel_loop3A_72] : memref<16x4096xf32, #tpu.memory_space<vmem>>[vector<16xi32>, vector<16xi32>], vector<16xf32>,
        %parallel_loop3A_420 = tpu.vector_load_idx %arg6[%parallel_loop3A_418, %parallel_loop3A_76] : memref<16x4096xf32, #tpu.memory_space<vmem>>[vector<16xi32>, vector<16xi32>], vector<16xf32>,
        %parallel_loop3A_421 = tpu.vector_load_idx %arg6[%parallel_loop3A_418, %parallel_loop3A_80] : memref<16x4096xf32, #tpu.memory_space<vmem>>[vector<16xi32>, vector<16xi32>], vector<16xf32>,
        %parallel_loop3A_422 = tpu.vector_load_idx %arg6[%parallel_loop3A_418, %parallel_loop3A_84] : memref<16x4096xf32, #tpu.memory_space<vmem>>[vector<16xi32>, vector<16xi32>], vector<16xf32>,
        %parallel_loop3A_423 = tpu.vector_load_idx %arg6[%parallel_loop3A_418, %parallel_loop3A_88] : memref<16x4096xf32, #tpu.memory_space<vmem>>[vector<16xi32>, vector<16xi32>], vector<16xf32>,
        %parallel_loop3A_424 = tpu.vector_load_idx %arg6[%parallel_loop3A_418, %parallel_loop3A_92] : memref<16x4096xf32, #tpu.memory_space<vmem>>[vector<16xi32>, vector<16xi32>], vector<16xf32>,
        %parallel_loop3A_425 = tpu.vector_load_idx %arg6[%parallel_loop3A_418, %parallel_loop3A_96] : memref<16x4096xf32, #tpu.memory_space<vmem>>[vector<16xi32>, vector<16xi32>], vector<16xf32>,
        %parallel_loop3A_426 = tpu.vector_load_idx %arg6[%parallel_loop3A_418, %parallel_loop3A_100] : memref<16x4096xf32, #tpu.memory_space<vmem>>[vector<16xi32>, vector<16xi32>], vector<16xf32>,
        %parallel_loop3A_427 = tpu.vector_load_idx %arg6[%parallel_loop3A_418, %parallel_loop3A_104] : memref<16x4096xf32, #tpu.memory_space<vmem>>[vector<16xi32>, vector<16xi32>], vector<16xf32>,
        %parallel_loop3A_428 = tpu.vector_load_idx %arg6[%parallel_loop3A_418, %parallel_loop3A_108] : memref<16x4096xf32, #tpu.memory_space<vmem>>[vector<16xi32>, vector<16xi32>], vector<16xf32>,
        %parallel_loop3A_429 = tpu.vector_load_idx %arg6[%parallel_loop3A_418, %parallel_loop3A_112] : memref<16x4096xf32, #tpu.memory_space<vmem>>[vector<16xi32>, vector<16xi32>], vector<16xf32>,
        %parallel_loop3A_430 = tpu.vector_load_idx %arg6[%parallel_loop3A_418, %parallel_loop3A_116] : memref<16x4096xf32, #tpu.memory_space<vmem>>[vector<16xi32>, vector<16xi32>], vector<16xf32>,
        %parallel_loop3A_431 = tpu.vector_load_idx %arg6[%parallel_loop3A_418, %parallel_loop3A_120] : memref<16x4096xf32, #tpu.memory_space<vmem>>[vector<16xi32>, vector<16xi32>], vector<16xf32>,
        %parallel_loop3A_432 = tpu.vector_load_idx %arg6[%parallel_loop3A_418, %parallel_loop3A_124] : memref<16x4096xf32, #tpu.memory_space<vmem>>[vector<16xi32>, vector<16xi32>], vector<16xf32>,
        %parallel_loop3A_433 = tpu.vector_load_idx %arg6[%parallel_loop3A_418, %parallel_loop3A_128] : memref<16x4096xf32, #tpu.memory_space<vmem>>[vector<16xi32>, vector<16xi32>], vector<16xf32>,
        %parallel_loop3A_434 = tpu.vector_load_idx %arg6[%parallel_loop3A_418, %parallel_loop3A_132] : memref<16x4096xf32, #tpu.memory_space<vmem>>[vector<16xi32>, vector<16xi32>], vector<16xf32>,
        %parallel_loop3A_435 = arith.mulf %parallel_loop3A_136, %parallel_loop3A_419 : vector<16xf32>
        %parallel_loop3A_436 = arith.mulf %parallel_loop3A_140, %parallel_loop3A_420 : vector<16xf32>
        %parallel_loop3A_437 = arith.mulf %parallel_loop3A_144, %parallel_loop3A_421 : vector<16xf32>
        %parallel_loop3A_438 = arith.mulf %parallel_loop3A_148, %parallel_loop3A_422 : vector<16xf32>
        %parallel_loop3A_439 = arith.mulf %parallel_loop3A_152, %parallel_loop3A_423 : vector<16xf32>
        %parallel_loop3A_440 = arith.addf %parallel_loop3A_435, %parallel_loop3A_439 : vector<16xf32>
        %parallel_loop3A_441 = arith.mulf %parallel_loop3A_156, %parallel_loop3A_424 : vector<16xf32>
        %parallel_loop3A_442 = arith.addf %parallel_loop3A_436, %parallel_loop3A_441 : vector<16xf32>
        %parallel_loop3A_443 = arith.mulf %parallel_loop3A_160, %parallel_loop3A_425 : vector<16xf32>
        %parallel_loop3A_444 = arith.addf %parallel_loop3A_437, %parallel_loop3A_443 : vector<16xf32>
        %parallel_loop3A_445 = arith.mulf %parallel_loop3A_164, %parallel_loop3A_426 : vector<16xf32>
        %parallel_loop3A_446 = arith.addf %parallel_loop3A_438, %parallel_loop3A_445 : vector<16xf32>
        %parallel_loop3A_447 = arith.mulf %parallel_loop3A_168, %parallel_loop3A_427 : vector<16xf32>
        %parallel_loop3A_448 = arith.addf %parallel_loop3A_440, %parallel_loop3A_447 : vector<16xf32>
        %parallel_loop3A_449 = arith.mulf %parallel_loop3A_172, %parallel_loop3A_428 : vector<16xf32>
        %parallel_loop3A_450 = arith.addf %parallel_loop3A_442, %parallel_loop3A_449 : vector<16xf32>
        %parallel_loop3A_451 = arith.mulf %parallel_loop3A_176, %parallel_loop3A_429 : vector<16xf32>
        %parallel_loop3A_452 = arith.addf %parallel_loop3A_444, %parallel_loop3A_451 : vector<16xf32>
        %parallel_loop3A_453 = arith.mulf %parallel_loop3A_180, %parallel_loop3A_430 : vector<16xf32>
        %parallel_loop3A_454 = arith.addf %parallel_loop3A_446, %parallel_loop3A_453 : vector<16xf32>
        %parallel_loop3A_455 = arith.mulf %parallel_loop3A_184, %parallel_loop3A_431 : vector<16xf32>
        %parallel_loop3A_456 = arith.addf %parallel_loop3A_448, %parallel_loop3A_455 : vector<16xf32>
        %parallel_loop3A_457 = arith.mulf %parallel_loop3A_188, %parallel_loop3A_432 : vector<16xf32>
        %parallel_loop3A_458 = arith.addf %parallel_loop3A_450, %parallel_loop3A_457 : vector<16xf32>
        %parallel_loop3A_459 = arith.mulf %parallel_loop3A_192, %parallel_loop3A_433 : vector<16xf32>
        %parallel_loop3A_460 = arith.addf %parallel_loop3A_452, %parallel_loop3A_459 : vector<16xf32>
        %parallel_loop3A_461 = arith.mulf %parallel_loop3A_196, %parallel_loop3A_434 : vector<16xf32>
        %parallel_loop3A_462 = arith.addf %parallel_loop3A_454, %parallel_loop3A_461 : vector<16xf32>
        %parallel_loop3A_463 = arith.addf %parallel_loop3A_456, %parallel_loop3A_458 : vector<16xf32>
        %parallel_loop3A_464 = arith.addf %parallel_loop3A_460, %parallel_loop3A_462 : vector<16xf32>
        %parallel_loop3A_465 = arith.addf %parallel_loop3A_463, %parallel_loop3A_464 : vector<16xf32>
        %parallel_loop3A_466 = arith.constant 16 : i32
        %parallel_loop3A_467 = arith.muli %parallel_loop3A_66, %parallel_loop3A_466 : i32
        %parallel_loop3A_468 = arith.constant 4096 : i32
        %parallel_loop3A_469 = arith.addi %parallel_loop3A_468, %parallel_loop3A_467 : i32
        %parallel_loop3A_470 = arith.index_cast %parallel_loop3A_469 : i32 to index
        %parallel_loop3A_471 = tpu.vector_load %arg9[%parallel_loop3A_470] {strides = array<i32>} : memref<16384xf32, #tpu.memory_space<vmem>>, vector<16xf32>,
        tpu.vector_store %arg9[%parallel_loop3A_470], %parallel_loop3A_465 {strides = array<i32>} : memref<16384xf32, #tpu.memory_space<vmem>>, vector<16xf32>,
        %parallel_loop3A_472 = arith.constant 5 : i32
        %parallel_loop3A_473 = vector.broadcast %parallel_loop3A_472 : i32 to vector<16xi32>
        %parallel_loop3A_474 = tpu.vector_load_idx %arg6[%parallel_loop3A_473, %parallel_loop3A_72] : memref<16x4096xf32, #tpu.memory_space<vmem>>[vector<16xi32>, vector<16xi32>], vector<16xf32>,
        %parallel_loop3A_475 = tpu.vector_load_idx %arg6[%parallel_loop3A_473, %parallel_loop3A_76] : memref<16x4096xf32, #tpu.memory_space<vmem>>[vector<16xi32>, vector<16xi32>], vector<16xf32>,
        %parallel_loop3A_476 = tpu.vector_load_idx %arg6[%parallel_loop3A_473, %parallel_loop3A_80] : memref<16x4096xf32, #tpu.memory_space<vmem>>[vector<16xi32>, vector<16xi32>], vector<16xf32>,
        %parallel_loop3A_477 = tpu.vector_load_idx %arg6[%parallel_loop3A_473, %parallel_loop3A_84] : memref<16x4096xf32, #tpu.memory_space<vmem>>[vector<16xi32>, vector<16xi32>], vector<16xf32>,
        %parallel_loop3A_478 = tpu.vector_load_idx %arg6[%parallel_loop3A_473, %parallel_loop3A_88] : memref<16x4096xf32, #tpu.memory_space<vmem>>[vector<16xi32>, vector<16xi32>], vector<16xf32>,
        %parallel_loop3A_479 = tpu.vector_load_idx %arg6[%parallel_loop3A_473, %parallel_loop3A_92] : memref<16x4096xf32, #tpu.memory_space<vmem>>[vector<16xi32>, vector<16xi32>], vector<16xf32>,
        %parallel_loop3A_480 = tpu.vector_load_idx %arg6[%parallel_loop3A_473, %parallel_loop3A_96] : memref<16x4096xf32, #tpu.memory_space<vmem>>[vector<16xi32>, vector<16xi32>], vector<16xf32>,
        %parallel_loop3A_481 = tpu.vector_load_idx %arg6[%parallel_loop3A_473, %parallel_loop3A_100] : memref<16x4096xf32, #tpu.memory_space<vmem>>[vector<16xi32>, vector<16xi32>], vector<16xf32>,
        %parallel_loop3A_482 = tpu.vector_load_idx %arg6[%parallel_loop3A_473, %parallel_loop3A_104] : memref<16x4096xf32, #tpu.memory_space<vmem>>[vector<16xi32>, vector<16xi32>], vector<16xf32>,
        %parallel_loop3A_483 = tpu.vector_load_idx %arg6[%parallel_loop3A_473, %parallel_loop3A_108] : memref<16x4096xf32, #tpu.memory_space<vmem>>[vector<16xi32>, vector<16xi32>], vector<16xf32>,
        %parallel_loop3A_484 = tpu.vector_load_idx %arg6[%parallel_loop3A_473, %parallel_loop3A_112] : memref<16x4096xf32, #tpu.memory_space<vmem>>[vector<16xi32>, vector<16xi32>], vector<16xf32>,
        %parallel_loop3A_485 = tpu.vector_load_idx %arg6[%parallel_loop3A_473, %parallel_loop3A_116] : memref<16x4096xf32, #tpu.memory_space<vmem>>[vector<16xi32>, vector<16xi32>], vector<16xf32>,
        %parallel_loop3A_486 = tpu.vector_load_idx %arg6[%parallel_loop3A_473, %parallel_loop3A_120] : memref<16x4096xf32, #tpu.memory_space<vmem>>[vector<16xi32>, vector<16xi32>], vector<16xf32>,
        %parallel_loop3A_487 = tpu.vector_load_idx %arg6[%parallel_loop3A_473, %parallel_loop3A_124] : memref<16x4096xf32, #tpu.memory_space<vmem>>[vector<16xi32>, vector<16xi32>], vector<16xf32>,
        %parallel_loop3A_488 = tpu.vector_load_idx %arg6[%parallel_loop3A_473, %parallel_loop3A_128] : memref<16x4096xf32, #tpu.memory_space<vmem>>[vector<16xi32>, vector<16xi32>], vector<16xf32>,
        %parallel_loop3A_489 = tpu.vector_load_idx %arg6[%parallel_loop3A_473, %parallel_loop3A_132] : memref<16x4096xf32, #tpu.memory_space<vmem>>[vector<16xi32>, vector<16xi32>], vector<16xf32>,
        %parallel_loop3A_490 = arith.mulf %parallel_loop3A_136, %parallel_loop3A_474 : vector<16xf32>
        %parallel_loop3A_491 = arith.mulf %parallel_loop3A_140, %parallel_loop3A_475 : vector<16xf32>
        %parallel_loop3A_492 = arith.mulf %parallel_loop3A_144, %parallel_loop3A_476 : vector<16xf32>
        %parallel_loop3A_493 = arith.mulf %parallel_loop3A_148, %parallel_loop3A_477 : vector<16xf32>
        %parallel_loop3A_494 = arith.mulf %parallel_loop3A_152, %parallel_loop3A_478 : vector<16xf32>
        %parallel_loop3A_495 = arith.addf %parallel_loop3A_490, %parallel_loop3A_494 : vector<16xf32>
        %parallel_loop3A_496 = arith.mulf %parallel_loop3A_156, %parallel_loop3A_479 : vector<16xf32>
        %parallel_loop3A_497 = arith.addf %parallel_loop3A_491, %parallel_loop3A_496 : vector<16xf32>
        %parallel_loop3A_498 = arith.mulf %parallel_loop3A_160, %parallel_loop3A_480 : vector<16xf32>
        %parallel_loop3A_499 = arith.addf %parallel_loop3A_492, %parallel_loop3A_498 : vector<16xf32>
        %parallel_loop3A_500 = arith.mulf %parallel_loop3A_164, %parallel_loop3A_481 : vector<16xf32>
        %parallel_loop3A_501 = arith.addf %parallel_loop3A_493, %parallel_loop3A_500 : vector<16xf32>
        %parallel_loop3A_502 = arith.mulf %parallel_loop3A_168, %parallel_loop3A_482 : vector<16xf32>
        %parallel_loop3A_503 = arith.addf %parallel_loop3A_495, %parallel_loop3A_502 : vector<16xf32>
        %parallel_loop3A_504 = arith.mulf %parallel_loop3A_172, %parallel_loop3A_483 : vector<16xf32>
        %parallel_loop3A_505 = arith.addf %parallel_loop3A_497, %parallel_loop3A_504 : vector<16xf32>
        %parallel_loop3A_506 = arith.mulf %parallel_loop3A_176, %parallel_loop3A_484 : vector<16xf32>
        %parallel_loop3A_507 = arith.addf %parallel_loop3A_499, %parallel_loop3A_506 : vector<16xf32>
        %parallel_loop3A_508 = arith.mulf %parallel_loop3A_180, %parallel_loop3A_485 : vector<16xf32>
        %parallel_loop3A_509 = arith.addf %parallel_loop3A_501, %parallel_loop3A_508 : vector<16xf32>
        %parallel_loop3A_510 = arith.mulf %parallel_loop3A_184, %parallel_loop3A_486 : vector<16xf32>
        %parallel_loop3A_511 = arith.addf %parallel_loop3A_503, %parallel_loop3A_510 : vector<16xf32>
        %parallel_loop3A_512 = arith.mulf %parallel_loop3A_188, %parallel_loop3A_487 : vector<16xf32>
        %parallel_loop3A_513 = arith.addf %parallel_loop3A_505, %parallel_loop3A_512 : vector<16xf32>
        %parallel_loop3A_514 = arith.mulf %parallel_loop3A_192, %parallel_loop3A_488 : vector<16xf32>
        %parallel_loop3A_515 = arith.addf %parallel_loop3A_507, %parallel_loop3A_514 : vector<16xf32>
        %parallel_loop3A_516 = arith.mulf %parallel_loop3A_196, %parallel_loop3A_489 : vector<16xf32>
        %parallel_loop3A_517 = arith.addf %parallel_loop3A_509, %parallel_loop3A_516 : vector<16xf32>
        %parallel_loop3A_518 = arith.addf %parallel_loop3A_511, %parallel_loop3A_513 : vector<16xf32>
        %parallel_loop3A_519 = arith.addf %parallel_loop3A_515, %parallel_loop3A_517 : vector<16xf32>
        %parallel_loop3A_520 = arith.addf %parallel_loop3A_518, %parallel_loop3A_519 : vector<16xf32>
        %parallel_loop3A_521 = arith.constant 16 : i32
        %parallel_loop3A_522 = arith.muli %parallel_loop3A_66, %parallel_loop3A_521 : i32
        %parallel_loop3A_523 = arith.constant 5120 : i32
        %parallel_loop3A_524 = arith.addi %parallel_loop3A_523, %parallel_loop3A_522 : i32
        %parallel_loop3A_525 = arith.index_cast %parallel_loop3A_524 : i32 to index
        %parallel_loop3A_526 = tpu.vector_load %arg9[%parallel_loop3A_525] {strides = array<i32>} : memref<16384xf32, #tpu.memory_space<vmem>>, vector<16xf32>,
        tpu.vector_store %arg9[%parallel_loop3A_525], %parallel_loop3A_520 {strides = array<i32>} : memref<16384xf32, #tpu.memory_space<vmem>>, vector<16xf32>,
        %parallel_loop3A_527 = arith.constant 6 : i32
        %parallel_loop3A_528 = vector.broadcast %parallel_loop3A_527 : i32 to vector<16xi32>
        %parallel_loop3A_529 = tpu.vector_load_idx %arg6[%parallel_loop3A_528, %parallel_loop3A_72] : memref<16x4096xf32, #tpu.memory_space<vmem>>[vector<16xi32>, vector<16xi32>], vector<16xf32>,
        %parallel_loop3A_530 = tpu.vector_load_idx %arg6[%parallel_loop3A_528, %parallel_loop3A_76] : memref<16x4096xf32, #tpu.memory_space<vmem>>[vector<16xi32>, vector<16xi32>], vector<16xf32>,
        %parallel_loop3A_531 = tpu.vector_load_idx %arg6[%parallel_loop3A_528, %parallel_loop3A_80] : memref<16x4096xf32, #tpu.memory_space<vmem>>[vector<16xi32>, vector<16xi32>], vector<16xf32>,
        %parallel_loop3A_532 = tpu.vector_load_idx %arg6[%parallel_loop3A_528, %parallel_loop3A_84] : memref<16x4096xf32, #tpu.memory_space<vmem>>[vector<16xi32>, vector<16xi32>], vector<16xf32>,
        %parallel_loop3A_533 = tpu.vector_load_idx %arg6[%parallel_loop3A_528, %parallel_loop3A_88] : memref<16x4096xf32, #tpu.memory_space<vmem>>[vector<16xi32>, vector<16xi32>], vector<16xf32>,
        %parallel_loop3A_534 = tpu.vector_load_idx %arg6[%parallel_loop3A_528, %parallel_loop3A_92] : memref<16x4096xf32, #tpu.memory_space<vmem>>[vector<16xi32>, vector<16xi32>], vector<16xf32>,
        %parallel_loop3A_535 = tpu.vector_load_idx %arg6[%parallel_loop3A_528, %parallel_loop3A_96] : memref<16x4096xf32, #tpu.memory_space<vmem>>[vector<16xi32>, vector<16xi32>], vector<16xf32>,
        %parallel_loop3A_536 = tpu.vector_load_idx %arg6[%parallel_loop3A_528, %parallel_loop3A_100] : memref<16x4096xf32, #tpu.memory_space<vmem>>[vector<16xi32>, vector<16xi32>], vector<16xf32>,
        %parallel_loop3A_537 = tpu.vector_load_idx %arg6[%parallel_loop3A_528, %parallel_loop3A_104] : memref<16x4096xf32, #tpu.memory_space<vmem>>[vector<16xi32>, vector<16xi32>], vector<16xf32>,
        %parallel_loop3A_538 = tpu.vector_load_idx %arg6[%parallel_loop3A_528, %parallel_loop3A_108] : memref<16x4096xf32, #tpu.memory_space<vmem>>[vector<16xi32>, vector<16xi32>], vector<16xf32>,
        %parallel_loop3A_539 = tpu.vector_load_idx %arg6[%parallel_loop3A_528, %parallel_loop3A_112] : memref<16x4096xf32, #tpu.memory_space<vmem>>[vector<16xi32>, vector<16xi32>], vector<16xf32>,
        %parallel_loop3A_540 = tpu.vector_load_idx %arg6[%parallel_loop3A_528, %parallel_loop3A_116] : memref<16x4096xf32, #tpu.memory_space<vmem>>[vector<16xi32>, vector<16xi32>], vector<16xf32>,
        %parallel_loop3A_541 = tpu.vector_load_idx %arg6[%parallel_loop3A_528, %parallel_loop3A_120] : memref<16x4096xf32, #tpu.memory_space<vmem>>[vector<16xi32>, vector<16xi32>], vector<16xf32>,
        %parallel_loop3A_542 = tpu.vector_load_idx %arg6[%parallel_loop3A_528, %parallel_loop3A_124] : memref<16x4096xf32, #tpu.memory_space<vmem>>[vector<16xi32>, vector<16xi32>], vector<16xf32>,
        %parallel_loop3A_543 = tpu.vector_load_idx %arg6[%parallel_loop3A_528, %parallel_loop3A_128] : memref<16x4096xf32, #tpu.memory_space<vmem>>[vector<16xi32>, vector<16xi32>], vector<16xf32>,
        %parallel_loop3A_544 = tpu.vector_load_idx %arg6[%parallel_loop3A_528, %parallel_loop3A_132] : memref<16x4096xf32, #tpu.memory_space<vmem>>[vector<16xi32>, vector<16xi32>], vector<16xf32>,
        %parallel_loop3A_545 = arith.mulf %parallel_loop3A_136, %parallel_loop3A_529 : vector<16xf32>
        %parallel_loop3A_546 = arith.mulf %parallel_loop3A_140, %parallel_loop3A_530 : vector<16xf32>
        %parallel_loop3A_547 = arith.mulf %parallel_loop3A_144, %parallel_loop3A_531 : vector<16xf32>
        %parallel_loop3A_548 = arith.mulf %parallel_loop3A_148, %parallel_loop3A_532 : vector<16xf32>
        %parallel_loop3A_549 = arith.mulf %parallel_loop3A_152, %parallel_loop3A_533 : vector<16xf32>
        %parallel_loop3A_550 = arith.addf %parallel_loop3A_545, %parallel_loop3A_549 : vector<16xf32>
        %parallel_loop3A_551 = arith.mulf %parallel_loop3A_156, %parallel_loop3A_534 : vector<16xf32>
        %parallel_loop3A_552 = arith.addf %parallel_loop3A_546, %parallel_loop3A_551 : vector<16xf32>
        %parallel_loop3A_553 = arith.mulf %parallel_loop3A_160, %parallel_loop3A_535 : vector<16xf32>
        %parallel_loop3A_554 = arith.addf %parallel_loop3A_547, %parallel_loop3A_553 : vector<16xf32>
        %parallel_loop3A_555 = arith.mulf %parallel_loop3A_164, %parallel_loop3A_536 : vector<16xf32>
        %parallel_loop3A_556 = arith.addf %parallel_loop3A_548, %parallel_loop3A_555 : vector<16xf32>
        %parallel_loop3A_557 = arith.mulf %parallel_loop3A_168, %parallel_loop3A_537 : vector<16xf32>
        %parallel_loop3A_558 = arith.addf %parallel_loop3A_550, %parallel_loop3A_557 : vector<16xf32>
        %parallel_loop3A_559 = arith.mulf %parallel_loop3A_172, %parallel_loop3A_538 : vector<16xf32>
        %parallel_loop3A_560 = arith.addf %parallel_loop3A_552, %parallel_loop3A_559 : vector<16xf32>
        %parallel_loop3A_561 = arith.mulf %parallel_loop3A_176, %parallel_loop3A_539 : vector<16xf32>
        %parallel_loop3A_562 = arith.addf %parallel_loop3A_554, %parallel_loop3A_561 : vector<16xf32>
        %parallel_loop3A_563 = arith.mulf %parallel_loop3A_180, %parallel_loop3A_540 : vector<16xf32>
        %parallel_loop3A_564 = arith.addf %parallel_loop3A_556, %parallel_loop3A_563 : vector<16xf32>
        %parallel_loop3A_565 = arith.mulf %parallel_loop3A_184, %parallel_loop3A_541 : vector<16xf32>
        %parallel_loop3A_566 = arith.addf %parallel_loop3A_558, %parallel_loop3A_565 : vector<16xf32>
        %parallel_loop3A_567 = arith.mulf %parallel_loop3A_188, %parallel_loop3A_542 : vector<16xf32>
        %parallel_loop3A_568 = arith.addf %parallel_loop3A_560, %parallel_loop3A_567 : vector<16xf32>
        %parallel_loop3A_569 = arith.mulf %parallel_loop3A_192, %parallel_loop3A_543 : vector<16xf32>
        %parallel_loop3A_570 = arith.addf %parallel_loop3A_562, %parallel_loop3A_569 : vector<16xf32>
        %parallel_loop3A_571 = arith.mulf %parallel_loop3A_196, %parallel_loop3A_544 : vector<16xf32>
        %parallel_loop3A_572 = arith.addf %parallel_loop3A_564, %parallel_loop3A_571 : vector<16xf32>
        %parallel_loop3A_573 = arith.addf %parallel_loop3A_566, %parallel_loop3A_568 : vector<16xf32>
        %parallel_loop3A_574 = arith.addf %parallel_loop3A_570, %parallel_loop3A_572 : vector<16xf32>
        %parallel_loop3A_575 = arith.addf %parallel_loop3A_573, %parallel_loop3A_574 : vector<16xf32>
        %parallel_loop3A_576 = arith.constant 16 : i32
        %parallel_loop3A_577 = arith.muli %parallel_loop3A_66, %parallel_loop3A_576 : i32
        %parallel_loop3A_578 = arith.constant 6144 : i32
        %parallel_loop3A_579 = arith.addi %parallel_loop3A_578, %parallel_loop3A_577 : i32
        %parallel_loop3A_580 = arith.index_cast %parallel_loop3A_579 : i32 to index
        %parallel_loop3A_581 = tpu.vector_load %arg9[%parallel_loop3A_580] {strides = array<i32>} : memref<16384xf32, #tpu.memory_space<vmem>>, vector<16xf32>,
        tpu.vector_store %arg9[%parallel_loop3A_580], %parallel_loop3A_575 {strides = array<i32>} : memref<16384xf32, #tpu.memory_space<vmem>>, vector<16xf32>,
        %parallel_loop3A_582 = arith.constant 7 : i32
        %parallel_loop3A_583 = vector.broadcast %parallel_loop3A_582 : i32 to vector<16xi32>
        %parallel_loop3A_584 = tpu.vector_load_idx %arg6[%parallel_loop3A_583, %parallel_loop3A_72] : memref<16x4096xf32, #tpu.memory_space<vmem>>[vector<16xi32>, vector<16xi32>], vector<16xf32>,
        %parallel_loop3A_585 = tpu.vector_load_idx %arg6[%parallel_loop3A_583, %parallel_loop3A_76] : memref<16x4096xf32, #tpu.memory_space<vmem>>[vector<16xi32>, vector<16xi32>], vector<16xf32>,
        %parallel_loop3A_586 = tpu.vector_load_idx %arg6[%parallel_loop3A_583, %parallel_loop3A_80] : memref<16x4096xf32, #tpu.memory_space<vmem>>[vector<16xi32>, vector<16xi32>], vector<16xf32>,
        %parallel_loop3A_587 = tpu.vector_load_idx %arg6[%parallel_loop3A_583, %parallel_loop3A_84] : memref<16x4096xf32, #tpu.memory_space<vmem>>[vector<16xi32>, vector<16xi32>], vector<16xf32>,
        %parallel_loop3A_588 = tpu.vector_load_idx %arg6[%parallel_loop3A_583, %parallel_loop3A_88] : memref<16x4096xf32, #tpu.memory_space<vmem>>[vector<16xi32>, vector<16xi32>], vector<16xf32>,
        %parallel_loop3A_589 = tpu.vector_load_idx %arg6[%parallel_loop3A_583, %parallel_loop3A_92] : memref<16x4096xf32, #tpu.memory_space<vmem>>[vector<16xi32>, vector<16xi32>], vector<16xf32>,
        %parallel_loop3A_590 = tpu.vector_load_idx %arg6[%parallel_loop3A_583, %parallel_loop3A_96] : memref<16x4096xf32, #tpu.memory_space<vmem>>[vector<16xi32>, vector<16xi32>], vector<16xf32>,
        %parallel_loop3A_591 = tpu.vector_load_idx %arg6[%parallel_loop3A_583, %parallel_loop3A_100] : memref<16x4096xf32, #tpu.memory_space<vmem>>[vector<16xi32>, vector<16xi32>], vector<16xf32>,
        %parallel_loop3A_592 = tpu.vector_load_idx %arg6[%parallel_loop3A_583, %parallel_loop3A_104] : memref<16x4096xf32, #tpu.memory_space<vmem>>[vector<16xi32>, vector<16xi32>], vector<16xf32>,
        %parallel_loop3A_593 = tpu.vector_load_idx %arg6[%parallel_loop3A_583, %parallel_loop3A_108] : memref<16x4096xf32, #tpu.memory_space<vmem>>[vector<16xi32>, vector<16xi32>], vector<16xf32>,
        %parallel_loop3A_594 = tpu.vector_load_idx %arg6[%parallel_loop3A_583, %parallel_loop3A_112] : memref<16x4096xf32, #tpu.memory_space<vmem>>[vector<16xi32>, vector<16xi32>], vector<16xf32>,
        %parallel_loop3A_595 = tpu.vector_load_idx %arg6[%parallel_loop3A_583, %parallel_loop3A_116] : memref<16x4096xf32, #tpu.memory_space<vmem>>[vector<16xi32>, vector<16xi32>], vector<16xf32>,
        %parallel_loop3A_596 = tpu.vector_load_idx %arg6[%parallel_loop3A_583, %parallel_loop3A_120] : memref<16x4096xf32, #tpu.memory_space<vmem>>[vector<16xi32>, vector<16xi32>], vector<16xf32>,
        %parallel_loop3A_597 = tpu.vector_load_idx %arg6[%parallel_loop3A_583, %parallel_loop3A_124] : memref<16x4096xf32, #tpu.memory_space<vmem>>[vector<16xi32>, vector<16xi32>], vector<16xf32>,
        %parallel_loop3A_598 = tpu.vector_load_idx %arg6[%parallel_loop3A_583, %parallel_loop3A_128] : memref<16x4096xf32, #tpu.memory_space<vmem>>[vector<16xi32>, vector<16xi32>], vector<16xf32>,
        %parallel_loop3A_599 = tpu.vector_load_idx %arg6[%parallel_loop3A_583, %parallel_loop3A_132] : memref<16x4096xf32, #tpu.memory_space<vmem>>[vector<16xi32>, vector<16xi32>], vector<16xf32>,
        %parallel_loop3A_600 = arith.mulf %parallel_loop3A_136, %parallel_loop3A_584 : vector<16xf32>
        %parallel_loop3A_601 = arith.mulf %parallel_loop3A_140, %parallel_loop3A_585 : vector<16xf32>
        %parallel_loop3A_602 = arith.mulf %parallel_loop3A_144, %parallel_loop3A_586 : vector<16xf32>
        %parallel_loop3A_603 = arith.mulf %parallel_loop3A_148, %parallel_loop3A_587 : vector<16xf32>
        %parallel_loop3A_604 = arith.mulf %parallel_loop3A_152, %parallel_loop3A_588 : vector<16xf32>
        %parallel_loop3A_605 = arith.addf %parallel_loop3A_600, %parallel_loop3A_604 : vector<16xf32>
        %parallel_loop3A_606 = arith.mulf %parallel_loop3A_156, %parallel_loop3A_589 : vector<16xf32>
        %parallel_loop3A_607 = arith.addf %parallel_loop3A_601, %parallel_loop3A_606 : vector<16xf32>
        %parallel_loop3A_608 = arith.mulf %parallel_loop3A_160, %parallel_loop3A_590 : vector<16xf32>
        %parallel_loop3A_609 = arith.addf %parallel_loop3A_602, %parallel_loop3A_608 : vector<16xf32>
        %parallel_loop3A_610 = arith.mulf %parallel_loop3A_164, %parallel_loop3A_591 : vector<16xf32>
        %parallel_loop3A_611 = arith.addf %parallel_loop3A_603, %parallel_loop3A_610 : vector<16xf32>
        %parallel_loop3A_612 = arith.mulf %parallel_loop3A_168, %parallel_loop3A_592 : vector<16xf32>
        %parallel_loop3A_613 = arith.addf %parallel_loop3A_605, %parallel_loop3A_612 : vector<16xf32>
        %parallel_loop3A_614 = arith.mulf %parallel_loop3A_172, %parallel_loop3A_593 : vector<16xf32>
        %parallel_loop3A_615 = arith.addf %parallel_loop3A_607, %parallel_loop3A_614 : vector<16xf32>
        %parallel_loop3A_616 = arith.mulf %parallel_loop3A_176, %parallel_loop3A_594 : vector<16xf32>
        %parallel_loop3A_617 = arith.addf %parallel_loop3A_609, %parallel_loop3A_616 : vector<16xf32>
        %parallel_loop3A_618 = arith.mulf %parallel_loop3A_180, %parallel_loop3A_595 : vector<16xf32>
        %parallel_loop3A_619 = arith.addf %parallel_loop3A_611, %parallel_loop3A_618 : vector<16xf32>
        %parallel_loop3A_620 = arith.mulf %parallel_loop3A_184, %parallel_loop3A_596 : vector<16xf32>
        %parallel_loop3A_621 = arith.addf %parallel_loop3A_613, %parallel_loop3A_620 : vector<16xf32>
        %parallel_loop3A_622 = arith.mulf %parallel_loop3A_188, %parallel_loop3A_597 : vector<16xf32>
        %parallel_loop3A_623 = arith.addf %parallel_loop3A_615, %parallel_loop3A_622 : vector<16xf32>
        %parallel_loop3A_624 = arith.mulf %parallel_loop3A_192, %parallel_loop3A_598 : vector<16xf32>
        %parallel_loop3A_625 = arith.addf %parallel_loop3A_617, %parallel_loop3A_624 : vector<16xf32>
        %parallel_loop3A_626 = arith.mulf %parallel_loop3A_196, %parallel_loop3A_599 : vector<16xf32>
        %parallel_loop3A_627 = arith.addf %parallel_loop3A_619, %parallel_loop3A_626 : vector<16xf32>
        %parallel_loop3A_628 = arith.addf %parallel_loop3A_621, %parallel_loop3A_623 : vector<16xf32>
        %parallel_loop3A_629 = arith.addf %parallel_loop3A_625, %parallel_loop3A_627 : vector<16xf32>
        %parallel_loop3A_630 = arith.addf %parallel_loop3A_628, %parallel_loop3A_629 : vector<16xf32>
        %parallel_loop3A_631 = arith.constant 16 : i32
        %parallel_loop3A_632 = arith.muli %parallel_loop3A_66, %parallel_loop3A_631 : i32
        %parallel_loop3A_633 = arith.constant 7168 : i32
        %parallel_loop3A_634 = arith.addi %parallel_loop3A_633, %parallel_loop3A_632 : i32
        %parallel_loop3A_635 = arith.index_cast %parallel_loop3A_634 : i32 to index
        %parallel_loop3A_636 = tpu.vector_load %arg9[%parallel_loop3A_635] {strides = array<i32>} : memref<16384xf32, #tpu.memory_space<vmem>>, vector<16xf32>,
        tpu.vector_store %arg9[%parallel_loop3A_635], %parallel_loop3A_630 {strides = array<i32>} : memref<16384xf32, #tpu.memory_space<vmem>>, vector<16xf32>,
        %parallel_loop3A_637 = arith.constant 8 : i32
        %parallel_loop3A_638 = vector.broadcast %parallel_loop3A_637 : i32 to vector<16xi32>
        %parallel_loop3A_639 = tpu.vector_load_idx %arg6[%parallel_loop3A_638, %parallel_loop3A_72] : memref<16x4096xf32, #tpu.memory_space<vmem>>[vector<16xi32>, vector<16xi32>], vector<16xf32>,
        %parallel_loop3A_640 = tpu.vector_load_idx %arg6[%parallel_loop3A_638, %parallel_loop3A_76] : memref<16x4096xf32, #tpu.memory_space<vmem>>[vector<16xi32>, vector<16xi32>], vector<16xf32>,
        %parallel_loop3A_641 = tpu.vector_load_idx %arg6[%parallel_loop3A_638, %parallel_loop3A_80] : memref<16x4096xf32, #tpu.memory_space<vmem>>[vector<16xi32>, vector<16xi32>], vector<16xf32>,
        %parallel_loop3A_642 = tpu.vector_load_idx %arg6[%parallel_loop3A_638, %parallel_loop3A_84] : memref<16x4096xf32, #tpu.memory_space<vmem>>[vector<16xi32>, vector<16xi32>], vector<16xf32>,
        %parallel_loop3A_643 = tpu.vector_load_idx %arg6[%parallel_loop3A_638, %parallel_loop3A_88] : memref<16x4096xf32, #tpu.memory_space<vmem>>[vector<16xi32>, vector<16xi32>], vector<16xf32>,
        %parallel_loop3A_644 = tpu.vector_load_idx %arg6[%parallel_loop3A_638, %parallel_loop3A_92] : memref<16x4096xf32, #tpu.memory_space<vmem>>[vector<16xi32>, vector<16xi32>], vector<16xf32>,
        %parallel_loop3A_645 = tpu.vector_load_idx %arg6[%parallel_loop3A_638, %parallel_loop3A_96] : memref<16x4096xf32, #tpu.memory_space<vmem>>[vector<16xi32>, vector<16xi32>], vector<16xf32>,
        %parallel_loop3A_646 = tpu.vector_load_idx %arg6[%parallel_loop3A_638, %parallel_loop3A_100] : memref<16x4096xf32, #tpu.memory_space<vmem>>[vector<16xi32>, vector<16xi32>], vector<16xf32>,
        %parallel_loop3A_647 = tpu.vector_load_idx %arg6[%parallel_loop3A_638, %parallel_loop3A_104] : memref<16x4096xf32, #tpu.memory_space<vmem>>[vector<16xi32>, vector<16xi32>], vector<16xf32>,
        %parallel_loop3A_648 = tpu.vector_load_idx %arg6[%parallel_loop3A_638, %parallel_loop3A_108] : memref<16x4096xf32, #tpu.memory_space<vmem>>[vector<16xi32>, vector<16xi32>], vector<16xf32>,
        %parallel_loop3A_649 = tpu.vector_load_idx %arg6[%parallel_loop3A_638, %parallel_loop3A_112] : memref<16x4096xf32, #tpu.memory_space<vmem>>[vector<16xi32>, vector<16xi32>], vector<16xf32>,
        %parallel_loop3A_650 = tpu.vector_load_idx %arg6[%parallel_loop3A_638, %parallel_loop3A_116] : memref<16x4096xf32, #tpu.memory_space<vmem>>[vector<16xi32>, vector<16xi32>], vector<16xf32>,
        %parallel_loop3A_651 = tpu.vector_load_idx %arg6[%parallel_loop3A_638, %parallel_loop3A_120] : memref<16x4096xf32, #tpu.memory_space<vmem>>[vector<16xi32>, vector<16xi32>], vector<16xf32>,
        %parallel_loop3A_652 = tpu.vector_load_idx %arg6[%parallel_loop3A_638, %parallel_loop3A_124] : memref<16x4096xf32, #tpu.memory_space<vmem>>[vector<16xi32>, vector<16xi32>], vector<16xf32>,
        %parallel_loop3A_653 = tpu.vector_load_idx %arg6[%parallel_loop3A_638, %parallel_loop3A_128] : memref<16x4096xf32, #tpu.memory_space<vmem>>[vector<16xi32>, vector<16xi32>], vector<16xf32>,
        %parallel_loop3A_654 = tpu.vector_load_idx %arg6[%parallel_loop3A_638, %parallel_loop3A_132] : memref<16x4096xf32, #tpu.memory_space<vmem>>[vector<16xi32>, vector<16xi32>], vector<16xf32>,
        %parallel_loop3A_655 = arith.mulf %parallel_loop3A_136, %parallel_loop3A_639 : vector<16xf32>
        %parallel_loop3A_656 = arith.mulf %parallel_loop3A_140, %parallel_loop3A_640 : vector<16xf32>
        %parallel_loop3A_657 = arith.mulf %parallel_loop3A_144, %parallel_loop3A_641 : vector<16xf32>
        %parallel_loop3A_658 = arith.mulf %parallel_loop3A_148, %parallel_loop3A_642 : vector<16xf32>
        %parallel_loop3A_659 = arith.mulf %parallel_loop3A_152, %parallel_loop3A_643 : vector<16xf32>
        %parallel_loop3A_660 = arith.addf %parallel_loop3A_655, %parallel_loop3A_659 : vector<16xf32>
        %parallel_loop3A_661 = arith.mulf %parallel_loop3A_156, %parallel_loop3A_644 : vector<16xf32>
        %parallel_loop3A_662 = arith.addf %parallel_loop3A_656, %parallel_loop3A_661 : vector<16xf32>
        %parallel_loop3A_663 = arith.mulf %parallel_loop3A_160, %parallel_loop3A_645 : vector<16xf32>
        %parallel_loop3A_664 = arith.addf %parallel_loop3A_657, %parallel_loop3A_663 : vector<16xf32>
        %parallel_loop3A_665 = arith.mulf %parallel_loop3A_164, %parallel_loop3A_646 : vector<16xf32>
        %parallel_loop3A_666 = arith.addf %parallel_loop3A_658, %parallel_loop3A_665 : vector<16xf32>
        %parallel_loop3A_667 = arith.mulf %parallel_loop3A_168, %parallel_loop3A_647 : vector<16xf32>
        %parallel_loop3A_668 = arith.addf %parallel_loop3A_660, %parallel_loop3A_667 : vector<16xf32>
        %parallel_loop3A_669 = arith.mulf %parallel_loop3A_172, %parallel_loop3A_648 : vector<16xf32>
        %parallel_loop3A_670 = arith.addf %parallel_loop3A_662, %parallel_loop3A_669 : vector<16xf32>
        %parallel_loop3A_671 = arith.mulf %parallel_loop3A_176, %parallel_loop3A_649 : vector<16xf32>
        %parallel_loop3A_672 = arith.addf %parallel_loop3A_664, %parallel_loop3A_671 : vector<16xf32>
        %parallel_loop3A_673 = arith.mulf %parallel_loop3A_180, %parallel_loop3A_650 : vector<16xf32>
        %parallel_loop3A_674 = arith.addf %parallel_loop3A_666, %parallel_loop3A_673 : vector<16xf32>
        %parallel_loop3A_675 = arith.mulf %parallel_loop3A_184, %parallel_loop3A_651 : vector<16xf32>
        %parallel_loop3A_676 = arith.addf %parallel_loop3A_668, %parallel_loop3A_675 : vector<16xf32>
        %parallel_loop3A_677 = arith.mulf %parallel_loop3A_188, %parallel_loop3A_652 : vector<16xf32>
        %parallel_loop3A_678 = arith.addf %parallel_loop3A_670, %parallel_loop3A_677 : vector<16xf32>
        %parallel_loop3A_679 = arith.mulf %parallel_loop3A_192, %parallel_loop3A_653 : vector<16xf32>
        %parallel_loop3A_680 = arith.addf %parallel_loop3A_672, %parallel_loop3A_679 : vector<16xf32>
        %parallel_loop3A_681 = arith.mulf %parallel_loop3A_196, %parallel_loop3A_654 : vector<16xf32>
        %parallel_loop3A_682 = arith.addf %parallel_loop3A_674, %parallel_loop3A_681 : vector<16xf32>
        %parallel_loop3A_683 = arith.addf %parallel_loop3A_676, %parallel_loop3A_678 : vector<16xf32>
        %parallel_loop3A_684 = arith.addf %parallel_loop3A_680, %parallel_loop3A_682 : vector<16xf32>
        %parallel_loop3A_685 = arith.addf %parallel_loop3A_683, %parallel_loop3A_684 : vector<16xf32>
        %parallel_loop3A_686 = arith.constant 16 : i32
        %parallel_loop3A_687 = arith.muli %parallel_loop3A_66, %parallel_loop3A_686 : i32
        %parallel_loop3A_688 = arith.constant 8192 : i32
        %parallel_loop3A_689 = arith.addi %parallel_loop3A_688, %parallel_loop3A_687 : i32
        %parallel_loop3A_690 = arith.index_cast %parallel_loop3A_689 : i32 to index
        %parallel_loop3A_691 = tpu.vector_load %arg9[%parallel_loop3A_690] {strides = array<i32>} : memref<16384xf32, #tpu.memory_space<vmem>>, vector<16xf32>,
        tpu.vector_store %arg9[%parallel_loop3A_690], %parallel_loop3A_685 {strides = array<i32>} : memref<16384xf32, #tpu.memory_space<vmem>>, vector<16xf32>,
        %parallel_loop3A_692 = arith.constant 9 : i32
        %parallel_loop3A_693 = vector.broadcast %parallel_loop3A_692 : i32 to vector<16xi32>
        %parallel_loop3A_694 = tpu.vector_load_idx %arg6[%parallel_loop3A_693, %parallel_loop3A_72] : memref<16x4096xf32, #tpu.memory_space<vmem>>[vector<16xi32>, vector<16xi32>], vector<16xf32>,
        %parallel_loop3A_695 = tpu.vector_load_idx %arg6[%parallel_loop3A_693, %parallel_loop3A_76] : memref<16x4096xf32, #tpu.memory_space<vmem>>[vector<16xi32>, vector<16xi32>], vector<16xf32>,
        %parallel_loop3A_696 = tpu.vector_load_idx %arg6[%parallel_loop3A_693, %parallel_loop3A_80] : memref<16x4096xf32, #tpu.memory_space<vmem>>[vector<16xi32>, vector<16xi32>], vector<16xf32>,
        %parallel_loop3A_697 = tpu.vector_load_idx %arg6[%parallel_loop3A_693, %parallel_loop3A_84] : memref<16x4096xf32, #tpu.memory_space<vmem>>[vector<16xi32>, vector<16xi32>], vector<16xf32>,
        %parallel_loop3A_698 = tpu.vector_load_idx %arg6[%parallel_loop3A_693, %parallel_loop3A_88] : memref<16x4096xf32, #tpu.memory_space<vmem>>[vector<16xi32>, vector<16xi32>], vector<16xf32>,
        %parallel_loop3A_699 = tpu.vector_load_idx %arg6[%parallel_loop3A_693, %parallel_loop3A_92] : memref<16x4096xf32, #tpu.memory_space<vmem>>[vector<16xi32>, vector<16xi32>], vector<16xf32>,
        %parallel_loop3A_700 = tpu.vector_load_idx %arg6[%parallel_loop3A_693, %parallel_loop3A_96] : memref<16x4096xf32, #tpu.memory_space<vmem>>[vector<16xi32>, vector<16xi32>], vector<16xf32>,
        %parallel_loop3A_701 = tpu.vector_load_idx %arg6[%parallel_loop3A_693, %parallel_loop3A_100] : memref<16x4096xf32, #tpu.memory_space<vmem>>[vector<16xi32>, vector<16xi32>], vector<16xf32>,
        %parallel_loop3A_702 = tpu.vector_load_idx %arg6[%parallel_loop3A_693, %parallel_loop3A_104] : memref<16x4096xf32, #tpu.memory_space<vmem>>[vector<16xi32>, vector<16xi32>], vector<16xf32>,
        %parallel_loop3A_703 = tpu.vector_load_idx %arg6[%parallel_loop3A_693, %parallel_loop3A_108] : memref<16x4096xf32, #tpu.memory_space<vmem>>[vector<16xi32>, vector<16xi32>], vector<16xf32>,
        %parallel_loop3A_704 = tpu.vector_load_idx %arg6[%parallel_loop3A_693, %parallel_loop3A_112] : memref<16x4096xf32, #tpu.memory_space<vmem>>[vector<16xi32>, vector<16xi32>], vector<16xf32>,
        %parallel_loop3A_705 = tpu.vector_load_idx %arg6[%parallel_loop3A_693, %parallel_loop3A_116] : memref<16x4096xf32, #tpu.memory_space<vmem>>[vector<16xi32>, vector<16xi32>], vector<16xf32>,
        %parallel_loop3A_706 = tpu.vector_load_idx %arg6[%parallel_loop3A_693, %parallel_loop3A_120] : memref<16x4096xf32, #tpu.memory_space<vmem>>[vector<16xi32>, vector<16xi32>], vector<16xf32>,
        %parallel_loop3A_707 = tpu.vector_load_idx %arg6[%parallel_loop3A_693, %parallel_loop3A_124] : memref<16x4096xf32, #tpu.memory_space<vmem>>[vector<16xi32>, vector<16xi32>], vector<16xf32>,
        %parallel_loop3A_708 = tpu.vector_load_idx %arg6[%parallel_loop3A_693, %parallel_loop3A_128] : memref<16x4096xf32, #tpu.memory_space<vmem>>[vector<16xi32>, vector<16xi32>], vector<16xf32>,
        %parallel_loop3A_709 = tpu.vector_load_idx %arg6[%parallel_loop3A_693, %parallel_loop3A_132] : memref<16x4096xf32, #tpu.memory_space<vmem>>[vector<16xi32>, vector<16xi32>], vector<16xf32>,
        %parallel_loop3A_710 = arith.mulf %parallel_loop3A_136, %parallel_loop3A_694 : vector<16xf32>
        %parallel_loop3A_711 = arith.mulf %parallel_loop3A_140, %parallel_loop3A_695 : vector<16xf32>
        %parallel_loop3A_712 = arith.mulf %parallel_loop3A_144, %parallel_loop3A_696 : vector<16xf32>
        %parallel_loop3A_713 = arith.mulf %parallel_loop3A_148, %parallel_loop3A_697 : vector<16xf32>
        %parallel_loop3A_714 = arith.mulf %parallel_loop3A_152, %parallel_loop3A_698 : vector<16xf32>
        %parallel_loop3A_715 = arith.addf %parallel_loop3A_710, %parallel_loop3A_714 : vector<16xf32>
        %parallel_loop3A_716 = arith.mulf %parallel_loop3A_156, %parallel_loop3A_699 : vector<16xf32>
        %parallel_loop3A_717 = arith.addf %parallel_loop3A_711, %parallel_loop3A_716 : vector<16xf32>
        %parallel_loop3A_718 = arith.mulf %parallel_loop3A_160, %parallel_loop3A_700 : vector<16xf32>
        %parallel_loop3A_719 = arith.addf %parallel_loop3A_712, %parallel_loop3A_718 : vector<16xf32>
        %parallel_loop3A_720 = arith.mulf %parallel_loop3A_164, %parallel_loop3A_701 : vector<16xf32>
        %parallel_loop3A_721 = arith.addf %parallel_loop3A_713, %parallel_loop3A_720 : vector<16xf32>
        %parallel_loop3A_722 = arith.mulf %parallel_loop3A_168, %parallel_loop3A_702 : vector<16xf32>
        %parallel_loop3A_723 = arith.addf %parallel_loop3A_715, %parallel_loop3A_722 : vector<16xf32>
        %parallel_loop3A_724 = arith.mulf %parallel_loop3A_172, %parallel_loop3A_703 : vector<16xf32>
        %parallel_loop3A_725 = arith.addf %parallel_loop3A_717, %parallel_loop3A_724 : vector<16xf32>
        %parallel_loop3A_726 = arith.mulf %parallel_loop3A_176, %parallel_loop3A_704 : vector<16xf32>
        %parallel_loop3A_727 = arith.addf %parallel_loop3A_719, %parallel_loop3A_726 : vector<16xf32>
        %parallel_loop3A_728 = arith.mulf %parallel_loop3A_180, %parallel_loop3A_705 : vector<16xf32>
        %parallel_loop3A_729 = arith.addf %parallel_loop3A_721, %parallel_loop3A_728 : vector<16xf32>
        %parallel_loop3A_730 = arith.mulf %parallel_loop3A_184, %parallel_loop3A_706 : vector<16xf32>
        %parallel_loop3A_731 = arith.addf %parallel_loop3A_723, %parallel_loop3A_730 : vector<16xf32>
        %parallel_loop3A_732 = arith.mulf %parallel_loop3A_188, %parallel_loop3A_707 : vector<16xf32>
        %parallel_loop3A_733 = arith.addf %parallel_loop3A_725, %parallel_loop3A_732 : vector<16xf32>
        %parallel_loop3A_734 = arith.mulf %parallel_loop3A_192, %parallel_loop3A_708 : vector<16xf32>
        %parallel_loop3A_735 = arith.addf %parallel_loop3A_727, %parallel_loop3A_734 : vector<16xf32>
        %parallel_loop3A_736 = arith.mulf %parallel_loop3A_196, %parallel_loop3A_709 : vector<16xf32>
        %parallel_loop3A_737 = arith.addf %parallel_loop3A_729, %parallel_loop3A_736 : vector<16xf32>
        %parallel_loop3A_738 = arith.addf %parallel_loop3A_731, %parallel_loop3A_733 : vector<16xf32>
        %parallel_loop3A_739 = arith.addf %parallel_loop3A_735, %parallel_loop3A_737 : vector<16xf32>
        %parallel_loop3A_740 = arith.addf %parallel_loop3A_738, %parallel_loop3A_739 : vector<16xf32>
        %parallel_loop3A_741 = arith.constant 16 : i32
        %parallel_loop3A_742 = arith.muli %parallel_loop3A_66, %parallel_loop3A_741 : i32
        %parallel_loop3A_743 = arith.constant 9216 : i32
        %parallel_loop3A_744 = arith.addi %parallel_loop3A_743, %parallel_loop3A_742 : i32
        %parallel_loop3A_745 = arith.index_cast %parallel_loop3A_744 : i32 to index
        %parallel_loop3A_746 = tpu.vector_load %arg9[%parallel_loop3A_745] {strides = array<i32>} : memref<16384xf32, #tpu.memory_space<vmem>>, vector<16xf32>,
        tpu.vector_store %arg9[%parallel_loop3A_745], %parallel_loop3A_740 {strides = array<i32>} : memref<16384xf32, #tpu.memory_space<vmem>>, vector<16xf32>,
        %parallel_loop3A_747 = arith.constant 10 : i32
        %parallel_loop3A_748 = vector.broadcast %parallel_loop3A_747 : i32 to vector<16xi32>
        %parallel_loop3A_749 = tpu.vector_load_idx %arg6[%parallel_loop3A_748, %parallel_loop3A_72] : memref<16x4096xf32, #tpu.memory_space<vmem>>[vector<16xi32>, vector<16xi32>], vector<16xf32>,
        %parallel_loop3A_750 = tpu.vector_load_idx %arg6[%parallel_loop3A_748, %parallel_loop3A_76] : memref<16x4096xf32, #tpu.memory_space<vmem>>[vector<16xi32>, vector<16xi32>], vector<16xf32>,
        %parallel_loop3A_751 = tpu.vector_load_idx %arg6[%parallel_loop3A_748, %parallel_loop3A_80] : memref<16x4096xf32, #tpu.memory_space<vmem>>[vector<16xi32>, vector<16xi32>], vector<16xf32>,
        %parallel_loop3A_752 = tpu.vector_load_idx %arg6[%parallel_loop3A_748, %parallel_loop3A_84] : memref<16x4096xf32, #tpu.memory_space<vmem>>[vector<16xi32>, vector<16xi32>], vector<16xf32>,
        %parallel_loop3A_753 = tpu.vector_load_idx %arg6[%parallel_loop3A_748, %parallel_loop3A_88] : memref<16x4096xf32, #tpu.memory_space<vmem>>[vector<16xi32>, vector<16xi32>], vector<16xf32>,
        %parallel_loop3A_754 = tpu.vector_load_idx %arg6[%parallel_loop3A_748, %parallel_loop3A_92] : memref<16x4096xf32, #tpu.memory_space<vmem>>[vector<16xi32>, vector<16xi32>], vector<16xf32>,
        %parallel_loop3A_755 = tpu.vector_load_idx %arg6[%parallel_loop3A_748, %parallel_loop3A_96] : memref<16x4096xf32, #tpu.memory_space<vmem>>[vector<16xi32>, vector<16xi32>], vector<16xf32>,
        %parallel_loop3A_756 = tpu.vector_load_idx %arg6[%parallel_loop3A_748, %parallel_loop3A_100] : memref<16x4096xf32, #tpu.memory_space<vmem>>[vector<16xi32>, vector<16xi32>], vector<16xf32>,
        %parallel_loop3A_757 = tpu.vector_load_idx %arg6[%parallel_loop3A_748, %parallel_loop3A_104] : memref<16x4096xf32, #tpu.memory_space<vmem>>[vector<16xi32>, vector<16xi32>], vector<16xf32>,
        %parallel_loop3A_758 = tpu.vector_load_idx %arg6[%parallel_loop3A_748, %parallel_loop3A_108] : memref<16x4096xf32, #tpu.memory_space<vmem>>[vector<16xi32>, vector<16xi32>], vector<16xf32>,
        %parallel_loop3A_759 = tpu.vector_load_idx %arg6[%parallel_loop3A_748, %parallel_loop3A_112] : memref<16x4096xf32, #tpu.memory_space<vmem>>[vector<16xi32>, vector<16xi32>], vector<16xf32>,
        %parallel_loop3A_760 = tpu.vector_load_idx %arg6[%parallel_loop3A_748, %parallel_loop3A_116] : memref<16x4096xf32, #tpu.memory_space<vmem>>[vector<16xi32>, vector<16xi32>], vector<16xf32>,
        %parallel_loop3A_761 = tpu.vector_load_idx %arg6[%parallel_loop3A_748, %parallel_loop3A_120] : memref<16x4096xf32, #tpu.memory_space<vmem>>[vector<16xi32>, vector<16xi32>], vector<16xf32>,
        %parallel_loop3A_762 = tpu.vector_load_idx %arg6[%parallel_loop3A_748, %parallel_loop3A_124] : memref<16x4096xf32, #tpu.memory_space<vmem>>[vector<16xi32>, vector<16xi32>], vector<16xf32>,
        %parallel_loop3A_763 = tpu.vector_load_idx %arg6[%parallel_loop3A_748, %parallel_loop3A_128] : memref<16x4096xf32, #tpu.memory_space<vmem>>[vector<16xi32>, vector<16xi32>], vector<16xf32>,
        %parallel_loop3A_764 = tpu.vector_load_idx %arg6[%parallel_loop3A_748, %parallel_loop3A_132] : memref<16x4096xf32, #tpu.memory_space<vmem>>[vector<16xi32>, vector<16xi32>], vector<16xf32>,
        %parallel_loop3A_765 = arith.mulf %parallel_loop3A_136, %parallel_loop3A_749 : vector<16xf32>
        %parallel_loop3A_766 = arith.mulf %parallel_loop3A_140, %parallel_loop3A_750 : vector<16xf32>
        %parallel_loop3A_767 = arith.mulf %parallel_loop3A_144, %parallel_loop3A_751 : vector<16xf32>
        %parallel_loop3A_768 = arith.mulf %parallel_loop3A_148, %parallel_loop3A_752 : vector<16xf32>
        %parallel_loop3A_769 = arith.mulf %parallel_loop3A_152, %parallel_loop3A_753 : vector<16xf32>
        %parallel_loop3A_770 = arith.addf %parallel_loop3A_765, %parallel_loop3A_769 : vector<16xf32>
        %parallel_loop3A_771 = arith.mulf %parallel_loop3A_156, %parallel_loop3A_754 : vector<16xf32>
        %parallel_loop3A_772 = arith.addf %parallel_loop3A_766, %parallel_loop3A_771 : vector<16xf32>
        %parallel_loop3A_773 = arith.mulf %parallel_loop3A_160, %parallel_loop3A_755 : vector<16xf32>
        %parallel_loop3A_774 = arith.addf %parallel_loop3A_767, %parallel_loop3A_773 : vector<16xf32>
        %parallel_loop3A_775 = arith.mulf %parallel_loop3A_164, %parallel_loop3A_756 : vector<16xf32>
        %parallel_loop3A_776 = arith.addf %parallel_loop3A_768, %parallel_loop3A_775 : vector<16xf32>
        %parallel_loop3A_777 = arith.mulf %parallel_loop3A_168, %parallel_loop3A_757 : vector<16xf32>
        %parallel_loop3A_778 = arith.addf %parallel_loop3A_770, %parallel_loop3A_777 : vector<16xf32>
        %parallel_loop3A_779 = arith.mulf %parallel_loop3A_172, %parallel_loop3A_758 : vector<16xf32>
        %parallel_loop3A_780 = arith.addf %parallel_loop3A_772, %parallel_loop3A_779 : vector<16xf32>
        %parallel_loop3A_781 = arith.mulf %parallel_loop3A_176, %parallel_loop3A_759 : vector<16xf32>
        %parallel_loop3A_782 = arith.addf %parallel_loop3A_774, %parallel_loop3A_781 : vector<16xf32>
        %parallel_loop3A_783 = arith.mulf %parallel_loop3A_180, %parallel_loop3A_760 : vector<16xf32>
        %parallel_loop3A_784 = arith.addf %parallel_loop3A_776, %parallel_loop3A_783 : vector<16xf32>
        %parallel_loop3A_785 = arith.mulf %parallel_loop3A_184, %parallel_loop3A_761 : vector<16xf32>
        %parallel_loop3A_786 = arith.addf %parallel_loop3A_778, %parallel_loop3A_785 : vector<16xf32>
        %parallel_loop3A_787 = arith.mulf %parallel_loop3A_188, %parallel_loop3A_762 : vector<16xf32>
        %parallel_loop3A_788 = arith.addf %parallel_loop3A_780, %parallel_loop3A_787 : vector<16xf32>
        %parallel_loop3A_789 = arith.mulf %parallel_loop3A_192, %parallel_loop3A_763 : vector<16xf32>
        %parallel_loop3A_790 = arith.addf %parallel_loop3A_782, %parallel_loop3A_789 : vector<16xf32>
        %parallel_loop3A_791 = arith.mulf %parallel_loop3A_196, %parallel_loop3A_764 : vector<16xf32>
        %parallel_loop3A_792 = arith.addf %parallel_loop3A_784, %parallel_loop3A_791 : vector<16xf32>
        %parallel_loop3A_793 = arith.addf %parallel_loop3A_786, %parallel_loop3A_788 : vector<16xf32>
        %parallel_loop3A_794 = arith.addf %parallel_loop3A_790, %parallel_loop3A_792 : vector<16xf32>
        %parallel_loop3A_795 = arith.addf %parallel_loop3A_793, %parallel_loop3A_794 : vector<16xf32>
        %parallel_loop3A_796 = arith.constant 16 : i32
        %parallel_loop3A_797 = arith.muli %parallel_loop3A_66, %parallel_loop3A_796 : i32
        %parallel_loop3A_798 = arith.constant 10240 : i32
        %parallel_loop3A_799 = arith.addi %parallel_loop3A_798, %parallel_loop3A_797 : i32
        %parallel_loop3A_800 = arith.index_cast %parallel_loop3A_799 : i32 to index
        %parallel_loop3A_801 = tpu.vector_load %arg9[%parallel_loop3A_800] {strides = array<i32>} : memref<16384xf32, #tpu.memory_space<vmem>>, vector<16xf32>,
        tpu.vector_store %arg9[%parallel_loop3A_800], %parallel_loop3A_795 {strides = array<i32>} : memref<16384xf32, #tpu.memory_space<vmem>>, vector<16xf32>,
        %parallel_loop3A_802 = arith.constant 11 : i32
        %parallel_loop3A_803 = vector.broadcast %parallel_loop3A_802 : i32 to vector<16xi32>
        %parallel_loop3A_804 = tpu.vector_load_idx %arg6[%parallel_loop3A_803, %parallel_loop3A_72] : memref<16x4096xf32, #tpu.memory_space<vmem>>[vector<16xi32>, vector<16xi32>], vector<16xf32>,
        %parallel_loop3A_805 = tpu.vector_load_idx %arg6[%parallel_loop3A_803, %parallel_loop3A_76] : memref<16x4096xf32, #tpu.memory_space<vmem>>[vector<16xi32>, vector<16xi32>], vector<16xf32>,
        %parallel_loop3A_806 = tpu.vector_load_idx %arg6[%parallel_loop3A_803, %parallel_loop3A_80] : memref<16x4096xf32, #tpu.memory_space<vmem>>[vector<16xi32>, vector<16xi32>], vector<16xf32>,
        %parallel_loop3A_807 = tpu.vector_load_idx %arg6[%parallel_loop3A_803, %parallel_loop3A_84] : memref<16x4096xf32, #tpu.memory_space<vmem>>[vector<16xi32>, vector<16xi32>], vector<16xf32>,
        %parallel_loop3A_808 = tpu.vector_load_idx %arg6[%parallel_loop3A_803, %parallel_loop3A_88] : memref<16x4096xf32, #tpu.memory_space<vmem>>[vector<16xi32>, vector<16xi32>], vector<16xf32>,
        %parallel_loop3A_809 = tpu.vector_load_idx %arg6[%parallel_loop3A_803, %parallel_loop3A_92] : memref<16x4096xf32, #tpu.memory_space<vmem>>[vector<16xi32>, vector<16xi32>], vector<16xf32>,
        %parallel_loop3A_810 = tpu.vector_load_idx %arg6[%parallel_loop3A_803, %parallel_loop3A_96] : memref<16x4096xf32, #tpu.memory_space<vmem>>[vector<16xi32>, vector<16xi32>], vector<16xf32>,
        %parallel_loop3A_811 = tpu.vector_load_idx %arg6[%parallel_loop3A_803, %parallel_loop3A_100] : memref<16x4096xf32, #tpu.memory_space<vmem>>[vector<16xi32>, vector<16xi32>], vector<16xf32>,
        %parallel_loop3A_812 = tpu.vector_load_idx %arg6[%parallel_loop3A_803, %parallel_loop3A_104] : memref<16x4096xf32, #tpu.memory_space<vmem>>[vector<16xi32>, vector<16xi32>], vector<16xf32>,
        %parallel_loop3A_813 = tpu.vector_load_idx %arg6[%parallel_loop3A_803, %parallel_loop3A_108] : memref<16x4096xf32, #tpu.memory_space<vmem>>[vector<16xi32>, vector<16xi32>], vector<16xf32>,
        %parallel_loop3A_814 = tpu.vector_load_idx %arg6[%parallel_loop3A_803, %parallel_loop3A_112] : memref<16x4096xf32, #tpu.memory_space<vmem>>[vector<16xi32>, vector<16xi32>], vector<16xf32>,
        %parallel_loop3A_815 = tpu.vector_load_idx %arg6[%parallel_loop3A_803, %parallel_loop3A_116] : memref<16x4096xf32, #tpu.memory_space<vmem>>[vector<16xi32>, vector<16xi32>], vector<16xf32>,
        %parallel_loop3A_816 = tpu.vector_load_idx %arg6[%parallel_loop3A_803, %parallel_loop3A_120] : memref<16x4096xf32, #tpu.memory_space<vmem>>[vector<16xi32>, vector<16xi32>], vector<16xf32>,
        %parallel_loop3A_817 = tpu.vector_load_idx %arg6[%parallel_loop3A_803, %parallel_loop3A_124] : memref<16x4096xf32, #tpu.memory_space<vmem>>[vector<16xi32>, vector<16xi32>], vector<16xf32>,
        %parallel_loop3A_818 = tpu.vector_load_idx %arg6[%parallel_loop3A_803, %parallel_loop3A_128] : memref<16x4096xf32, #tpu.memory_space<vmem>>[vector<16xi32>, vector<16xi32>], vector<16xf32>,
        %parallel_loop3A_819 = tpu.vector_load_idx %arg6[%parallel_loop3A_803, %parallel_loop3A_132] : memref<16x4096xf32, #tpu.memory_space<vmem>>[vector<16xi32>, vector<16xi32>], vector<16xf32>,
        %parallel_loop3A_820 = arith.mulf %parallel_loop3A_136, %parallel_loop3A_804 : vector<16xf32>
        %parallel_loop3A_821 = arith.mulf %parallel_loop3A_140, %parallel_loop3A_805 : vector<16xf32>
        %parallel_loop3A_822 = arith.mulf %parallel_loop3A_144, %parallel_loop3A_806 : vector<16xf32>
        %parallel_loop3A_823 = arith.mulf %parallel_loop3A_148, %parallel_loop3A_807 : vector<16xf32>
        %parallel_loop3A_824 = arith.mulf %parallel_loop3A_152, %parallel_loop3A_808 : vector<16xf32>
        %parallel_loop3A_825 = arith.addf %parallel_loop3A_820, %parallel_loop3A_824 : vector<16xf32>
        %parallel_loop3A_826 = arith.mulf %parallel_loop3A_156, %parallel_loop3A_809 : vector<16xf32>
        %parallel_loop3A_827 = arith.addf %parallel_loop3A_821, %parallel_loop3A_826 : vector<16xf32>
        %parallel_loop3A_828 = arith.mulf %parallel_loop3A_160, %parallel_loop3A_810 : vector<16xf32>
        %parallel_loop3A_829 = arith.addf %parallel_loop3A_822, %parallel_loop3A_828 : vector<16xf32>
        %parallel_loop3A_830 = arith.mulf %parallel_loop3A_164, %parallel_loop3A_811 : vector<16xf32>
        %parallel_loop3A_831 = arith.addf %parallel_loop3A_823, %parallel_loop3A_830 : vector<16xf32>
        %parallel_loop3A_832 = arith.mulf %parallel_loop3A_168, %parallel_loop3A_812 : vector<16xf32>
        %parallel_loop3A_833 = arith.addf %parallel_loop3A_825, %parallel_loop3A_832 : vector<16xf32>
        %parallel_loop3A_834 = arith.mulf %parallel_loop3A_172, %parallel_loop3A_813 : vector<16xf32>
        %parallel_loop3A_835 = arith.addf %parallel_loop3A_827, %parallel_loop3A_834 : vector<16xf32>
        %parallel_loop3A_836 = arith.mulf %parallel_loop3A_176, %parallel_loop3A_814 : vector<16xf32>
        %parallel_loop3A_837 = arith.addf %parallel_loop3A_829, %parallel_loop3A_836 : vector<16xf32>
        %parallel_loop3A_838 = arith.mulf %parallel_loop3A_180, %parallel_loop3A_815 : vector<16xf32>
        %parallel_loop3A_839 = arith.addf %parallel_loop3A_831, %parallel_loop3A_838 : vector<16xf32>
        %parallel_loop3A_840 = arith.mulf %parallel_loop3A_184, %parallel_loop3A_816 : vector<16xf32>
        %parallel_loop3A_841 = arith.addf %parallel_loop3A_833, %parallel_loop3A_840 : vector<16xf32>
        %parallel_loop3A_842 = arith.mulf %parallel_loop3A_188, %parallel_loop3A_817 : vector<16xf32>
        %parallel_loop3A_843 = arith.addf %parallel_loop3A_835, %parallel_loop3A_842 : vector<16xf32>
        %parallel_loop3A_844 = arith.mulf %parallel_loop3A_192, %parallel_loop3A_818 : vector<16xf32>
        %parallel_loop3A_845 = arith.addf %parallel_loop3A_837, %parallel_loop3A_844 : vector<16xf32>
        %parallel_loop3A_846 = arith.mulf %parallel_loop3A_196, %parallel_loop3A_819 : vector<16xf32>
        %parallel_loop3A_847 = arith.addf %parallel_loop3A_839, %parallel_loop3A_846 : vector<16xf32>
        %parallel_loop3A_848 = arith.addf %parallel_loop3A_841, %parallel_loop3A_843 : vector<16xf32>
        %parallel_loop3A_849 = arith.addf %parallel_loop3A_845, %parallel_loop3A_847 : vector<16xf32>
        %parallel_loop3A_850 = arith.addf %parallel_loop3A_848, %parallel_loop3A_849 : vector<16xf32>
        %parallel_loop3A_851 = arith.constant 16 : i32
        %parallel_loop3A_852 = arith.muli %parallel_loop3A_66, %parallel_loop3A_851 : i32
        %parallel_loop3A_853 = arith.constant 11264 : i32
        %parallel_loop3A_854 = arith.addi %parallel_loop3A_853, %parallel_loop3A_852 : i32
        %parallel_loop3A_855 = arith.index_cast %parallel_loop3A_854 : i32 to index
        %parallel_loop3A_856 = tpu.vector_load %arg9[%parallel_loop3A_855] {strides = array<i32>} : memref<16384xf32, #tpu.memory_space<vmem>>, vector<16xf32>,
        tpu.vector_store %arg9[%parallel_loop3A_855], %parallel_loop3A_850 {strides = array<i32>} : memref<16384xf32, #tpu.memory_space<vmem>>, vector<16xf32>,
        %parallel_loop3A_857 = arith.constant 12 : i32
        %parallel_loop3A_858 = vector.broadcast %parallel_loop3A_857 : i32 to vector<16xi32>
        %parallel_loop3A_859 = tpu.vector_load_idx %arg6[%parallel_loop3A_858, %parallel_loop3A_72] : memref<16x4096xf32, #tpu.memory_space<vmem>>[vector<16xi32>, vector<16xi32>], vector<16xf32>,
        %parallel_loop3A_860 = tpu.vector_load_idx %arg6[%parallel_loop3A_858, %parallel_loop3A_76] : memref<16x4096xf32, #tpu.memory_space<vmem>>[vector<16xi32>, vector<16xi32>], vector<16xf32>,
        %parallel_loop3A_861 = tpu.vector_load_idx %arg6[%parallel_loop3A_858, %parallel_loop3A_80] : memref<16x4096xf32, #tpu.memory_space<vmem>>[vector<16xi32>, vector<16xi32>], vector<16xf32>,
        %parallel_loop3A_862 = tpu.vector_load_idx %arg6[%parallel_loop3A_858, %parallel_loop3A_84] : memref<16x4096xf32, #tpu.memory_space<vmem>>[vector<16xi32>, vector<16xi32>], vector<16xf32>,
        %parallel_loop3A_863 = tpu.vector_load_idx %arg6[%parallel_loop3A_858, %parallel_loop3A_88] : memref<16x4096xf32, #tpu.memory_space<vmem>>[vector<16xi32>, vector<16xi32>], vector<16xf32>,
        %parallel_loop3A_864 = tpu.vector_load_idx %arg6[%parallel_loop3A_858, %parallel_loop3A_92] : memref<16x4096xf32, #tpu.memory_space<vmem>>[vector<16xi32>, vector<16xi32>], vector<16xf32>,
        %parallel_loop3A_865 = tpu.vector_load_idx %arg6[%parallel_loop3A_858, %parallel_loop3A_96] : memref<16x4096xf32, #tpu.memory_space<vmem>>[vector<16xi32>, vector<16xi32>], vector<16xf32>,
        %parallel_loop3A_866 = tpu.vector_load_idx %arg6[%parallel_loop3A_858, %parallel_loop3A_100] : memref<16x4096xf32, #tpu.memory_space<vmem>>[vector<16xi32>, vector<16xi32>], vector<16xf32>,
        %parallel_loop3A_867 = tpu.vector_load_idx %arg6[%parallel_loop3A_858, %parallel_loop3A_104] : memref<16x4096xf32, #tpu.memory_space<vmem>>[vector<16xi32>, vector<16xi32>], vector<16xf32>,
        %parallel_loop3A_868 = tpu.vector_load_idx %arg6[%parallel_loop3A_858, %parallel_loop3A_108] : memref<16x4096xf32, #tpu.memory_space<vmem>>[vector<16xi32>, vector<16xi32>], vector<16xf32>,
        %parallel_loop3A_869 = tpu.vector_load_idx %arg6[%parallel_loop3A_858, %parallel_loop3A_112] : memref<16x4096xf32, #tpu.memory_space<vmem>>[vector<16xi32>, vector<16xi32>], vector<16xf32>,
        %parallel_loop3A_870 = tpu.vector_load_idx %arg6[%parallel_loop3A_858, %parallel_loop3A_116] : memref<16x4096xf32, #tpu.memory_space<vmem>>[vector<16xi32>, vector<16xi32>], vector<16xf32>,
        %parallel_loop3A_871 = tpu.vector_load_idx %arg6[%parallel_loop3A_858, %parallel_loop3A_120] : memref<16x4096xf32, #tpu.memory_space<vmem>>[vector<16xi32>, vector<16xi32>], vector<16xf32>,
        %parallel_loop3A_872 = tpu.vector_load_idx %arg6[%parallel_loop3A_858, %parallel_loop3A_124] : memref<16x4096xf32, #tpu.memory_space<vmem>>[vector<16xi32>, vector<16xi32>], vector<16xf32>,
        %parallel_loop3A_873 = tpu.vector_load_idx %arg6[%parallel_loop3A_858, %parallel_loop3A_128] : memref<16x4096xf32, #tpu.memory_space<vmem>>[vector<16xi32>, vector<16xi32>], vector<16xf32>,
        %parallel_loop3A_874 = tpu.vector_load_idx %arg6[%parallel_loop3A_858, %parallel_loop3A_132] : memref<16x4096xf32, #tpu.memory_space<vmem>>[vector<16xi32>, vector<16xi32>], vector<16xf32>,
        %parallel_loop3A_875 = arith.mulf %parallel_loop3A_136, %parallel_loop3A_859 : vector<16xf32>
        %parallel_loop3A_876 = arith.mulf %parallel_loop3A_140, %parallel_loop3A_860 : vector<16xf32>
        %parallel_loop3A_877 = arith.mulf %parallel_loop3A_144, %parallel_loop3A_861 : vector<16xf32>
        %parallel_loop3A_878 = arith.mulf %parallel_loop3A_148, %parallel_loop3A_862 : vector<16xf32>
        %parallel_loop3A_879 = arith.mulf %parallel_loop3A_152, %parallel_loop3A_863 : vector<16xf32>
        %parallel_loop3A_880 = arith.addf %parallel_loop3A_875, %parallel_loop3A_879 : vector<16xf32>
        %parallel_loop3A_881 = arith.mulf %parallel_loop3A_156, %parallel_loop3A_864 : vector<16xf32>
        %parallel_loop3A_882 = arith.addf %parallel_loop3A_876, %parallel_loop3A_881 : vector<16xf32>
        %parallel_loop3A_883 = arith.mulf %parallel_loop3A_160, %parallel_loop3A_865 : vector<16xf32>
        %parallel_loop3A_884 = arith.addf %parallel_loop3A_877, %parallel_loop3A_883 : vector<16xf32>
        %parallel_loop3A_885 = arith.mulf %parallel_loop3A_164, %parallel_loop3A_866 : vector<16xf32>
        %parallel_loop3A_886 = arith.addf %parallel_loop3A_878, %parallel_loop3A_885 : vector<16xf32>
        %parallel_loop3A_887 = arith.mulf %parallel_loop3A_168, %parallel_loop3A_867 : vector<16xf32>
        %parallel_loop3A_888 = arith.addf %parallel_loop3A_880, %parallel_loop3A_887 : vector<16xf32>
        %parallel_loop3A_889 = arith.mulf %parallel_loop3A_172, %parallel_loop3A_868 : vector<16xf32>
        %parallel_loop3A_890 = arith.addf %parallel_loop3A_882, %parallel_loop3A_889 : vector<16xf32>
        %parallel_loop3A_891 = arith.mulf %parallel_loop3A_176, %parallel_loop3A_869 : vector<16xf32>
        %parallel_loop3A_892 = arith.addf %parallel_loop3A_884, %parallel_loop3A_891 : vector<16xf32>
        %parallel_loop3A_893 = arith.mulf %parallel_loop3A_180, %parallel_loop3A_870 : vector<16xf32>
        %parallel_loop3A_894 = arith.addf %parallel_loop3A_886, %parallel_loop3A_893 : vector<16xf32>
        %parallel_loop3A_895 = arith.mulf %parallel_loop3A_184, %parallel_loop3A_871 : vector<16xf32>
        %parallel_loop3A_896 = arith.addf %parallel_loop3A_888, %parallel_loop3A_895 : vector<16xf32>
        %parallel_loop3A_897 = arith.mulf %parallel_loop3A_188, %parallel_loop3A_872 : vector<16xf32>
        %parallel_loop3A_898 = arith.addf %parallel_loop3A_890, %parallel_loop3A_897 : vector<16xf32>
        %parallel_loop3A_899 = arith.mulf %parallel_loop3A_192, %parallel_loop3A_873 : vector<16xf32>
        %parallel_loop3A_900 = arith.addf %parallel_loop3A_892, %parallel_loop3A_899 : vector<16xf32>
        %parallel_loop3A_901 = arith.mulf %parallel_loop3A_196, %parallel_loop3A_874 : vector<16xf32>
        %parallel_loop3A_902 = arith.addf %parallel_loop3A_894, %parallel_loop3A_901 : vector<16xf32>
        %parallel_loop3A_903 = arith.addf %parallel_loop3A_896, %parallel_loop3A_898 : vector<16xf32>
        %parallel_loop3A_904 = arith.addf %parallel_loop3A_900, %parallel_loop3A_902 : vector<16xf32>
        %parallel_loop3A_905 = arith.addf %parallel_loop3A_903, %parallel_loop3A_904 : vector<16xf32>
        %parallel_loop3A_906 = arith.constant 16 : i32
        %parallel_loop3A_907 = arith.muli %parallel_loop3A_66, %parallel_loop3A_906 : i32
        %parallel_loop3A_908 = arith.constant 12288 : i32
        %parallel_loop3A_909 = arith.addi %parallel_loop3A_908, %parallel_loop3A_907 : i32
        %parallel_loop3A_910 = arith.index_cast %parallel_loop3A_909 : i32 to index
        %parallel_loop3A_911 = tpu.vector_load %arg9[%parallel_loop3A_910] {strides = array<i32>} : memref<16384xf32, #tpu.memory_space<vmem>>, vector<16xf32>,
        tpu.vector_store %arg9[%parallel_loop3A_910], %parallel_loop3A_905 {strides = array<i32>} : memref<16384xf32, #tpu.memory_space<vmem>>, vector<16xf32>,
        %parallel_loop3A_912 = arith.constant 13 : i32
        %parallel_loop3A_913 = vector.broadcast %parallel_loop3A_912 : i32 to vector<16xi32>
        %parallel_loop3A_914 = tpu.vector_load_idx %arg6[%parallel_loop3A_913, %parallel_loop3A_72] : memref<16x4096xf32, #tpu.memory_space<vmem>>[vector<16xi32>, vector<16xi32>], vector<16xf32>,
        %parallel_loop3A_915 = tpu.vector_load_idx %arg6[%parallel_loop3A_913, %parallel_loop3A_76] : memref<16x4096xf32, #tpu.memory_space<vmem>>[vector<16xi32>, vector<16xi32>], vector<16xf32>,
        %parallel_loop3A_916 = tpu.vector_load_idx %arg6[%parallel_loop3A_913, %parallel_loop3A_80] : memref<16x4096xf32, #tpu.memory_space<vmem>>[vector<16xi32>, vector<16xi32>], vector<16xf32>,
        %parallel_loop3A_917 = tpu.vector_load_idx %arg6[%parallel_loop3A_913, %parallel_loop3A_84] : memref<16x4096xf32, #tpu.memory_space<vmem>>[vector<16xi32>, vector<16xi32>], vector<16xf32>,
        %parallel_loop3A_918 = tpu.vector_load_idx %arg6[%parallel_loop3A_913, %parallel_loop3A_88] : memref<16x4096xf32, #tpu.memory_space<vmem>>[vector<16xi32>, vector<16xi32>], vector<16xf32>,
        %parallel_loop3A_919 = tpu.vector_load_idx %arg6[%parallel_loop3A_913, %parallel_loop3A_92] : memref<16x4096xf32, #tpu.memory_space<vmem>>[vector<16xi32>, vector<16xi32>], vector<16xf32>,
        %parallel_loop3A_920 = tpu.vector_load_idx %arg6[%parallel_loop3A_913, %parallel_loop3A_96] : memref<16x4096xf32, #tpu.memory_space<vmem>>[vector<16xi32>, vector<16xi32>], vector<16xf32>,
        %parallel_loop3A_921 = tpu.vector_load_idx %arg6[%parallel_loop3A_913, %parallel_loop3A_100] : memref<16x4096xf32, #tpu.memory_space<vmem>>[vector<16xi32>, vector<16xi32>], vector<16xf32>,
        %parallel_loop3A_922 = tpu.vector_load_idx %arg6[%parallel_loop3A_913, %parallel_loop3A_104] : memref<16x4096xf32, #tpu.memory_space<vmem>>[vector<16xi32>, vector<16xi32>], vector<16xf32>,
        %parallel_loop3A_923 = tpu.vector_load_idx %arg6[%parallel_loop3A_913, %parallel_loop3A_108] : memref<16x4096xf32, #tpu.memory_space<vmem>>[vector<16xi32>, vector<16xi32>], vector<16xf32>,
        %parallel_loop3A_924 = tpu.vector_load_idx %arg6[%parallel_loop3A_913, %parallel_loop3A_112] : memref<16x4096xf32, #tpu.memory_space<vmem>>[vector<16xi32>, vector<16xi32>], vector<16xf32>,
        %parallel_loop3A_925 = tpu.vector_load_idx %arg6[%parallel_loop3A_913, %parallel_loop3A_116] : memref<16x4096xf32, #tpu.memory_space<vmem>>[vector<16xi32>, vector<16xi32>], vector<16xf32>,
        %parallel_loop3A_926 = tpu.vector_load_idx %arg6[%parallel_loop3A_913, %parallel_loop3A_120] : memref<16x4096xf32, #tpu.memory_space<vmem>>[vector<16xi32>, vector<16xi32>], vector<16xf32>,
        %parallel_loop3A_927 = tpu.vector_load_idx %arg6[%parallel_loop3A_913, %parallel_loop3A_124] : memref<16x4096xf32, #tpu.memory_space<vmem>>[vector<16xi32>, vector<16xi32>], vector<16xf32>,
        %parallel_loop3A_928 = tpu.vector_load_idx %arg6[%parallel_loop3A_913, %parallel_loop3A_128] : memref<16x4096xf32, #tpu.memory_space<vmem>>[vector<16xi32>, vector<16xi32>], vector<16xf32>,
        %parallel_loop3A_929 = tpu.vector_load_idx %arg6[%parallel_loop3A_913, %parallel_loop3A_132] : memref<16x4096xf32, #tpu.memory_space<vmem>>[vector<16xi32>, vector<16xi32>], vector<16xf32>,
        %parallel_loop3A_930 = arith.mulf %parallel_loop3A_136, %parallel_loop3A_914 : vector<16xf32>
        %parallel_loop3A_931 = arith.mulf %parallel_loop3A_140, %parallel_loop3A_915 : vector<16xf32>
        %parallel_loop3A_932 = arith.mulf %parallel_loop3A_144, %parallel_loop3A_916 : vector<16xf32>
        %parallel_loop3A_933 = arith.mulf %parallel_loop3A_148, %parallel_loop3A_917 : vector<16xf32>
        %parallel_loop3A_934 = arith.mulf %parallel_loop3A_152, %parallel_loop3A_918 : vector<16xf32>
        %parallel_loop3A_935 = arith.addf %parallel_loop3A_930, %parallel_loop3A_934 : vector<16xf32>
        %parallel_loop3A_936 = arith.mulf %parallel_loop3A_156, %parallel_loop3A_919 : vector<16xf32>
        %parallel_loop3A_937 = arith.addf %parallel_loop3A_931, %parallel_loop3A_936 : vector<16xf32>
        %parallel_loop3A_938 = arith.mulf %parallel_loop3A_160, %parallel_loop3A_920 : vector<16xf32>
        %parallel_loop3A_939 = arith.addf %parallel_loop3A_932, %parallel_loop3A_938 : vector<16xf32>
        %parallel_loop3A_940 = arith.mulf %parallel_loop3A_164, %parallel_loop3A_921 : vector<16xf32>
        %parallel_loop3A_941 = arith.addf %parallel_loop3A_933, %parallel_loop3A_940 : vector<16xf32>
        %parallel_loop3A_942 = arith.mulf %parallel_loop3A_168, %parallel_loop3A_922 : vector<16xf32>
        %parallel_loop3A_943 = arith.addf %parallel_loop3A_935, %parallel_loop3A_942 : vector<16xf32>
        %parallel_loop3A_944 = arith.mulf %parallel_loop3A_172, %parallel_loop3A_923 : vector<16xf32>
        %parallel_loop3A_945 = arith.addf %parallel_loop3A_937, %parallel_loop3A_944 : vector<16xf32>
        %parallel_loop3A_946 = arith.mulf %parallel_loop3A_176, %parallel_loop3A_924 : vector<16xf32>
        %parallel_loop3A_947 = arith.addf %parallel_loop3A_939, %parallel_loop3A_946 : vector<16xf32>
        %parallel_loop3A_948 = arith.mulf %parallel_loop3A_180, %parallel_loop3A_925 : vector<16xf32>
        %parallel_loop3A_949 = arith.addf %parallel_loop3A_941, %parallel_loop3A_948 : vector<16xf32>
        %parallel_loop3A_950 = arith.mulf %parallel_loop3A_184, %parallel_loop3A_926 : vector<16xf32>
        %parallel_loop3A_951 = arith.addf %parallel_loop3A_943, %parallel_loop3A_950 : vector<16xf32>
        %parallel_loop3A_952 = arith.mulf %parallel_loop3A_188, %parallel_loop3A_927 : vector<16xf32>
        %parallel_loop3A_953 = arith.addf %parallel_loop3A_945, %parallel_loop3A_952 : vector<16xf32>
        %parallel_loop3A_954 = arith.mulf %parallel_loop3A_192, %parallel_loop3A_928 : vector<16xf32>
        %parallel_loop3A_955 = arith.addf %parallel_loop3A_947, %parallel_loop3A_954 : vector<16xf32>
        %parallel_loop3A_956 = arith.mulf %parallel_loop3A_196, %parallel_loop3A_929 : vector<16xf32>
        %parallel_loop3A_957 = arith.addf %parallel_loop3A_949, %parallel_loop3A_956 : vector<16xf32>
        %parallel_loop3A_958 = arith.addf %parallel_loop3A_951, %parallel_loop3A_953 : vector<16xf32>
        %parallel_loop3A_959 = arith.addf %parallel_loop3A_955, %parallel_loop3A_957 : vector<16xf32>
        %parallel_loop3A_960 = arith.addf %parallel_loop3A_958, %parallel_loop3A_959 : vector<16xf32>
        %parallel_loop3A_961 = arith.constant 16 : i32
        %parallel_loop3A_962 = arith.muli %parallel_loop3A_66, %parallel_loop3A_961 : i32
        %parallel_loop3A_963 = arith.constant 13312 : i32
        %parallel_loop3A_964 = arith.addi %parallel_loop3A_963, %parallel_loop3A_962 : i32
        %parallel_loop3A_965 = arith.index_cast %parallel_loop3A_964 : i32 to index
        %parallel_loop3A_966 = tpu.vector_load %arg9[%parallel_loop3A_965] {strides = array<i32>} : memref<16384xf32, #tpu.memory_space<vmem>>, vector<16xf32>,
        tpu.vector_store %arg9[%parallel_loop3A_965], %parallel_loop3A_960 {strides = array<i32>} : memref<16384xf32, #tpu.memory_space<vmem>>, vector<16xf32>,
        %parallel_loop3A_967 = arith.constant 14 : i32
        %parallel_loop3A_968 = vector.broadcast %parallel_loop3A_967 : i32 to vector<16xi32>
        %parallel_loop3A_969 = tpu.vector_load_idx %arg6[%parallel_loop3A_968, %parallel_loop3A_72] : memref<16x4096xf32, #tpu.memory_space<vmem>>[vector<16xi32>, vector<16xi32>], vector<16xf32>,
        %parallel_loop3A_970 = tpu.vector_load_idx %arg6[%parallel_loop3A_968, %parallel_loop3A_76] : memref<16x4096xf32, #tpu.memory_space<vmem>>[vector<16xi32>, vector<16xi32>], vector<16xf32>,
        %parallel_loop3A_971 = tpu.vector_load_idx %arg6[%parallel_loop3A_968, %parallel_loop3A_80] : memref<16x4096xf32, #tpu.memory_space<vmem>>[vector<16xi32>, vector<16xi32>], vector<16xf32>,
        %parallel_loop3A_972 = tpu.vector_load_idx %arg6[%parallel_loop3A_968, %parallel_loop3A_84] : memref<16x4096xf32, #tpu.memory_space<vmem>>[vector<16xi32>, vector<16xi32>], vector<16xf32>,
        %parallel_loop3A_973 = tpu.vector_load_idx %arg6[%parallel_loop3A_968, %parallel_loop3A_88] : memref<16x4096xf32, #tpu.memory_space<vmem>>[vector<16xi32>, vector<16xi32>], vector<16xf32>,
        %parallel_loop3A_974 = tpu.vector_load_idx %arg6[%parallel_loop3A_968, %parallel_loop3A_92] : memref<16x4096xf32, #tpu.memory_space<vmem>>[vector<16xi32>, vector<16xi32>], vector<16xf32>,
        %parallel_loop3A_975 = tpu.vector_load_idx %arg6[%parallel_loop3A_968, %parallel_loop3A_96] : memref<16x4096xf32, #tpu.memory_space<vmem>>[vector<16xi32>, vector<16xi32>], vector<16xf32>,
        %parallel_loop3A_976 = tpu.vector_load_idx %arg6[%parallel_loop3A_968, %parallel_loop3A_100] : memref<16x4096xf32, #tpu.memory_space<vmem>>[vector<16xi32>, vector<16xi32>], vector<16xf32>,
        %parallel_loop3A_977 = tpu.vector_load_idx %arg6[%parallel_loop3A_968, %parallel_loop3A_104] : memref<16x4096xf32, #tpu.memory_space<vmem>>[vector<16xi32>, vector<16xi32>], vector<16xf32>,
        %parallel_loop3A_978 = tpu.vector_load_idx %arg6[%parallel_loop3A_968, %parallel_loop3A_108] : memref<16x4096xf32, #tpu.memory_space<vmem>>[vector<16xi32>, vector<16xi32>], vector<16xf32>,
        %parallel_loop3A_979 = tpu.vector_load_idx %arg6[%parallel_loop3A_968, %parallel_loop3A_112] : memref<16x4096xf32, #tpu.memory_space<vmem>>[vector<16xi32>, vector<16xi32>], vector<16xf32>,
        %parallel_loop3A_980 = tpu.vector_load_idx %arg6[%parallel_loop3A_968, %parallel_loop3A_116] : memref<16x4096xf32, #tpu.memory_space<vmem>>[vector<16xi32>, vector<16xi32>], vector<16xf32>,
        %parallel_loop3A_981 = tpu.vector_load_idx %arg6[%parallel_loop3A_968, %parallel_loop3A_120] : memref<16x4096xf32, #tpu.memory_space<vmem>>[vector<16xi32>, vector<16xi32>], vector<16xf32>,
        %parallel_loop3A_982 = tpu.vector_load_idx %arg6[%parallel_loop3A_968, %parallel_loop3A_124] : memref<16x4096xf32, #tpu.memory_space<vmem>>[vector<16xi32>, vector<16xi32>], vector<16xf32>,
        %parallel_loop3A_983 = tpu.vector_load_idx %arg6[%parallel_loop3A_968, %parallel_loop3A_128] : memref<16x4096xf32, #tpu.memory_space<vmem>>[vector<16xi32>, vector<16xi32>], vector<16xf32>,
        %parallel_loop3A_984 = tpu.vector_load_idx %arg6[%parallel_loop3A_968, %parallel_loop3A_132] : memref<16x4096xf32, #tpu.memory_space<vmem>>[vector<16xi32>, vector<16xi32>], vector<16xf32>,
        %parallel_loop3A_985 = arith.mulf %parallel_loop3A_136, %parallel_loop3A_969 : vector<16xf32>
        %parallel_loop3A_986 = arith.mulf %parallel_loop3A_140, %parallel_loop3A_970 : vector<16xf32>
        %parallel_loop3A_987 = arith.mulf %parallel_loop3A_144, %parallel_loop3A_971 : vector<16xf32>
        %parallel_loop3A_988 = arith.mulf %parallel_loop3A_148, %parallel_loop3A_972 : vector<16xf32>
        %parallel_loop3A_989 = arith.mulf %parallel_loop3A_152, %parallel_loop3A_973 : vector<16xf32>
        %parallel_loop3A_990 = arith.addf %parallel_loop3A_985, %parallel_loop3A_989 : vector<16xf32>
        %parallel_loop3A_991 = arith.mulf %parallel_loop3A_156, %parallel_loop3A_974 : vector<16xf32>
        %parallel_loop3A_992 = arith.addf %parallel_loop3A_986, %parallel_loop3A_991 : vector<16xf32>
        %parallel_loop3A_993 = arith.mulf %parallel_loop3A_160, %parallel_loop3A_975 : vector<16xf32>
        %parallel_loop3A_994 = arith.addf %parallel_loop3A_987, %parallel_loop3A_993 : vector<16xf32>
        %parallel_loop3A_995 = arith.mulf %parallel_loop3A_164, %parallel_loop3A_976 : vector<16xf32>
        %parallel_loop3A_996 = arith.addf %parallel_loop3A_988, %parallel_loop3A_995 : vector<16xf32>
        %parallel_loop3A_997 = arith.mulf %parallel_loop3A_168, %parallel_loop3A_977 : vector<16xf32>
        %parallel_loop3A_998 = arith.addf %parallel_loop3A_990, %parallel_loop3A_997 : vector<16xf32>
        %parallel_loop3A_999 = arith.mulf %parallel_loop3A_172, %parallel_loop3A_978 : vector<16xf32>
        %parallel_loop3A_1000 = arith.addf %parallel_loop3A_992, %parallel_loop3A_999 : vector<16xf32>
        %parallel_loop3A_1001 = arith.mulf %parallel_loop3A_176, %parallel_loop3A_979 : vector<16xf32>
        %parallel_loop3A_1002 = arith.addf %parallel_loop3A_994, %parallel_loop3A_1001 : vector<16xf32>
        %parallel_loop3A_1003 = arith.mulf %parallel_loop3A_180, %parallel_loop3A_980 : vector<16xf32>
        %parallel_loop3A_1004 = arith.addf %parallel_loop3A_996, %parallel_loop3A_1003 : vector<16xf32>
        %parallel_loop3A_1005 = arith.mulf %parallel_loop3A_184, %parallel_loop3A_981 : vector<16xf32>
        %parallel_loop3A_1006 = arith.addf %parallel_loop3A_998, %parallel_loop3A_1005 : vector<16xf32>
        %parallel_loop3A_1007 = arith.mulf %parallel_loop3A_188, %parallel_loop3A_982 : vector<16xf32>
        %parallel_loop3A_1008 = arith.addf %parallel_loop3A_1000, %parallel_loop3A_1007 : vector<16xf32>
        %parallel_loop3A_1009 = arith.mulf %parallel_loop3A_192, %parallel_loop3A_983 : vector<16xf32>
        %parallel_loop3A_1010 = arith.addf %parallel_loop3A_1002, %parallel_loop3A_1009 : vector<16xf32>
        %parallel_loop3A_1011 = arith.mulf %parallel_loop3A_196, %parallel_loop3A_984 : vector<16xf32>
        %parallel_loop3A_1012 = arith.addf %parallel_loop3A_1004, %parallel_loop3A_1011 : vector<16xf32>
        %parallel_loop3A_1013 = arith.addf %parallel_loop3A_1006, %parallel_loop3A_1008 : vector<16xf32>
        %parallel_loop3A_1014 = arith.addf %parallel_loop3A_1010, %parallel_loop3A_1012 : vector<16xf32>
        %parallel_loop3A_1015 = arith.addf %parallel_loop3A_1013, %parallel_loop3A_1014 : vector<16xf32>
        %parallel_loop3A_1016 = arith.constant 16 : i32
        %parallel_loop3A_1017 = arith.muli %parallel_loop3A_66, %parallel_loop3A_1016 : i32
        %parallel_loop3A_1018 = arith.constant 14336 : i32
        %parallel_loop3A_1019 = arith.addi %parallel_loop3A_1018, %parallel_loop3A_1017 : i32
        %parallel_loop3A_1020 = arith.index_cast %parallel_loop3A_1019 : i32 to index
        %parallel_loop3A_1021 = tpu.vector_load %arg9[%parallel_loop3A_1020] {strides = array<i32>} : memref<16384xf32, #tpu.memory_space<vmem>>, vector<16xf32>,
        tpu.vector_store %arg9[%parallel_loop3A_1020], %parallel_loop3A_1015 {strides = array<i32>} : memref<16384xf32, #tpu.memory_space<vmem>>, vector<16xf32>,
        %parallel_loop3A_1022 = arith.constant 15 : i32
        %parallel_loop3A_1023 = vector.broadcast %parallel_loop3A_1022 : i32 to vector<16xi32>
        %parallel_loop3A_1024 = tpu.vector_load_idx %arg6[%parallel_loop3A_1023, %parallel_loop3A_72] : memref<16x4096xf32, #tpu.memory_space<vmem>>[vector<16xi32>, vector<16xi32>], vector<16xf32>,
        %parallel_loop3A_1025 = tpu.vector_load_idx %arg6[%parallel_loop3A_1023, %parallel_loop3A_76] : memref<16x4096xf32, #tpu.memory_space<vmem>>[vector<16xi32>, vector<16xi32>], vector<16xf32>,
        %parallel_loop3A_1026 = tpu.vector_load_idx %arg6[%parallel_loop3A_1023, %parallel_loop3A_80] : memref<16x4096xf32, #tpu.memory_space<vmem>>[vector<16xi32>, vector<16xi32>], vector<16xf32>,
        %parallel_loop3A_1027 = tpu.vector_load_idx %arg6[%parallel_loop3A_1023, %parallel_loop3A_84] : memref<16x4096xf32, #tpu.memory_space<vmem>>[vector<16xi32>, vector<16xi32>], vector<16xf32>,
        %parallel_loop3A_1028 = tpu.vector_load_idx %arg6[%parallel_loop3A_1023, %parallel_loop3A_88] : memref<16x4096xf32, #tpu.memory_space<vmem>>[vector<16xi32>, vector<16xi32>], vector<16xf32>,
        %parallel_loop3A_1029 = tpu.vector_load_idx %arg6[%parallel_loop3A_1023, %parallel_loop3A_92] : memref<16x4096xf32, #tpu.memory_space<vmem>>[vector<16xi32>, vector<16xi32>], vector<16xf32>,
        %parallel_loop3A_1030 = tpu.vector_load_idx %arg6[%parallel_loop3A_1023, %parallel_loop3A_96] : memref<16x4096xf32, #tpu.memory_space<vmem>>[vector<16xi32>, vector<16xi32>], vector<16xf32>,
        %parallel_loop3A_1031 = tpu.vector_load_idx %arg6[%parallel_loop3A_1023, %parallel_loop3A_100] : memref<16x4096xf32, #tpu.memory_space<vmem>>[vector<16xi32>, vector<16xi32>], vector<16xf32>,
        %parallel_loop3A_1032 = tpu.vector_load_idx %arg6[%parallel_loop3A_1023, %parallel_loop3A_104] : memref<16x4096xf32, #tpu.memory_space<vmem>>[vector<16xi32>, vector<16xi32>], vector<16xf32>,
        %parallel_loop3A_1033 = tpu.vector_load_idx %arg6[%parallel_loop3A_1023, %parallel_loop3A_108] : memref<16x4096xf32, #tpu.memory_space<vmem>>[vector<16xi32>, vector<16xi32>], vector<16xf32>,
        %parallel_loop3A_1034 = tpu.vector_load_idx %arg6[%parallel_loop3A_1023, %parallel_loop3A_112] : memref<16x4096xf32, #tpu.memory_space<vmem>>[vector<16xi32>, vector<16xi32>], vector<16xf32>,
        %parallel_loop3A_1035 = tpu.vector_load_idx %arg6[%parallel_loop3A_1023, %parallel_loop3A_116] : memref<16x4096xf32, #tpu.memory_space<vmem>>[vector<16xi32>, vector<16xi32>], vector<16xf32>,
        %parallel_loop3A_1036 = tpu.vector_load_idx %arg6[%parallel_loop3A_1023, %parallel_loop3A_120] : memref<16x4096xf32, #tpu.memory_space<vmem>>[vector<16xi32>, vector<16xi32>], vector<16xf32>,
        %parallel_loop3A_1037 = tpu.vector_load_idx %arg6[%parallel_loop3A_1023, %parallel_loop3A_124] : memref<16x4096xf32, #tpu.memory_space<vmem>>[vector<16xi32>, vector<16xi32>], vector<16xf32>,
        %parallel_loop3A_1038 = tpu.vector_load_idx %arg6[%parallel_loop3A_1023, %parallel_loop3A_128] : memref<16x4096xf32, #tpu.memory_space<vmem>>[vector<16xi32>, vector<16xi32>], vector<16xf32>,
        %parallel_loop3A_1039 = tpu.vector_load_idx %arg6[%parallel_loop3A_1023, %parallel_loop3A_132] : memref<16x4096xf32, #tpu.memory_space<vmem>>[vector<16xi32>, vector<16xi32>], vector<16xf32>,
        %parallel_loop3A_1040 = arith.mulf %parallel_loop3A_136, %parallel_loop3A_1024 : vector<16xf32>
        %parallel_loop3A_1041 = arith.mulf %parallel_loop3A_140, %parallel_loop3A_1025 : vector<16xf32>
        %parallel_loop3A_1042 = arith.mulf %parallel_loop3A_144, %parallel_loop3A_1026 : vector<16xf32>
        %parallel_loop3A_1043 = arith.mulf %parallel_loop3A_148, %parallel_loop3A_1027 : vector<16xf32>
        %parallel_loop3A_1044 = arith.mulf %parallel_loop3A_152, %parallel_loop3A_1028 : vector<16xf32>
        %parallel_loop3A_1045 = arith.addf %parallel_loop3A_1040, %parallel_loop3A_1044 : vector<16xf32>
        %parallel_loop3A_1046 = arith.mulf %parallel_loop3A_156, %parallel_loop3A_1029 : vector<16xf32>
        %parallel_loop3A_1047 = arith.addf %parallel_loop3A_1041, %parallel_loop3A_1046 : vector<16xf32>
        %parallel_loop3A_1048 = arith.mulf %parallel_loop3A_160, %parallel_loop3A_1030 : vector<16xf32>
        %parallel_loop3A_1049 = arith.addf %parallel_loop3A_1042, %parallel_loop3A_1048 : vector<16xf32>
        %parallel_loop3A_1050 = arith.mulf %parallel_loop3A_164, %parallel_loop3A_1031 : vector<16xf32>
        %parallel_loop3A_1051 = arith.addf %parallel_loop3A_1043, %parallel_loop3A_1050 : vector<16xf32>
        %parallel_loop3A_1052 = arith.mulf %parallel_loop3A_168, %parallel_loop3A_1032 : vector<16xf32>
        %parallel_loop3A_1053 = arith.addf %parallel_loop3A_1045, %parallel_loop3A_1052 : vector<16xf32>
        %parallel_loop3A_1054 = arith.mulf %parallel_loop3A_172, %parallel_loop3A_1033 : vector<16xf32>
        %parallel_loop3A_1055 = arith.addf %parallel_loop3A_1047, %parallel_loop3A_1054 : vector<16xf32>
        %parallel_loop3A_1056 = arith.mulf %parallel_loop3A_176, %parallel_loop3A_1034 : vector<16xf32>
        %parallel_loop3A_1057 = arith.addf %parallel_loop3A_1049, %parallel_loop3A_1056 : vector<16xf32>
        %parallel_loop3A_1058 = arith.mulf %parallel_loop3A_180, %parallel_loop3A_1035 : vector<16xf32>
        %parallel_loop3A_1059 = arith.addf %parallel_loop3A_1051, %parallel_loop3A_1058 : vector<16xf32>
        %parallel_loop3A_1060 = arith.mulf %parallel_loop3A_184, %parallel_loop3A_1036 : vector<16xf32>
        %parallel_loop3A_1061 = arith.addf %parallel_loop3A_1053, %parallel_loop3A_1060 : vector<16xf32>
        %parallel_loop3A_1062 = arith.mulf %parallel_loop3A_188, %parallel_loop3A_1037 : vector<16xf32>
        %parallel_loop3A_1063 = arith.addf %parallel_loop3A_1055, %parallel_loop3A_1062 : vector<16xf32>
        %parallel_loop3A_1064 = arith.mulf %parallel_loop3A_192, %parallel_loop3A_1038 : vector<16xf32>
        %parallel_loop3A_1065 = arith.addf %parallel_loop3A_1057, %parallel_loop3A_1064 : vector<16xf32>
        %parallel_loop3A_1066 = arith.mulf %parallel_loop3A_196, %parallel_loop3A_1039 : vector<16xf32>
        %parallel_loop3A_1067 = arith.addf %parallel_loop3A_1059, %parallel_loop3A_1066 : vector<16xf32>
        %parallel_loop3A_1068 = arith.addf %parallel_loop3A_1061, %parallel_loop3A_1063 : vector<16xf32>
        %parallel_loop3A_1069 = arith.addf %parallel_loop3A_1065, %parallel_loop3A_1067 : vector<16xf32>
        %parallel_loop3A_1070 = arith.addf %parallel_loop3A_1068, %parallel_loop3A_1069 : vector<16xf32>
        %parallel_loop3A_1071 = arith.constant 16 : i32
        %parallel_loop3A_1072 = arith.muli %parallel_loop3A_66, %parallel_loop3A_1071 : i32
        %parallel_loop3A_1073 = arith.constant 15360 : i32
        %parallel_loop3A_1074 = arith.addi %parallel_loop3A_1073, %parallel_loop3A_1072 : i32
        %parallel_loop3A_1075 = arith.index_cast %parallel_loop3A_1074 : i32 to index
        %parallel_loop3A_1076 = tpu.vector_load %arg9[%parallel_loop3A_1075] {strides = array<i32>} : memref<16384xf32, #tpu.memory_space<vmem>>, vector<16xf32>,
        tpu.vector_store %arg9[%parallel_loop3A_1075], %parallel_loop3A_1070 {strides = array<i32>} : memref<16384xf32, #tpu.memory_space<vmem>>, vector<16xf32>,
      } {sc.loop_unroll_factor = 1 : i64, sc.parallel_access}
      "tpu.region"() ({
        %run_scoped3A = tpu.sem_alloc : memref<!tpu.dma_semaphore, #tpu.memory_space<semaphore_mem>>
        %dma_start3A = arith.constant 0 : i32
        %dma_start3A_66 = tpu.memref_slice %arg5[%select_n3A, %select_n3A_39, %dma_start3A] : memref<8x48x16384xf32, #tpu.memory_space<hbm>> -> memref<1x1x16384xf32, #tpu.memory_space<hbm>>
        %dma_start3A_67 = tpu.memref_squeeze %dma_start3A_66 : memref<1x1x16384xf32, #tpu.memory_space<hbm>> -> memref<16384xf32, #tpu.memory_space<hbm>>
        %dma_start3A_68 = arith.constant 0 : i32
        %dma_start3A_69 = tpu.memref_slice %arg5[%select_n3A, %select_n3A_39, %dma_start3A_68] : memref<8x48x16384xf32, #tpu.memory_space<hbm>> -> memref<1x1x16384xf32, #tpu.memory_space<hbm>>
        %dma_start3A_70 = tpu.memref_squeeze %dma_start3A_69 : memref<1x1x16384xf32, #tpu.memory_space<hbm>> -> memref<16384xf32, #tpu.memory_space<hbm>>
        tpu.enqueue_dma source(%arg9 : memref<16384xf32, #tpu.memory_space<vmem>>) target(%dma_start3A_70 : memref<16384xf32, #tpu.memory_space<hbm>>) target_semaphore(%run_scoped3A : memref<!tpu.dma_semaphore, #tpu.memory_space<semaphore_mem>>)
        %dma_wait3A = arith.constant 0 : i32
        %dma_wait3A_71 = tpu.memref_slice %arg5[%select_n3A, %select_n3A_39, %dma_wait3A] : memref<8x48x16384xf32, #tpu.memory_space<hbm>> -> memref<1x1x16384xf32, #tpu.memory_space<hbm>>
        %dma_wait3A_72 = tpu.memref_squeeze %dma_wait3A_71 : memref<1x1x16384xf32, #tpu.memory_space<hbm>> -> memref<16384xf32, #tpu.memory_space<hbm>>
        %dma_wait3A_73 = arith.constant 0 : i32
        %dma_wait3A_74 = tpu.memref_slice %arg5[%select_n3A, %select_n3A_39, %dma_wait3A_73] : memref<8x48x16384xf32, #tpu.memory_space<hbm>> -> memref<1x1x16384xf32, #tpu.memory_space<hbm>>
        %dma_wait3A_75 = tpu.memref_squeeze %dma_wait3A_74 : memref<1x1x16384xf32, #tpu.memory_space<hbm>> -> memref<16384xf32, #tpu.memory_space<hbm>>
        tpu.wait_dma2 semaphore(%run_scoped3A : memref<!tpu.dma_semaphore, #tpu.memory_space<semaphore_mem>>) src(%arg9 : memref<16384xf32, #tpu.memory_space<vmem>>) dst(%dma_wait3A_75 : memref<16384xf32, #tpu.memory_space<hbm>>)
        tpu.yield
      }) : () -> ()
    }
    %scan3A_5 = arith.constant 12 : i32
    return
  }
}

module attributes {stable_mosaic.version = 14 : i64} {
  func.func @_fuse_body(%arg0: memref<768x768xf32, #tpu.memory_space<vmem>>, %arg1: memref<768x144xf32, #tpu.memory_space<vmem>>, %arg2: memref<768x768xf32, #tpu.memory_space<vmem>>, %arg3: memref<768x768xf32, #tpu.memory_space<vmem>>, %arg4: memref<768x768xf32, #tpu.memory_space<vmem>>, %arg5: memref<768x768xf32, #tpu.memory_space<vmem>>, %arg6: memref<1x768xf32, #tpu.memory_space<vmem>>, %arg7: memref<1x768xf32, #tpu.memory_space<vmem>>, %arg8: memref<144x768xf32, #tpu.memory_space<vmem>>, %arg9: memref<768x768xf32, #tpu.memory_space<vmem>>, %arg10: memref<768x768xf32, #tpu.memory_space<vmem>>, %arg11: memref<1x768xf32, #tpu.memory_space<vmem>>) attributes {dimension_semantics = [], scalar_prefetch = 0 : i64, scratch_operands = 0 : i64, tpu.core_type = #tpu.core_type<tc>} {
    %get3A = arith.constant 0 : index
    %get3A_0 = arith.constant 0 : index
    %get3A_1 = vector.load %arg1[%get3A, %get3A_0] : memref<768x144xf32, #tpu.memory_space<vmem>>, vector<768x144xf32>
    %get3A_2 = arith.constant 0 : index
    %get3A_3 = arith.constant 0 : index
    %get3A_4 = vector.load %arg0[%get3A_2, %get3A_3] : memref<768x768xf32, #tpu.memory_space<vmem>>, vector<768x768xf32>
    %dot_general3A = arith.constant dense<0.000000e+00> : vector<144x768xf32>
    %dot_general3A_5 = tpu.matmul %get3A_1, %get3A_4, %dot_general3A {dimension_numbers = #tpu.dot_dimension_numbers<[0], [1], [1], [0], [0, 1, 1, 0], [], []>, transpose_lhs_hint = false} : vector<768x144xf32>, vector<768x768xf32>, vector<144x768xf32> -> vector<144x768xf32>
    %swap3A = arith.constant 0 : index
    %swap3A_6 = arith.constant 0 : index
    %swap3A_7 = vector.load %arg8[%swap3A, %swap3A_6] : memref<144x768xf32, #tpu.memory_space<vmem>>, vector<144x768xf32>
    tpu.vector_store %arg8[%swap3A, %swap3A_6], %dot_general3A_5 {strides = array<i32>} : memref<144x768xf32, #tpu.memory_space<vmem>>, vector<144x768xf32>,
    %get3A_8 = arith.constant 0 : index
    %get3A_9 = arith.constant 0 : index
    %get3A_10 = vector.load %arg2[%get3A_8, %get3A_9] : memref<768x768xf32, #tpu.memory_space<vmem>>, vector<768x768xf32>
    %get3A_11 = arith.constant 0 : index
    %get3A_12 = arith.constant 0 : index
    %get3A_13 = vector.load %arg3[%get3A_11, %get3A_12] : memref<768x768xf32, #tpu.memory_space<vmem>>, vector<768x768xf32>
    %dot_general3A_14 = arith.constant dense<0.000000e+00> : vector<768x768xf32>
    %dot_general3A_15 = tpu.matmul %get3A_10, %get3A_13, %dot_general3A_14 {dimension_numbers = #tpu.dot_dimension_numbers<[1], [0], [0], [1], [0, 0, 1, 1], [], []>, transpose_lhs_hint = false} : vector<768x768xf32>, vector<768x768xf32>, vector<768x768xf32> -> vector<768x768xf32>
    %swap3A_16 = arith.constant 0 : index
    %swap3A_17 = arith.constant 0 : index
    %swap3A_18 = vector.load %arg9[%swap3A_16, %swap3A_17] : memref<768x768xf32, #tpu.memory_space<vmem>>, vector<768x768xf32>
    tpu.vector_store %arg9[%swap3A_16, %swap3A_17], %dot_general3A_15 {strides = array<i32>} : memref<768x768xf32, #tpu.memory_space<vmem>>, vector<768x768xf32>,
    %get3A_19 = arith.constant 0 : index
    %get3A_20 = arith.constant 0 : index
    %get3A_21 = vector.load %arg4[%get3A_19, %get3A_20] : memref<768x768xf32, #tpu.memory_space<vmem>>, vector<768x768xf32>
    %get3A_22 = arith.constant 0 : index
    %get3A_23 = arith.constant 0 : index
    %get3A_24 = vector.load %arg5[%get3A_22, %get3A_23] : memref<768x768xf32, #tpu.memory_space<vmem>>, vector<768x768xf32>
    %dot_general3A_25 = arith.constant dense<0.000000e+00> : vector<768x768xf32>
    %dot_general3A_26 = tpu.matmul %get3A_21, %get3A_24, %dot_general3A_25 {dimension_numbers = #tpu.dot_dimension_numbers<[1], [0], [0], [1], [0, 0, 1, 1], [], []>, transpose_lhs_hint = false} : vector<768x768xf32>, vector<768x768xf32>, vector<768x768xf32> -> vector<768x768xf32>
    %swap3A_27 = arith.constant 0 : index
    %swap3A_28 = arith.constant 0 : index
    %swap3A_29 = vector.load %arg10[%swap3A_27, %swap3A_28] : memref<768x768xf32, #tpu.memory_space<vmem>>, vector<768x768xf32>
    tpu.vector_store %arg10[%swap3A_27, %swap3A_28], %dot_general3A_26 {strides = array<i32>} : memref<768x768xf32, #tpu.memory_space<vmem>>, vector<768x768xf32>,
    %get3A_30 = arith.constant 0 : index
    %get3A_31 = arith.constant 0 : index
    %get3A_32 = vector.load %arg6[%get3A_30, %get3A_31] : memref<1x768xf32, #tpu.memory_space<vmem>>, vector<1x768xf32>
    %dot_general3A_33 = arith.constant dense<0.000000e+00> : vector<1x768xf32>
    %dot_general3A_34 = tpu.matmul %get3A_32, %dot_general3A_26, %dot_general3A_33 {dimension_numbers = #tpu.dot_dimension_numbers<[1], [0], [0], [1], [0, 0, 1, 1], [], []>, transpose_lhs_hint = false} : vector<1x768xf32>, vector<768x768xf32>, vector<1x768xf32> -> vector<1x768xf32>
    %get3A_35 = arith.constant 0 : index
    %get3A_36 = arith.constant 0 : index
    %get3A_37 = vector.load %arg7[%get3A_35, %get3A_36] : memref<1x768xf32, #tpu.memory_space<vmem>>, vector<1x768xf32>
    %add3A = arith.addf %dot_general3A_34, %get3A_37 : vector<1x768xf32>
    %swap3A_38 = arith.constant 0 : index
    %swap3A_39 = arith.constant 0 : index
    %swap3A_40 = vector.load %arg11[%swap3A_38, %swap3A_39] : memref<1x768xf32, #tpu.memory_space<vmem>>, vector<1x768xf32>
    tpu.vector_store %arg11[%swap3A_38, %swap3A_39], %add3A {strides = array<i32>} : memref<1x768xf32, #tpu.memory_space<vmem>>, vector<1x768xf32>,
    return
  }
}

module attributes {stable_mosaic.version = 14 : i64} {
  func.func @_samp_body(%arg0: i32, %arg1: memref<1x1024x768xf32, #tpu.memory_space<vmem>>, %arg2: memref<144x768xf32, #tpu.memory_space<vmem>>, %arg3: memref<144x1xf32, #tpu.memory_space<vmem>>, %arg4: memref<48x48xf32, #tpu.memory_space<vmem>>, %arg5: memref<1x48x4x1024xf32, #tpu.memory_space<vmem>>, %arg6: memref<1x48x4x1024xi32, #tpu.memory_space<vmem>>) attributes {dimension_semantics = [#tpu.dimension_semantics<arbitrary>], iteration_bounds = array<i64: 8>, scalar_prefetch = 0 : i64, scratch_operands = 0 : i64, tpu.core_type = #tpu.core_type<tc>, window_params = [{transform_indices = @transform_0, window_bounds = array<i64: 1, 1024, 768>}, {pipeline_mode = #tpu.pipeline_mode<synchronous>, transform_indices = @transform_1, window_bounds = array<i64: 144, 768>}, {pipeline_mode = #tpu.pipeline_mode<synchronous>, transform_indices = @transform_2, window_bounds = array<i64: 144, 1>}, {pipeline_mode = #tpu.pipeline_mode<synchronous>, transform_indices = @transform_3, window_bounds = array<i64: 48, 48>}, {transform_indices = @transform_4, window_bounds = array<i64: 1, 48, 4, 1024>}, {transform_indices = @transform_5, window_bounds = array<i64: 1, 48, 4, 1024>}]} {
    %get3A = arith.constant 0 : index
    %get3A_0 = arith.constant 0 : index
    %get3A_1 = arith.constant 0 : index
    %get3A_2 = vector.load %arg1[%get3A, %get3A_0, %get3A_1] : memref<1x1024x768xf32, #tpu.memory_space<vmem>>, vector<1x1024x768xf32>
    %get3A_3 = vector.shape_cast %get3A_2 : vector<1x1024x768xf32> to vector<1024x768xf32>
    %get3A_4 = arith.constant 0 : index
    %get3A_5 = arith.constant 0 : index
    %get3A_6 = vector.load %arg2[%get3A_4, %get3A_5] : memref<144x768xf32, #tpu.memory_space<vmem>>, vector<144x768xf32>
    %dot_general3A = arith.constant dense<0.000000e+00> : vector<144x1024xf32>
    %dot_general3A_7 = tpu.matmul %get3A_6, %get3A_3, %dot_general3A {dimension_numbers = #tpu.dot_dimension_numbers<[1], [1], [0], [0], [0, 0, 1, 0], [], []>, transpose_lhs_hint = false} : vector<144x768xf32>, vector<1024x768xf32>, vector<144x1024xf32> -> vector<144x1024xf32>
    %get3A_8 = arith.constant 0 : index
    %get3A_9 = arith.constant 0 : index
    %get3A_10 = vector.load %arg3[%get3A_8, %get3A_9] : memref<144x1xf32, #tpu.memory_space<vmem>>, vector<144x1xf32>
    %add3A = vector.broadcast %get3A_10 : vector<144x1xf32> to vector<144x1024xf32>
    %add3A_11 = arith.addf %dot_general3A_7, %add3A : vector<144x1024xf32>
    %slice3A = vector.extract_strided_slice %add3A_11 {offsets = [0, 0], sizes = [48, 1024], strides = [1, 1]} : vector<144x1024xf32> to vector<48x1024xf32>
    %slice3A_12 = vector.extract_strided_slice %add3A_11 {offsets = [48, 0], sizes = [48, 1024], strides = [1, 1]} : vector<144x1024xf32> to vector<48x1024xf32>
    %slice3A_13 = vector.extract_strided_slice %add3A_11 {offsets = [96, 0], sizes = [48, 1024], strides = [1, 1]} : vector<144x1024xf32> to vector<48x1024xf32>
    %exp3A = math.exp %slice3A_13 : vector<48x1024xf32>
    %get3A_14 = arith.constant 0 : index
    %get3A_15 = arith.constant 0 : index
    %get3A_16 = vector.load %arg4[%get3A_14, %get3A_15] : memref<48x48xf32, #tpu.memory_space<vmem>>, vector<48x48xf32>
    %dot_general3A_17 = arith.constant dense<0.000000e+00> : vector<48x1024xf32>
    %dot_general3A_18 = tpu.matmul %get3A_16, %exp3A, %dot_general3A_17 {dimension_numbers = #tpu.dot_dimension_numbers<[1], [0], [0], [1], [0, 0, 1, 1], [], []>, transpose_lhs_hint = false} : vector<48x48xf32>, vector<48x1024xf32>, vector<48x1024xf32> -> vector<48x1024xf32>
    %div3A = arith.divf %exp3A, %dot_general3A_18 : vector<48x1024xf32>
    %iota3A = tpu.iota {dimensions = array<i32: 1>} : vector<48x1024xi32>
    %jit3A = arith.constant 32 : i32
    %eq3A = arith.constant 0 : i32
    %eq3A_19 = arith.cmpi eq, %jit3A, %eq3A : i32
    %jit3A_20 = arith.constant 1 : i32
    %select_n3A = arith.select %eq3A_19, %jit3A_20, %jit3A : i32
    %rem3A = vector.broadcast %select_n3A : i32 to vector<48x1024xi32>
    %rem3A_21 = arith.remsi %iota3A, %rem3A : vector<48x1024xi32>
    %ne3A = arith.constant 0 : i32
    %ne3A_22 = vector.broadcast %ne3A : i32 to vector<48x1024xi32>
    %ne3A_23 = arith.cmpi ne, %rem3A_21, %ne3A_22 : vector<48x1024xi32>
    %lt3A = arith.constant 0 : i32
    %lt3A_24 = vector.broadcast %lt3A : i32 to vector<48x1024xi32>
    %lt3A_25 = arith.cmpi slt, %rem3A_21, %lt3A_24 : vector<48x1024xi32>
    %lt3A_26 = arith.constant 0 : i32
    %lt3A_27 = arith.cmpi slt, %select_n3A, %lt3A_26 : i32
    %ne3A_28 = vector.broadcast %lt3A_27 : i1 to vector<48x1024xi1>
    %ne3A_29 = vector.broadcast %ne3A_28 : vector<48x1024xi1> to vector<48x1024xi1>
    %ne3A_30 = arith.xori %lt3A_25, %ne3A_29 : vector<48x1024xi1>
    %and3A = arith.andi %ne3A_30, %ne3A_23 : vector<48x1024xi1>
    %add3A_31 = vector.broadcast %select_n3A : i32 to vector<48x1024xi32>
    %add3A_32 = arith.addi %rem3A_21, %add3A_31 : vector<48x1024xi32>
    %select_n3A_33 = arith.select %and3A, %add3A_32, %rem3A_21 : vector<48x1024xi1>, vector<48x1024xi32>
    %convert_element_type3A = arith.sitofp %select_n3A_33 : vector<48x1024xi32> to vector<48x1024xf32>
    %jit3A_34 = arith.constant 32 : i32
    %div3A_35 = vector.broadcast %jit3A_34 : i32 to vector<48x1024xi32>
    %div3A_36 = arith.divsi %iota3A, %div3A_35 : vector<48x1024xi32>
    %sign3A = arith.constant 0 : i32
    %sign3A_37 = vector.broadcast %sign3A : i32 to vector<48x1024xi32>
    %sign3A_38 = arith.cmpi sgt, %iota3A, %sign3A_37 : vector<48x1024xi32>
    %sign3A_39 = arith.extui %sign3A_38 : vector<48x1024xi1> to vector<48x1024xi32>
    %sign3A_40 = arith.constant 0 : i32
    %sign3A_41 = vector.broadcast %sign3A_40 : i32 to vector<48x1024xi32>
    %sign3A_42 = arith.cmpi slt, %iota3A, %sign3A_41 : vector<48x1024xi32>
    %sign3A_43 = arith.extui %sign3A_42 : vector<48x1024xi1> to vector<48x1024xi32>
    %sign3A_44 = arith.subi %sign3A_39, %sign3A_43 : vector<48x1024xi32>
    %sign3A_45 = arith.constant 0 : i32
    %sign3A_46 = arith.cmpi sgt, %jit3A_34, %sign3A_45 : i32
    %sign3A_47 = arith.extui %sign3A_46 : i1 to i32
    %sign3A_48 = arith.constant 0 : i32
    %sign3A_49 = arith.cmpi slt, %jit3A_34, %sign3A_48 : i32
    %sign3A_50 = arith.extui %sign3A_49 : i1 to i32
    %sign3A_51 = arith.subi %sign3A_47, %sign3A_50 : i32
    %ne3A_52 = vector.broadcast %sign3A_51 : i32 to vector<48x1024xi32>
    %ne3A_53 = arith.cmpi ne, %sign3A_44, %ne3A_52 : vector<48x1024xi32>
    %rem3A_54 = vector.broadcast %jit3A_34 : i32 to vector<48x1024xi32>
    %rem3A_55 = arith.remsi %iota3A, %rem3A_54 : vector<48x1024xi32>
    %ne3A_56 = arith.constant 0 : i32
    %ne3A_57 = vector.broadcast %ne3A_56 : i32 to vector<48x1024xi32>
    %ne3A_58 = arith.cmpi ne, %rem3A_55, %ne3A_57 : vector<48x1024xi32>
    %and3A_59 = arith.andi %ne3A_53, %ne3A_58 : vector<48x1024xi1>
    %sub3A = arith.constant 1 : i32
    %sub3A_60 = vector.broadcast %sub3A : i32 to vector<48x1024xi32>
    %sub3A_61 = arith.subi %div3A_36, %sub3A_60 : vector<48x1024xi32>
    %select_n3A_62 = arith.select %and3A_59, %sub3A_61, %div3A_36 : vector<48x1024xi1>, vector<48x1024xi32>
    %convert_element_type3A_63 = arith.sitofp %select_n3A_62 : vector<48x1024xi32> to vector<48x1024xf32>
    %mul3A = arith.constant 2.000000e+00 : f32
    %mul3A_64 = vector.broadcast %mul3A : f32 to vector<48x1024xf32>
    %mul3A_65 = arith.mulf %mul3A_64, %convert_element_type3A : vector<48x1024xf32>
    %add3A_66 = arith.constant 5.000000e-01 : f32
    %add3A_67 = vector.broadcast %add3A_66 : f32 to vector<48x1024xf32>
    %add3A_68 = arith.addf %mul3A_65, %add3A_67 : vector<48x1024xf32>
    %add3A_69 = arith.addf %add3A_68, %slice3A : vector<48x1024xf32>
    %mul3A_70 = arith.constant 2.000000e+00 : f32
    %mul3A_71 = vector.broadcast %mul3A_70 : f32 to vector<48x1024xf32>
    %mul3A_72 = arith.mulf %mul3A_71, %convert_element_type3A_63 : vector<48x1024xf32>
    %add3A_73 = arith.constant 5.000000e-01 : f32
    %add3A_74 = vector.broadcast %add3A_73 : f32 to vector<48x1024xf32>
    %add3A_75 = arith.addf %mul3A_72, %add3A_74 : vector<48x1024xf32>
    %add3A_76 = arith.addf %add3A_75, %slice3A_12 : vector<48x1024xf32>
    %floor3A = math.floor %add3A_69 : vector<48x1024xf32>
    %floor3A_77 = math.floor %add3A_76 : vector<48x1024xf32>
    %sub3A_78 = arith.subf %add3A_69, %floor3A : vector<48x1024xf32>
    %sub3A_79 = arith.subf %add3A_76, %floor3A_77 : vector<48x1024xf32>
    %add3A_80 = arith.constant 1.000000e+00 : f32
    %add3A_81 = vector.broadcast %add3A_80 : f32 to vector<48x1024xf32>
    %add3A_82 = arith.addf %floor3A, %add3A_81 : vector<48x1024xf32>
    %add3A_83 = arith.constant 1.000000e+00 : f32
    %add3A_84 = vector.broadcast %add3A_83 : f32 to vector<48x1024xf32>
    %add3A_85 = arith.addf %floor3A_77, %add3A_84 : vector<48x1024xf32>
    %sub3A_86 = arith.constant 1.000000e+00 : f32
    %sub3A_87 = vector.broadcast %sub3A_86 : f32 to vector<48x1024xf32>
    %sub3A_88 = arith.subf %sub3A_87, %sub3A_78 : vector<48x1024xf32>
    %sub3A_89 = arith.constant 1.000000e+00 : f32
    %sub3A_90 = vector.broadcast %sub3A_89 : f32 to vector<48x1024xf32>
    %sub3A_91 = arith.subf %sub3A_90, %sub3A_79 : vector<48x1024xf32>
    %ge3A = arith.constant 0.000000e+00 : f32
    %ge3A_92 = vector.broadcast %ge3A : f32 to vector<48x1024xf32>
    %ge3A_93 = arith.cmpf oge, %floor3A, %ge3A_92 : vector<48x1024xf32>
    %le3A = arith.constant 6.300000e+01 : f32
    %le3A_94 = vector.broadcast %le3A : f32 to vector<48x1024xf32>
    %le3A_95 = arith.cmpf ole, %floor3A, %le3A_94 : vector<48x1024xf32>
    %and3A_96 = arith.andi %ge3A_93, %le3A_95 : vector<48x1024xi1>
    %ge3A_97 = arith.constant 0.000000e+00 : f32
    %ge3A_98 = vector.broadcast %ge3A_97 : f32 to vector<48x1024xf32>
    %ge3A_99 = arith.cmpf oge, %floor3A_77, %ge3A_98 : vector<48x1024xf32>
    %and3A_100 = arith.andi %and3A_96, %ge3A_99 : vector<48x1024xi1>
    %le3A_101 = arith.constant 6.300000e+01 : f32
    %le3A_102 = vector.broadcast %le3A_101 : f32 to vector<48x1024xf32>
    %le3A_103 = arith.cmpf ole, %floor3A_77, %le3A_102 : vector<48x1024xf32>
    %and3A_104 = arith.andi %and3A_100, %le3A_103 : vector<48x1024xi1>
    %convert_element_type3A_105 = arith.extui %and3A_104 : vector<48x1024xi1> to vector<48x1024xi32>
    %convert_element_type3A_106 = arith.sitofp %convert_element_type3A_105 : vector<48x1024xi32> to vector<48x1024xf32>
    %jit3A_107 = arith.constant 0.000000e+00 : f32
    %jit3A_108 = arith.constant 6.300000e+01 : f32
    %max3A = vector.broadcast %jit3A_107 : f32 to vector<48x1024xf32>
    %max3A_109 = arith.maximumf %max3A, %floor3A : vector<48x1024xf32>
    %min3A = vector.broadcast %jit3A_108 : f32 to vector<48x1024xf32>
    %min3A_110 = arith.minimumf %min3A, %max3A_109 : vector<48x1024xf32>
    %jit3A_111 = arith.constant 0.000000e+00 : f32
    %jit3A_112 = arith.constant 6.300000e+01 : f32
    %max3A_113 = vector.broadcast %jit3A_111 : f32 to vector<48x1024xf32>
    %max3A_114 = arith.maximumf %max3A_113, %floor3A_77 : vector<48x1024xf32>
    %min3A_115 = vector.broadcast %jit3A_112 : f32 to vector<48x1024xf32>
    %min3A_116 = arith.minimumf %min3A_115, %max3A_114 : vector<48x1024xf32>
    %mul3A_117 = arith.constant 6.400000e+01 : f32
    %mul3A_118 = vector.broadcast %mul3A_117 : f32 to vector<48x1024xf32>
    %mul3A_119 = arith.mulf %min3A_116, %mul3A_118 : vector<48x1024xf32>
    %add3A_120 = arith.addf %mul3A_119, %min3A_110 : vector<48x1024xf32>
    %convert_element_type3A_121 = arith.fptosi %add3A_120 : vector<48x1024xf32> to vector<48x1024xi32>
    %mul3A_122 = arith.mulf %div3A, %sub3A_88 : vector<48x1024xf32>
    %mul3A_123 = arith.mulf %mul3A_122, %sub3A_91 : vector<48x1024xf32>
    %mul3A_124 = arith.mulf %mul3A_123, %convert_element_type3A_106 : vector<48x1024xf32>
    %sub3A_125 = arith.constant 1.000000e+00 : f32
    %sub3A_126 = vector.broadcast %sub3A_125 : f32 to vector<48x1024xf32>
    %sub3A_127 = arith.subf %sub3A_126, %sub3A_79 : vector<48x1024xf32>
    %ge3A_128 = arith.constant 0.000000e+00 : f32
    %ge3A_129 = vector.broadcast %ge3A_128 : f32 to vector<48x1024xf32>
    %ge3A_130 = arith.cmpf oge, %add3A_82, %ge3A_129 : vector<48x1024xf32>
    %le3A_131 = arith.constant 6.300000e+01 : f32
    %le3A_132 = vector.broadcast %le3A_131 : f32 to vector<48x1024xf32>
    %le3A_133 = arith.cmpf ole, %add3A_82, %le3A_132 : vector<48x1024xf32>
    %and3A_134 = arith.andi %ge3A_130, %le3A_133 : vector<48x1024xi1>
    %ge3A_135 = arith.constant 0.000000e+00 : f32
    %ge3A_136 = vector.broadcast %ge3A_135 : f32 to vector<48x1024xf32>
    %ge3A_137 = arith.cmpf oge, %floor3A_77, %ge3A_136 : vector<48x1024xf32>
    %and3A_138 = arith.andi %and3A_134, %ge3A_137 : vector<48x1024xi1>
    %le3A_139 = arith.constant 6.300000e+01 : f32
    %le3A_140 = vector.broadcast %le3A_139 : f32 to vector<48x1024xf32>
    %le3A_141 = arith.cmpf ole, %floor3A_77, %le3A_140 : vector<48x1024xf32>
    %and3A_142 = arith.andi %and3A_138, %le3A_141 : vector<48x1024xi1>
    %convert_element_type3A_143 = arith.extui %and3A_142 : vector<48x1024xi1> to vector<48x1024xi32>
    %convert_element_type3A_144 = arith.sitofp %convert_element_type3A_143 : vector<48x1024xi32> to vector<48x1024xf32>
    %jit3A_145 = arith.constant 0.000000e+00 : f32
    %jit3A_146 = arith.constant 6.300000e+01 : f32
    %max3A_147 = vector.broadcast %jit3A_145 : f32 to vector<48x1024xf32>
    %max3A_148 = arith.maximumf %max3A_147, %add3A_82 : vector<48x1024xf32>
    %min3A_149 = vector.broadcast %jit3A_146 : f32 to vector<48x1024xf32>
    %min3A_150 = arith.minimumf %min3A_149, %max3A_148 : vector<48x1024xf32>
    %jit3A_151 = arith.constant 0.000000e+00 : f32
    %jit3A_152 = arith.constant 6.300000e+01 : f32
    %max3A_153 = vector.broadcast %jit3A_151 : f32 to vector<48x1024xf32>
    %max3A_154 = arith.maximumf %max3A_153, %floor3A_77 : vector<48x1024xf32>
    %min3A_155 = vector.broadcast %jit3A_152 : f32 to vector<48x1024xf32>
    %min3A_156 = arith.minimumf %min3A_155, %max3A_154 : vector<48x1024xf32>
    %mul3A_157 = arith.constant 6.400000e+01 : f32
    %mul3A_158 = vector.broadcast %mul3A_157 : f32 to vector<48x1024xf32>
    %mul3A_159 = arith.mulf %min3A_156, %mul3A_158 : vector<48x1024xf32>
    %add3A_160 = arith.addf %mul3A_159, %min3A_150 : vector<48x1024xf32>
    %convert_element_type3A_161 = arith.fptosi %add3A_160 : vector<48x1024xf32> to vector<48x1024xi32>
    %mul3A_162 = arith.mulf %div3A, %sub3A_78 : vector<48x1024xf32>
    %mul3A_163 = arith.mulf %mul3A_162, %sub3A_127 : vector<48x1024xf32>
    %mul3A_164 = arith.mulf %mul3A_163, %convert_element_type3A_144 : vector<48x1024xf32>
    %sub3A_165 = arith.constant 1.000000e+00 : f32
    %sub3A_166 = vector.broadcast %sub3A_165 : f32 to vector<48x1024xf32>
    %sub3A_167 = arith.subf %sub3A_166, %sub3A_78 : vector<48x1024xf32>
    %ge3A_168 = arith.constant 0.000000e+00 : f32
    %ge3A_169 = vector.broadcast %ge3A_168 : f32 to vector<48x1024xf32>
    %ge3A_170 = arith.cmpf oge, %floor3A, %ge3A_169 : vector<48x1024xf32>
    %le3A_171 = arith.constant 6.300000e+01 : f32
    %le3A_172 = vector.broadcast %le3A_171 : f32 to vector<48x1024xf32>
    %le3A_173 = arith.cmpf ole, %floor3A, %le3A_172 : vector<48x1024xf32>
    %and3A_174 = arith.andi %ge3A_170, %le3A_173 : vector<48x1024xi1>
    %ge3A_175 = arith.constant 0.000000e+00 : f32
    %ge3A_176 = vector.broadcast %ge3A_175 : f32 to vector<48x1024xf32>
    %ge3A_177 = arith.cmpf oge, %add3A_85, %ge3A_176 : vector<48x1024xf32>
    %and3A_178 = arith.andi %and3A_174, %ge3A_177 : vector<48x1024xi1>
    %le3A_179 = arith.constant 6.300000e+01 : f32
    %le3A_180 = vector.broadcast %le3A_179 : f32 to vector<48x1024xf32>
    %le3A_181 = arith.cmpf ole, %add3A_85, %le3A_180 : vector<48x1024xf32>
    %and3A_182 = arith.andi %and3A_178, %le3A_181 : vector<48x1024xi1>
    %convert_element_type3A_183 = arith.extui %and3A_182 : vector<48x1024xi1> to vector<48x1024xi32>
    %convert_element_type3A_184 = arith.sitofp %convert_element_type3A_183 : vector<48x1024xi32> to vector<48x1024xf32>
    %jit3A_185 = arith.constant 0.000000e+00 : f32
    %jit3A_186 = arith.constant 6.300000e+01 : f32
    %max3A_187 = vector.broadcast %jit3A_185 : f32 to vector<48x1024xf32>
    %max3A_188 = arith.maximumf %max3A_187, %floor3A : vector<48x1024xf32>
    %min3A_189 = vector.broadcast %jit3A_186 : f32 to vector<48x1024xf32>
    %min3A_190 = arith.minimumf %min3A_189, %max3A_188 : vector<48x1024xf32>
    %jit3A_191 = arith.constant 0.000000e+00 : f32
    %jit3A_192 = arith.constant 6.300000e+01 : f32
    %max3A_193 = vector.broadcast %jit3A_191 : f32 to vector<48x1024xf32>
    %max3A_194 = arith.maximumf %max3A_193, %add3A_85 : vector<48x1024xf32>
    %min3A_195 = vector.broadcast %jit3A_192 : f32 to vector<48x1024xf32>
    %min3A_196 = arith.minimumf %min3A_195, %max3A_194 : vector<48x1024xf32>
    %mul3A_197 = arith.constant 6.400000e+01 : f32
    %mul3A_198 = vector.broadcast %mul3A_197 : f32 to vector<48x1024xf32>
    %mul3A_199 = arith.mulf %min3A_196, %mul3A_198 : vector<48x1024xf32>
    %add3A_200 = arith.addf %mul3A_199, %min3A_190 : vector<48x1024xf32>
    %convert_element_type3A_201 = arith.fptosi %add3A_200 : vector<48x1024xf32> to vector<48x1024xi32>
    %mul3A_202 = arith.mulf %div3A, %sub3A_167 : vector<48x1024xf32>
    %mul3A_203 = arith.mulf %mul3A_202, %sub3A_79 : vector<48x1024xf32>
    %mul3A_204 = arith.mulf %mul3A_203, %convert_element_type3A_184 : vector<48x1024xf32>
    %ge3A_205 = arith.constant 0.000000e+00 : f32
    %ge3A_206 = vector.broadcast %ge3A_205 : f32 to vector<48x1024xf32>
    %ge3A_207 = arith.cmpf oge, %add3A_82, %ge3A_206 : vector<48x1024xf32>
    %le3A_208 = arith.constant 6.300000e+01 : f32
    %le3A_209 = vector.broadcast %le3A_208 : f32 to vector<48x1024xf32>
    %le3A_210 = arith.cmpf ole, %add3A_82, %le3A_209 : vector<48x1024xf32>
    %and3A_211 = arith.andi %ge3A_207, %le3A_210 : vector<48x1024xi1>
    %ge3A_212 = arith.constant 0.000000e+00 : f32
    %ge3A_213 = vector.broadcast %ge3A_212 : f32 to vector<48x1024xf32>
    %ge3A_214 = arith.cmpf oge, %add3A_85, %ge3A_213 : vector<48x1024xf32>
    %and3A_215 = arith.andi %and3A_211, %ge3A_214 : vector<48x1024xi1>
    %le3A_216 = arith.constant 6.300000e+01 : f32
    %le3A_217 = vector.broadcast %le3A_216 : f32 to vector<48x1024xf32>
    %le3A_218 = arith.cmpf ole, %add3A_85, %le3A_217 : vector<48x1024xf32>
    %and3A_219 = arith.andi %and3A_215, %le3A_218 : vector<48x1024xi1>
    %convert_element_type3A_220 = arith.extui %and3A_219 : vector<48x1024xi1> to vector<48x1024xi32>
    %convert_element_type3A_221 = arith.sitofp %convert_element_type3A_220 : vector<48x1024xi32> to vector<48x1024xf32>
    %jit3A_222 = arith.constant 0.000000e+00 : f32
    %jit3A_223 = arith.constant 6.300000e+01 : f32
    %max3A_224 = vector.broadcast %jit3A_222 : f32 to vector<48x1024xf32>
    %max3A_225 = arith.maximumf %max3A_224, %add3A_82 : vector<48x1024xf32>
    %min3A_226 = vector.broadcast %jit3A_223 : f32 to vector<48x1024xf32>
    %min3A_227 = arith.minimumf %min3A_226, %max3A_225 : vector<48x1024xf32>
    %jit3A_228 = arith.constant 0.000000e+00 : f32
    %jit3A_229 = arith.constant 6.300000e+01 : f32
    %max3A_230 = vector.broadcast %jit3A_228 : f32 to vector<48x1024xf32>
    %max3A_231 = arith.maximumf %max3A_230, %add3A_85 : vector<48x1024xf32>
    %min3A_232 = vector.broadcast %jit3A_229 : f32 to vector<48x1024xf32>
    %min3A_233 = arith.minimumf %min3A_232, %max3A_231 : vector<48x1024xf32>
    %mul3A_234 = arith.constant 6.400000e+01 : f32
    %mul3A_235 = vector.broadcast %mul3A_234 : f32 to vector<48x1024xf32>
    %mul3A_236 = arith.mulf %min3A_233, %mul3A_235 : vector<48x1024xf32>
    %add3A_237 = arith.addf %mul3A_236, %min3A_227 : vector<48x1024xf32>
    %convert_element_type3A_238 = arith.fptosi %add3A_237 : vector<48x1024xf32> to vector<48x1024xi32>
    %mul3A_239 = arith.mulf %div3A, %sub3A_78 : vector<48x1024xf32>
    %mul3A_240 = arith.mulf %mul3A_239, %sub3A_79 : vector<48x1024xf32>
    %mul3A_241 = arith.mulf %mul3A_240, %convert_element_type3A_221 : vector<48x1024xf32>
    %swap3A = arith.constant 0 : index
    %swap3A_242 = arith.constant 0 : index
    %swap3A_243 = arith.constant 0 : index
    %swap3A_244 = arith.constant 0 : index
    %swap3A_245 = vector.load %arg5[%swap3A, %swap3A_242, %swap3A_243, %swap3A_244] : memref<1x48x4x1024xf32, #tpu.memory_space<vmem>>, vector<1x48x1x1024xf32>
    %swap3A_246 = vector.shape_cast %swap3A_245 : vector<1x48x1x1024xf32> to vector<48x1024xf32>
    %swap3A_247 = vector.shape_cast %mul3A_124 : vector<48x1024xf32> to vector<1x48x1x1024xf32>
    tpu.vector_store %arg5[%swap3A, %swap3A_242, %swap3A_243, %swap3A_244], %swap3A_247 {strides = array<i32>} : memref<1x48x4x1024xf32, #tpu.memory_space<vmem>>, vector<1x48x1x1024xf32>,
    %swap3A_248 = arith.constant 0 : index
    %swap3A_249 = arith.constant 0 : index
    %swap3A_250 = arith.constant 1 : index
    %swap3A_251 = arith.constant 0 : index
    %swap3A_252 = vector.load %arg5[%swap3A_248, %swap3A_249, %swap3A_250, %swap3A_251] : memref<1x48x4x1024xf32, #tpu.memory_space<vmem>>, vector<1x48x1x1024xf32>
    %swap3A_253 = vector.shape_cast %swap3A_252 : vector<1x48x1x1024xf32> to vector<48x1024xf32>
    %swap3A_254 = vector.shape_cast %mul3A_164 : vector<48x1024xf32> to vector<1x48x1x1024xf32>
    tpu.vector_store %arg5[%swap3A_248, %swap3A_249, %swap3A_250, %swap3A_251], %swap3A_254 {strides = array<i32>} : memref<1x48x4x1024xf32, #tpu.memory_space<vmem>>, vector<1x48x1x1024xf32>,
    %swap3A_255 = arith.constant 0 : index
    %swap3A_256 = arith.constant 0 : index
    %swap3A_257 = arith.constant 2 : index
    %swap3A_258 = arith.constant 0 : index
    %swap3A_259 = vector.load %arg5[%swap3A_255, %swap3A_256, %swap3A_257, %swap3A_258] : memref<1x48x4x1024xf32, #tpu.memory_space<vmem>>, vector<1x48x1x1024xf32>
    %swap3A_260 = vector.shape_cast %swap3A_259 : vector<1x48x1x1024xf32> to vector<48x1024xf32>
    %swap3A_261 = vector.shape_cast %mul3A_204 : vector<48x1024xf32> to vector<1x48x1x1024xf32>
    tpu.vector_store %arg5[%swap3A_255, %swap3A_256, %swap3A_257, %swap3A_258], %swap3A_261 {strides = array<i32>} : memref<1x48x4x1024xf32, #tpu.memory_space<vmem>>, vector<1x48x1x1024xf32>,
    %swap3A_262 = arith.constant 0 : index
    %swap3A_263 = arith.constant 0 : index
    %swap3A_264 = arith.constant 3 : index
    %swap3A_265 = arith.constant 0 : index
    %swap3A_266 = vector.load %arg5[%swap3A_262, %swap3A_263, %swap3A_264, %swap3A_265] : memref<1x48x4x1024xf32, #tpu.memory_space<vmem>>, vector<1x48x1x1024xf32>
    %swap3A_267 = vector.shape_cast %swap3A_266 : vector<1x48x1x1024xf32> to vector<48x1024xf32>
    %swap3A_268 = vector.shape_cast %mul3A_241 : vector<48x1024xf32> to vector<1x48x1x1024xf32>
    tpu.vector_store %arg5[%swap3A_262, %swap3A_263, %swap3A_264, %swap3A_265], %swap3A_268 {strides = array<i32>} : memref<1x48x4x1024xf32, #tpu.memory_space<vmem>>, vector<1x48x1x1024xf32>,
    %swap3A_269 = arith.constant 0 : index
    %swap3A_270 = arith.constant 0 : index
    %swap3A_271 = arith.constant 0 : index
    %swap3A_272 = arith.constant 0 : index
    %swap3A_273 = vector.load %arg6[%swap3A_269, %swap3A_270, %swap3A_271, %swap3A_272] : memref<1x48x4x1024xi32, #tpu.memory_space<vmem>>, vector<1x48x1x1024xi32>
    %swap3A_274 = vector.shape_cast %swap3A_273 : vector<1x48x1x1024xi32> to vector<48x1024xi32>
    %swap3A_275 = vector.shape_cast %convert_element_type3A_121 : vector<48x1024xi32> to vector<1x48x1x1024xi32>
    tpu.vector_store %arg6[%swap3A_269, %swap3A_270, %swap3A_271, %swap3A_272], %swap3A_275 {strides = array<i32>} : memref<1x48x4x1024xi32, #tpu.memory_space<vmem>>, vector<1x48x1x1024xi32>,
    %swap3A_276 = arith.constant 0 : index
    %swap3A_277 = arith.constant 0 : index
    %swap3A_278 = arith.constant 1 : index
    %swap3A_279 = arith.constant 0 : index
    %swap3A_280 = vector.load %arg6[%swap3A_276, %swap3A_277, %swap3A_278, %swap3A_279] : memref<1x48x4x1024xi32, #tpu.memory_space<vmem>>, vector<1x48x1x1024xi32>
    %swap3A_281 = vector.shape_cast %swap3A_280 : vector<1x48x1x1024xi32> to vector<48x1024xi32>
    %swap3A_282 = vector.shape_cast %convert_element_type3A_161 : vector<48x1024xi32> to vector<1x48x1x1024xi32>
    tpu.vector_store %arg6[%swap3A_276, %swap3A_277, %swap3A_278, %swap3A_279], %swap3A_282 {strides = array<i32>} : memref<1x48x4x1024xi32, #tpu.memory_space<vmem>>, vector<1x48x1x1024xi32>,
    %swap3A_283 = arith.constant 0 : index
    %swap3A_284 = arith.constant 0 : index
    %swap3A_285 = arith.constant 2 : index
    %swap3A_286 = arith.constant 0 : index
    %swap3A_287 = vector.load %arg6[%swap3A_283, %swap3A_284, %swap3A_285, %swap3A_286] : memref<1x48x4x1024xi32, #tpu.memory_space<vmem>>, vector<1x48x1x1024xi32>
    %swap3A_288 = vector.shape_cast %swap3A_287 : vector<1x48x1x1024xi32> to vector<48x1024xi32>
    %swap3A_289 = vector.shape_cast %convert_element_type3A_201 : vector<48x1024xi32> to vector<1x48x1x1024xi32>
    tpu.vector_store %arg6[%swap3A_283, %swap3A_284, %swap3A_285, %swap3A_286], %swap3A_289 {strides = array<i32>} : memref<1x48x4x1024xi32, #tpu.memory_space<vmem>>, vector<1x48x1x1024xi32>,
    %swap3A_290 = arith.constant 0 : index
    %swap3A_291 = arith.constant 0 : index
    %swap3A_292 = arith.constant 3 : index
    %swap3A_293 = arith.constant 0 : index
    %swap3A_294 = vector.load %arg6[%swap3A_290, %swap3A_291, %swap3A_292, %swap3A_293] : memref<1x48x4x1024xi32, #tpu.memory_space<vmem>>, vector<1x48x1x1024xi32>
    %swap3A_295 = vector.shape_cast %swap3A_294 : vector<1x48x1x1024xi32> to vector<48x1024xi32>
    %swap3A_296 = vector.shape_cast %convert_element_type3A_238 : vector<48x1024xi32> to vector<1x48x1x1024xi32>
    tpu.vector_store %arg6[%swap3A_290, %swap3A_291, %swap3A_292, %swap3A_293], %swap3A_296 {strides = array<i32>} : memref<1x48x4x1024xi32, #tpu.memory_space<vmem>>, vector<1x48x1x1024xi32>,
    return
  }
  func.func @transform_0(%arg0: i32) -> (i32, i32, i32) {
    %c0_i32 = arith.constant 0 : i32
    %c0_i32_0 = arith.constant 0 : i32
    %c0_i32_1 = arith.constant 0 : i32
    return %arg0, %c0_i32, %c0_i32_0 : i32, i32, i32
  }
  func.func @transform_1(%arg0: i32) -> (i32, i32) {
    %c0_i32 = arith.constant 0 : i32
    %c0_i32_0 = arith.constant 0 : i32
    %c0_i32_1 = arith.constant 0 : i32
    return %c0_i32, %c0_i32_0 : i32, i32
  }
  func.func @transform_2(%arg0: i32) -> (i32, i32) {
    %c0_i32 = arith.constant 0 : i32
    %c0_i32_0 = arith.constant 0 : i32
    %c0_i32_1 = arith.constant 0 : i32
    return %c0_i32, %c0_i32_0 : i32, i32
  }
  func.func @transform_3(%arg0: i32) -> (i32, i32) {
    %c0_i32 = arith.constant 0 : i32
    %c0_i32_0 = arith.constant 0 : i32
    %c0_i32_1 = arith.constant 0 : i32
    return %c0_i32, %c0_i32_0 : i32, i32
  }
  func.func @transform_4(%arg0: i32) -> (i32, i32, i32, i32) {
    %c0_i32 = arith.constant 0 : i32
    %c0_i32_0 = arith.constant 0 : i32
    %c0_i32_1 = arith.constant 0 : i32
    %c0_i32_2 = arith.constant 0 : i32
    return %arg0, %c0_i32, %c0_i32_0, %c0_i32_1 : i32, i32, i32, i32
  }
  func.func @transform_5(%arg0: i32) -> (i32, i32, i32, i32) {
    %c0_i32 = arith.constant 0 : i32
    %c0_i32_0 = arith.constant 0 : i32
    %c0_i32_1 = arith.constant 0 : i32
    %c0_i32_2 = arith.constant 0 : i32
    return %arg0, %c0_i32, %c0_i32_0, %c0_i32_1 : i32, i32, i32, i32
  }
}

module attributes {stable_mosaic.version = 14 : i64} {
  func.func @_value_body(%arg0: i32, %arg1: i32, %arg2: memref<1x512x768xf32, #tpu.memory_space<vmem>>, %arg3: memref<768x768xf32, #tpu.memory_space<vmem>>, %arg4: memref<768x1xf32, #tpu.memory_space<vmem>>, %arg5: memref<1x48x16x512xf32, #tpu.memory_space<vmem>>) attributes {dimension_semantics = [#tpu.dimension_semantics<arbitrary>, #tpu.dimension_semantics<arbitrary>], iteration_bounds = array<i64: 8, 8>, scalar_prefetch = 0 : i64, scratch_operands = 0 : i64, tpu.core_type = #tpu.core_type<tc>, window_params = [{transform_indices = @transform_0, window_bounds = array<i64: 1, 512, 768>}, {pipeline_mode = #tpu.pipeline_mode<synchronous>, transform_indices = @transform_1, window_bounds = array<i64: 768, 768>}, {pipeline_mode = #tpu.pipeline_mode<synchronous>, transform_indices = @transform_2, window_bounds = array<i64: 768, 1>}, {transform_indices = @transform_3, window_bounds = array<i64: 1, 48, 16, 512>}]} {
    %get3A = arith.constant 0 : index
    %get3A_0 = arith.constant 0 : index
    %get3A_1 = vector.load %arg3[%get3A, %get3A_0] : memref<768x768xf32, #tpu.memory_space<vmem>>, vector<768x768xf32>
    %get3A_2 = arith.constant 0 : index
    %get3A_3 = arith.constant 0 : index
    %get3A_4 = arith.constant 0 : index
    %get3A_5 = vector.load %arg2[%get3A_2, %get3A_3, %get3A_4] : memref<1x512x768xf32, #tpu.memory_space<vmem>>, vector<1x512x768xf32>
    %get3A_6 = vector.shape_cast %get3A_5 : vector<1x512x768xf32> to vector<512x768xf32>
    %dot_general3A = arith.constant dense<0.000000e+00> : vector<768x512xf32>
    %dot_general3A_7 = tpu.matmul %get3A_1, %get3A_6, %dot_general3A {dimension_numbers = #tpu.dot_dimension_numbers<[0], [1], [1], [0], [0, 1, 1, 0], [], []>, transpose_lhs_hint = false} : vector<768x768xf32>, vector<512x768xf32>, vector<768x512xf32> -> vector<768x512xf32>
    %get3A_8 = arith.constant 0 : index
    %get3A_9 = arith.constant 0 : index
    %get3A_10 = vector.load %arg4[%get3A_8, %get3A_9] : memref<768x1xf32, #tpu.memory_space<vmem>>, vector<768x1xf32>
    %add3A = vector.broadcast %get3A_10 : vector<768x1xf32> to vector<768x512xf32>
    %add3A_11 = arith.addf %dot_general3A_7, %add3A : vector<768x512xf32>
    %reshape3A = vector.shape_cast %add3A_11 : vector<768x512xf32> to vector<48x16x512xf32>
    %swap3A = arith.constant 0 : index
    %swap3A_12 = arith.constant 0 : index
    %swap3A_13 = arith.constant 0 : index
    %swap3A_14 = arith.constant 0 : index
    %swap3A_15 = vector.load %arg5[%swap3A, %swap3A_12, %swap3A_13, %swap3A_14] : memref<1x48x16x512xf32, #tpu.memory_space<vmem>>, vector<1x48x16x512xf32>
    %swap3A_16 = vector.shape_cast %swap3A_15 : vector<1x48x16x512xf32> to vector<48x16x512xf32>
    %swap3A_17 = vector.shape_cast %reshape3A : vector<48x16x512xf32> to vector<1x48x16x512xf32>
    tpu.vector_store %arg5[%swap3A, %swap3A_12, %swap3A_13, %swap3A_14], %swap3A_17 {strides = array<i32>} : memref<1x48x16x512xf32, #tpu.memory_space<vmem>>, vector<1x48x16x512xf32>,
    return
  }
  func.func @transform_0(%arg0: i32, %arg1: i32) -> (i32, i32, i32) {
    %c0_i32 = arith.constant 0 : i32
    %c0_i32_0 = arith.constant 0 : i32
    return %arg0, %arg1, %c0_i32 : i32, i32, i32
  }
  func.func @transform_1(%arg0: i32, %arg1: i32) -> (i32, i32) {
    %c0_i32 = arith.constant 0 : i32
    %c0_i32_0 = arith.constant 0 : i32
    %c0_i32_1 = arith.constant 0 : i32
    return %c0_i32, %c0_i32_0 : i32, i32
  }
  func.func @transform_2(%arg0: i32, %arg1: i32) -> (i32, i32) {
    %c0_i32 = arith.constant 0 : i32
    %c0_i32_0 = arith.constant 0 : i32
    %c0_i32_1 = arith.constant 0 : i32
    return %c0_i32, %c0_i32_0 : i32, i32
  }
  func.func @transform_3(%arg0: i32, %arg1: i32) -> (i32, i32, i32, i32) {
    %c0_i32 = arith.constant 0 : i32
    %c0_i32_0 = arith.constant 0 : i32
    %c0_i32_1 = arith.constant 0 : i32
    return %arg0, %c0_i32, %c0_i32_0, %arg1 : i32, i32, i32, i32
  }
}

module attributes {stable_mosaic.version = 14 : i64} {
  func.func @_out_body(%arg0: i32, %arg1: memref<1x48x16384xf32, #tpu.memory_space<vmem>>, %arg2: memref<768x768xf32, #tpu.memory_space<vmem>>, %arg3: memref<1x768xf32, #tpu.memory_space<vmem>>, %arg4: memref<1x1024x768xf32, #tpu.memory_space<vmem>>) attributes {dimension_semantics = [#tpu.dimension_semantics<arbitrary>], iteration_bounds = array<i64: 8>, scalar_prefetch = 0 : i64, scratch_operands = 0 : i64, tpu.core_type = #tpu.core_type<tc>, window_params = [{transform_indices = @transform_0, window_bounds = array<i64: 1, 48, 16384>}, {pipeline_mode = #tpu.pipeline_mode<synchronous>, transform_indices = @transform_1, window_bounds = array<i64: 768, 768>}, {pipeline_mode = #tpu.pipeline_mode<synchronous>, transform_indices = @transform_2, window_bounds = array<i64: 1, 768>}, {transform_indices = @transform_3, window_bounds = array<i64: 1, 1024, 768>}]} {
    %get3A = arith.constant 0 : index
    %get3A_0 = arith.constant 0 : index
    %get3A_1 = arith.constant 0 : index
    %get3A_2 = vector.load %arg1[%get3A, %get3A_0, %get3A_1] : memref<1x48x16384xf32, #tpu.memory_space<vmem>>, vector<1x48x16384xf32>
    %get3A_3 = vector.shape_cast %get3A_2 : vector<1x48x16384xf32> to vector<48x16384xf32>
    %reshape3A = vector.shape_cast %get3A_3 : vector<48x16384xf32> to vector<768x1024xf32>
    %get3A_4 = arith.constant 0 : index
    %get3A_5 = arith.constant 0 : index
    %get3A_6 = vector.load %arg2[%get3A_4, %get3A_5] : memref<768x768xf32, #tpu.memory_space<vmem>>, vector<768x768xf32>
    %dot_general3A = arith.constant dense<0.000000e+00> : vector<1024x768xf32>
    %dot_general3A_7 = tpu.matmul %reshape3A, %get3A_6, %dot_general3A {dimension_numbers = #tpu.dot_dimension_numbers<[0], [0], [1], [1], [0, 1, 1, 1], [], []>, transpose_lhs_hint = false} : vector<768x1024xf32>, vector<768x768xf32>, vector<1024x768xf32> -> vector<1024x768xf32>
    %get3A_8 = arith.constant 0 : index
    %get3A_9 = arith.constant 0 : index
    %get3A_10 = vector.load %arg3[%get3A_8, %get3A_9] : memref<1x768xf32, #tpu.memory_space<vmem>>, vector<1x768xf32>
    %add3A = vector.broadcast %get3A_10 : vector<1x768xf32> to vector<1024x768xf32>
    %add3A_11 = arith.addf %dot_general3A_7, %add3A : vector<1024x768xf32>
    %swap3A = arith.constant 0 : index
    %swap3A_12 = arith.constant 0 : index
    %swap3A_13 = arith.constant 0 : index
    %swap3A_14 = vector.load %arg4[%swap3A, %swap3A_12, %swap3A_13] : memref<1x1024x768xf32, #tpu.memory_space<vmem>>, vector<1x1024x768xf32>
    %swap3A_15 = vector.shape_cast %swap3A_14 : vector<1x1024x768xf32> to vector<1024x768xf32>
    %swap3A_16 = vector.shape_cast %add3A_11 : vector<1024x768xf32> to vector<1x1024x768xf32>
    tpu.vector_store %arg4[%swap3A, %swap3A_12, %swap3A_13], %swap3A_16 {strides = array<i32>} : memref<1x1024x768xf32, #tpu.memory_space<vmem>>, vector<1x1024x768xf32>,
    return
  }
  func.func @transform_0(%arg0: i32) -> (i32, i32, i32) {
    %c0_i32 = arith.constant 0 : i32
    %c0_i32_0 = arith.constant 0 : i32
    %c0_i32_1 = arith.constant 0 : i32
    return %arg0, %c0_i32, %c0_i32_0 : i32, i32, i32
  }
  func.func @transform_1(%arg0: i32) -> (i32, i32) {
    %c0_i32 = arith.constant 0 : i32
    %c0_i32_0 = arith.constant 0 : i32
    %c0_i32_1 = arith.constant 0 : i32
    return %c0_i32, %c0_i32_0 : i32, i32
  }
  func.func @transform_2(%arg0: i32) -> (i32, i32) {
    %c0_i32 = arith.constant 0 : i32
    %c0_i32_0 = arith.constant 0 : i32
    %c0_i32_1 = arith.constant 0 : i32
    return %c0_i32, %c0_i32_0 : i32, i32
  }
  func.func @transform_3(%arg0: i32) -> (i32, i32, i32) {
    %c0_i32 = arith.constant 0 : i32
    %c0_i32_0 = arith.constant 0 : i32
    %c0_i32_1 = arith.constant 0 : i32
    return %arg0, %c0_i32, %c0_i32_0 : i32, i32, i32
  }
}

</mosaic_0001>

<sc_bundles>
// kernel: kernel.7.cloned.1.call-start
scs
__scs_entry_jumppad:
0x0: {  	(pc) =	sbr.rel $0x88, $3  }
0x1: {  	(tag) =	ssettag $0x0;
	lr =	simm.s32 $0x1  }
0x2: {  	[smem:$0x3F93] =	sst lr;
	_ =	strace $0xD0000000  }
0x3: {  	_ = 	snop  }
0x4: {  	_ = 	snop  }
0x5: {  	_ = 	snop  }
0x6: {  	_ = 	snop  }
0x7: {  	_ = 	snop  }
__scs_overlays_trampoline_lowered:
0x8: {  	[smem:$0x3FA2] =	sst s0  }
0x9: {  	[smem:$0x3FA3] =	sst s1  }
0xa: {  	[smem:$0x3FA4] =	sst s2  }
0xb: {  	[smem:$0x3FA5] =	sst s3  }
0xc: {  	[smem:$0x3FA6] =	sst s4  }
0xd: {  	[smem:$0x3FA7] =	sst s5  }
0xe: {  	[smem:$0x3FA8] =	sst s6  }
0xf: {  	[smem:$0x3FA9] =	sst s7  }
0x10: {  	[smem:$0x3FAA] =	sst s8  }
0x11: {  	[smem:$0x3FAB] =	sst s9;
	s0 =	simm.s32 @!p0 $0x0  }
0x12: {  	s1 =	sld [smem:$0x3F91];
	s0 =	simm.s32 @p0 $0x1  }
0x13: {  	[smem:$0x3FAC] =	sst s0;
	s0 =	simm.s32 @!p1 $0x0  }
0x14: {  	s2 =	sld [smem:$0x3F90];
	s0 =	simm.s32 @p1 $0x1  }
0x15: {  	[smem:$0x3FAD] =	sst s0;
	s0 =	simm.s32 @!p2 $0x0  }
0x16: {  	s3 =	sld [smem:$0x3FDB];
	s0 =	simm.s32 @p2 $0x1  }
0x17: {  	s4 =	simm.s32 $0x1BF5;
	[smem:$0x3FAF] =	sst s0  }
0x18: {  	s0 =	sld [smem:$0x3F92];
	_ =	swait.ge [sflag:s4], $0x0  }
0x19: {  	s7 =	sld [smem:$0x3F93]  }
0x1a: {  	s8 =	sadd.s32 $0xFFFFE003, lr  }
0x1b: {  	s9 =	sadd.s32 $0xFFFFFEF7, lr;
	s5 =	simm.s32 $0xFFFFFFFF;
	p2 =	slt.u32 s8, $0xFFFFF086  }
0x1c: {  	p1 =	slt.u32 s9, $0xF7A;
	s5 =	simm.s32 @!p2 $0x0  }
0x1d: {  	s5 =	simm.s32 @p1 $0x1;
	p0 =	seq.s32 s7, s2  }
0x1e: {  	s7 =	smul.u32 @!p0 $0xF7A, s2;
	p2 =	seq.s32 @!p0 s5, $0x0  }
0x1f: {  	s9 =	smul.u32 $0xF7A, s1;
	s8 =	simm.s32 @!p0 $0x1BF5;
	p2 =	por !p2, p0  }
0x20: {  	[sflag:s8] =	ssyncset.s32 @!p0 $0xFFFFF086;
	s6 =	sadd.s32 @!p0 s3, s7;
	s7 =	simm.s32 @!p0 $0x108  }
0x21: {  	s3 =	sadd.s32 s3, s9;
	s6 =	sadd.s32 @!p0 $0x88, s6;
	s7 =	simm.s32 @p2 $0x1082  }
0x22: {  	[simem:s7], [sflag:s8] =	dma.local @!p0 [hbm:s6], $0xF7A  }
0x23: {  	s9 =	sor.u32 $0xD0000000, s2;
	s6 =	simm.s32 $0x108;
	_ =	swait.ge @!p0 [sflag:s8], $0x0  }
0x24: {  	s3 =	sadd.s32 $0x88, s3;
	s6 =	simm.s32 @!p1 $0x1082;
	[sflag:s4] =	ssyncset.s32 $0xFFFFF086  }
0x25: {  	[simem:s6], [sflag:s4] =	dma.local [hbm:s3], $0xF7A  }
0x26: {  	[smem:$0x3F93] =	sst s1;
	(tag) =	ssettag s2;
	_ =	strace s9  }
0x27: {  	s1 =	sld [smem:$0x3FA3]  }
0x28: {  	s2 =	sld [smem:$0x3FA4]  }
0x29: {  	s4 =	sld [smem:$0x3FA6]  }
0x2a: {  	p0 =	seq.s32 s5, $0x0;
	s5 =	sld [smem:$0x3FA7]  }
0x2b: {  	s6 =	sld [smem:$0x3FA8]  }
0x2c: {  	s7 =	sld [smem:$0x3FA9]  }
0x2d: {  	s3 =	simm.s32 $0x108;
	s8 =	sld [smem:$0x3FAA]  }
0x2e: {  	s3 =	simm.s32 @!p0 $0x1082;
	s9 =	sld [smem:$0x3FAB]  }
0x2f: {  	lr =	sadd.s32 s0, s3;
	s0 =	sld [smem:$0x3FA2]  }
0x30: {  	s3 =	sld [smem:$0x3FA5]  }
0x31: {  	[smem:$0x3FAE] =	sst s10  }
0x32: {  	s10 =	sld [smem:$0x3FAC];
	_ =	sdelay $0x3  }
0x33: {  	p0 =	seq.s32 s10, $0x1;
	s10 =	sld [smem:$0x3FAE];
	_ =	sdelay $0x3  }
0x34: {  	[smem:$0x3FAE] =	sst s10  }
0x35: {  	s10 =	sld [smem:$0x3FAD];
	_ =	sdelay $0x3  }
0x36: {  	p1 =	seq.s32 s10, $0x1;
	s10 =	sld [smem:$0x3FAE];
	_ =	sdelay $0x3  }
0x37: {  	[smem:$0x3FAE] =	sst s10  }
0x38: {  	s10 =	sld [smem:$0x3FAF]  }
0x39: {  	_ = 	snop;
	(pc) =	sbr.ind lr, $3  }
0x3a: {  	_ = 	snop  }
0x3b: {  	_ = 	snop  }
0x3c: {  	p2 =	seq.s32 s10, $0x1;
	s10 =	sld [smem:$0x3FAE]  }
0x3d: {  	_ =	shalt  }
0x3e: {  	_ =	shalt  }
0x3f: {  	_ =	shalt  }
0x40: {  	_ =	shalt  }
0x41: {  	_ =	shalt  }
0x42: {  	_ =	shalt  }
0x43: {  	_ =	shalt  }
0x44: {  	_ =	shalt  }
0x45: {  	_ =	shalt  }
0x46: {  	_ =	shalt  }
0x47: {  	_ =	shalt  }
0x48: {  	_ =	shalt  }
0x49: {  	_ =	shalt  }
0x4a: {  	_ =	shalt  }
0x4b: {  	_ =	shalt  }
0x4c: {  	_ =	shalt  }
0x4d: {  	_ =	shalt  }
0x4e: {  	_ =	shalt  }
0x4f: {  	_ =	shalt  }
0x50: {  	_ =	shalt  }
0x51: {  	_ =	shalt  }
0x52: {  	_ =	shalt  }
0x53: {  	_ =	shalt  }
0x54: {  	_ =	shalt  }
0x55: {  	_ =	shalt  }
0x56: {  	_ =	shalt  }
0x57: {  	_ =	shalt  }
0x58: {  	_ =	shalt  }
0x59: {  	_ =	shalt  }
0x5a: {  	_ =	shalt  }
0x5b: {  	_ =	shalt  }
0x5c: {  	_ =	shalt  }
0x5d: {  	_ =	shalt  }
0x5e: {  	_ =	shalt  }
0x5f: {  	_ =	shalt  }
0x60: {  	_ =	shalt  }
0x61: {  	_ =	shalt  }
0x62: {  	_ =	shalt  }
0x63: {  	_ =	shalt  }
0x64: {  	_ =	shalt  }
0x65: {  	_ =	shalt  }
0x66: {  	_ =	shalt  }
0x67: {  	_ =	shalt  }
0x68: {  	_ =	shalt  }
0x69: {  	_ =	shalt  }
0x6a: {  	_ =	shalt  }
0x6b: {  	_ =	shalt  }
0x6c: {  	_ =	shalt  }
0x6d: {  	_ =	shalt  }
0x6e: {  	_ =	shalt  }
0x6f: {  	_ =	shalt  }
0x70: {  	_ =	shalt  }
0x71: {  	_ =	shalt  }
0x72: {  	_ =	shalt  }
0x73: {  	_ =	shalt  }
0x74: {  	_ =	shalt  }
0x75: {  	_ =	shalt  }
0x76: {  	_ =	shalt  }
0x77: {  	_ =	shalt  }
0x78: {  	_ =	shalt  }
0x79: {  	_ =	shalt  }
0x7a: {  	_ =	shalt  }
0x7b: {  	_ =	shalt  }
0x7c: {  	_ =	shalt  }
0x7d: {  	_ =	shalt  }
0x7e: {  	_ =	shalt  }
0x7f: {  	_ =	shalt  }
0x80: {  	_ =	shalt  }
0x81: {  	_ =	shalt  }
0x82: {  	_ =	shalt  }
0x83: {  	_ =	shalt  }
0x84: {  	_ =	shalt  }
0x85: {  	_ =	shalt  }
0x86: {  	_ =	shalt  }
0x87: {  	_ =	shalt  }
.Lfunc_end0:
.L_simem_size_0:
called_computation_lowered:
.L_overlay_start_0:
0x88: {  	s2 =	sld [smem:$0x3FD9]  }
0x89: {  	s3 =	sld [smem:$0x3FFE];
	_ =	sdelay $0x1  }
0x8a: {  	s1 =	srdreg.scid  }
0x8b: {  	s0 =	sand.u32 $0x1, s1  }
0x8c: {  	s17 =	sshll.u32 s0, $0xA;
	s2 =	sadd.s32 s3, s2  }
0x8d: {  	s2 =	sadd.s32 s2, s17  }
0x8e: {  	[smem:$0x3FBA] =	sst s2  }
0x8f: {  	_ = 	snop  }
0x90: {  	s2 =	sld [smem:$0x3FD0];
	(tm) =	ssettm $0x1  }
0x91: {  	s18 =	sld [smem:$0x3FFB];
	_ =	sdelay $0x3  }
0x92: {  	_ =	strace s18  }
0x93: {  	s3 =	sld [smem:$0x3FFC];
	_ =	sdelay $0x3  }
0x94: {  	_ =	strace s3  }
0x95: {  	s3 =	sld [smem:$0x3FFD];
	_ =	sdelay $0x3  }
0x96: {  	_ =	strace s3  }
0x97: {  	_ =	strace $0x8FFFFFFF  }
0x98: {  	s19 =	sld [smem:$0x3FDB];
	_ =	sdelay $0x1  }
0x99: {  	s4 =	simm.s32 $_scs_section_size  }
0x9a: {  	s5 =	simm.s32 $_size__tile_overlayer_lowered;
	s6 =	simm.s32 $_tile_overlayer_lowered  }
0x9b: {  	s22 =	simm.s32 $0x1BFF;
	s21 =	sshll.u32 s6, $0x1;
	s3 =	sadd.s32 s4, s19  }
0x9c: {  	s7 =	simm.s32 $0x0;
	s20 =	sshll.u32 s5, $0x1;
	s5 =	sadd.s32 s21, s3  }
0x9d: {  	[timem:s7], [sflag:s22] =	dma.local [hbm:s5], s20  }
0x9e: {  	_ =	swait.ge [sflag:s22], s20  }
0x9f: {  	s4 =	ssub.s32 $0x0, s20;
	[sflag:s22] =	ssyncset.done $0x0  }
0xa0: {  	[sflag:s22] =	ssyncadd.s32 s4;
	_ =	sdelay $0x1  }
0xa1: {  	s23 =	simm.s32 $0x1B8B  }
0xa2: {  	_ =	swait.ge [sflag:s23], $0x1  }
0xa3: {  	[sflag:s23] =	ssyncset.done $0x0  }
0xa4: {  	s25 =	simm.s32 $0x1B8E;
	s24 =	sld [smem:$0x3FFE];
	[sflag:s23] =	ssyncadd.s32 $0xFFFFFFFF  }
0xa5: {  	s26 =	simm.s32 $execute0_lowered;
	[smem:$0x3FD2] =	sst s25  }
0xa6: {  	s5 =	sshll.u32 s26, $0x1;
	_ =	strace $0x80000046;
	[dreg:$0x1] =	wrdreg $0xFFFFFFFF  }
0xa7: {  	s28 =	simm.s32 $_size_execute0_lowered;
	s3 =	sadd.s32 s3, s5;
	[dreg:$0x0] =	wrdreg $0x0  }
0xa8: {  	s5 =	sshll.u32 s28, $0x1;
	[dreg:$0x2] =	wrdreg s3  }
0xa9: {  	[dreg:$0x3] =	wrdreg s5  }
0xaa: {  	[dreg:$0x4] =	wrdreg $0xC0  }
0xab: {  	_ =	task [dreg:s7], $0x5FFFF  }
0xac: {  	[dreg:$0x1] =	wrdreg $0xFFFFFFFF  }
0xad: {  	[dreg:$0x0] =	wrdreg $0x60  }
0xae: {  	[dreg:$0x2] =	wrdreg s24  }
0xaf: {  	[dreg:$0x3] =	wrdreg s2  }
0xb0: {  	[dreg:$0x4] =	wrdreg $0x9  }
0xb1: {  	_ =	task.clear_ibuf [dreg:s7], $0x5FFFF;
	_ =	strace $0x90000046  }
0xb2: {  	s29 =	simm.s32 $0x9;
	_ =	strace $0x80000048  }
0xb3: {  	_ =	swait.ge [sflag:s29], $0x1  }
0xb4: {  	[sflag:s29] =	ssyncadd.s32 $0xFFFFFFFF  }
0xb5: {  	_ =	strace $0x90000048  }
0xb6: {  	_ =	sfence  }
0xb7: {  	s30 =	sld [smem:$0x0];
	_ =	sdelay $0x2  }
0xb8: {  	s31 =	sshll.u32 s1, $0xD;
	s1 =	sshrl.u32 s1, $0x2  }
0xb9: {  	s3 =	sand.u32 $0x4000, s31;
	s1 =	sadd.s32 s1, s30  }
0xba: {  	s0 =	sor.u32 s3, s0;
	s1 =	sshll.u32 s1, $0x11  }
0xbb: {  	s0 =	sor.u32 s1, s0  }
0xbc: {  	s0 =	sadd.s32 $0x8F2B, s0  }
0xbd: {  	[sflag:s0] =	ssyncadd.remote.s32 $0x1  }
0xbe: {  	_ =	sfence.sel $0xFFFF  }
0xbf: {  	[dreg:$0x0] =	wrdreg $0xFFFFFFFF;
	(pc) =	sbr.abs _section_cstart, $3  }
0xc0: {  	[dreg:$0x1] =	wrdreg $0xFFFFFFFF  }
0xc1: {  	_ =	task.clear_ibuf [dreg:s7], $0x2FFFF;
	_ =	strace $0x9FFFFFFF  }
0xc2: {  	(tm) =	ssettm $0x7FFFFFFF  }
0xc3: {  	_ =	shalt  }
tec
execute0_lowered:
.L_overlay_start_1:
0x0: {  	(tag) =	ssettag $0x1  }
0x1: {  	s4 =	rddreg [dreg:$0x0]  }
0x2: {  	s1 =	rddreg [dreg:$0x1]  }
0x3: {  	s0 =	rddreg [dreg:$0x2]  }
0x4: {  	s2 =	simm.s32 $0x0;
	s3 =	srdreg.scid;
	s10 =	simm.s32 $0x1  }
0x5: {  	s11 =	simm.s32 $0x80;
	s12 =	simm.s32 $0x400;
	s13 =	simm.s32 $0x10000  }
0x6: {  	s14 =	simm.s32 $0x14000;
	s15 =	simm.s32 $0x18000;
	s3 =	sand.u32 $0x1, s3  }
0x7: {  	s16 =	simm.s32 $0x0;
	[smem:$0x7FF] =	sst s2;
	s8 =	ssub.s32 $0x2, s3  }
0x8: {  	s5 =	sadd.s32 $0x53C00, s4;
	s6 =	sadd.s32 $0x13C00, s4;
	s9 =	sshrl.u32 s8, $0x1  }
0x9: {  	s7 =	sadd.s32 $0x353C00, s4;
	s4 =	stileid.u32;
	s9 =	ssub.s32 s8, s9  }
0xa: {  	_ =	strace $0x80000047;
	s8 =	sshll.u32 s4, $0x1;
	s9 =	smax.u32 s9, $0x1  }
.LBB2_1:
0xb: {  	s17 =	simm.s32 $0x0  }
.LBB2_2:
0xc: {  	s18 =	sshll.u32 s17, $0x5  }
0xd: {  	s18 =	sor.u32 s8, s18  }
0xe: {  	s20 =	sor.u32 s3, s18  }
0xf: {  	s19 =	smulhi.u32 $0x2AAAAAAB, s20;
	_ =	sdelay $0x1  }
0x10: {  	s18 =	smulhi.u32 $0x2AAAAAAB, s18;
	s19 =	sshrl.u32 s19, $0x3  }
0x11: {  	s21 =	smul.u32 $0x30, s19  }
0x12: {  	s19 =	sshrl.u32 s18, $0x3  }
0x13: {  	s28 =	smul.u32 $0x300000, s19;
	s18 =	ssub.s32 s20, s21  }
0x14: {  	s21 =	sshll.u32 s18, $0x10  }
0x15: {  	s20 =	sadd.s32 s28, s21  }
0x16: {  	s20 =	sshrl.u32 s20, $0x3  }
0x17: {  	s29 =	sshll.u32 s18, $0x9;
	s20 =	sadd.s32 s5, s20  }
0x18: {  	[tilespmem:s2], [sflag:$0x1] =	stream.linear.gather [hbm4b:s20+s2], $0x10000, $0x38;
	[tilespmem:$0x1C000] =	vst v63  }
0x19: {  	s30 =	sshll.u32 s19, $0xF;
	s22 =	sshll.u32 s18, $0x2;
	s20 =	sand.u32 $0x4000, s29  }
0x1a: {  	s31 =	sand.u32 $0x70, s22;
	s20 =	sor.u32 s30, s20;
	_ =	swait.ge [sflag:s10], $0x10000  }
0x1b: {  	[sflag:s10] =	ssyncset.done $0x0;
	s20 =	sor.u32 s31, s20  }
0x1c: {  	[sflag:s10] =	ssyncadd.s32 $0xFFFF0000;
	s21 =	sadd.s32 s1, s20  }
0x1d: {  	[tilespmem:s13], [sflag:$0x1] =	stream.strided.gather [hbm4b:s21+s11], $0x4000, s12, s11, $0x38;
	[tilespmem:$0x1C000] =	vst v63  }
0x1e: {  	_ =	swait.ge [sflag:s10], $0x4000  }
0x1f: {  	[sflag:s10] =	ssyncset.done $0x0  }
0x20: {  	s20 =	sadd.s32 s6, s20;
	[sflag:s10] =	ssyncadd.s32 $0xFFFFC000  }
0x21: {  	[tilespmem:s14], [sflag:$0x1] =	stream.strided.gather [hbm4b:s20+s11], $0x4000, s12, s11, $0x38;
	[tilespmem:$0x1C000] =	vst v63  }
0x22: {  	_ =	swait.ge [sflag:s10], $0x4000  }
0x23: {  	[sflag:s10] =	ssyncset.done $0x0  }
0x24: {  	s20 =	simm.s32 $0xFFFFF000;
	[sflag:s10] =	ssyncadd.s32 $0xFFFFC000  }
.LBB2_3:
0x25: {  	s21 =	sshra.s32 s20, $0x2  }
0x26: {  	v3 =	vld [tilespmem:s21+$0x10400]  }
0x27: {  	v7 =	vld [tilespmem:s21+$0x10800]  }
0x28: {  	v9 =	vld [tilespmem:s21+$0x10C00]  }
0x29: {  	v10 =	vld [tilespmem:s21+$0x11000]  }
0x2a: {  	v11 =	vld [tilespmem:s21+$0x11400]  }
0x2b: {  	v12 =	vld [tilespmem:s21+$0x11800]  }
0x2c: {  	v14 =	vld [tilespmem:s21+$0x11C00]  }
0x2d: {  	v15 =	vld [tilespmem:s21+$0x12000]  }
0x2e: {  	v24 =	vld [tilespmem:s21+$0x12400]  }
0x2f: {  	v25 =	vld [tilespmem:s21+$0x12800]  }
0x30: {  	v26 =	vld [tilespmem:s21+$0x12C00]  }
0x31: {  	v27 =	vld [tilespmem:s21+$0x13000]  }
0x32: {  	v28 =	vld [tilespmem:s21+$0x13400]  }
0x33: {  	v29 =	vld [tilespmem:s21+$0x13800]  }
0x34: {  	v30 =	vld [tilespmem:s21+$0x13C00]  }
0x35: {  	v31 =	vld [tilespmem:s21+$0x14000]  }
0x36: {  	v4 =	vld [tilespmem:s21+$0x14400]  }
0x37: {  	v5 =	vld [tilespmem:s21+$0x14800]  }
0x38: {  	v2 =	vld [tilespmem:s21+$0x14C00]  }
0x39: {  	v0 =	vld [tilespmem:s21+$0x15000]  }
0x3a: {  	v6 =	vld [tilespmem:s21+$0x15400];
	v8 =	vand.u32 $0x7F, v3;
	v13 =	vshll.u32 v3, $0x3  }
0x3b: {  	v1 =	vld [tilespmem:s21+$0x15800];
	v16 =	vshll.u32 v7, $0x3;
	v17 =	vand.u32 $0x7F, v7;
	v43 =	vshll.u32 v9, $0x3  }
0x3c: {  	v3 =	vld [tilespmem:s21+$0x15C00];
	v44 =	vand.u32 $0x7F, v9;
	v19 =	vshll.u32 v10, $0x3;
	v45 =	vand.u32 $0x7F, v10  }
0x3d: {  	v7 =	vld [tilespmem:s21+$0x16000];
	v20 =	vand.u32 $0x7F, v11;
	v21 =	vshll.u32 v11, $0x3;
	v22 =	vshll.u32 v12, $0x3  }
0x3e: {  	v9 =	vld [tilespmem:s21+$0x16800];
	v32 =	vand.u32 $0x7F, v12;
	v46 =	vand.u32 $0x7F, v14;
	v47 =	vshll.u32 v14, $0x3  }
0x3f: {  	v10 =	vld [tilespmem:s21+$0x16C00];
	v48 =	vshll.u32 v15, $0x3;
	v33 =	vand.u32 $0x7F, v15;
	v34 =	vshll.u32 v25, $0x3  }
0x40: {  	v11 =	vld [tilespmem:s21+$0x17000];
	v25 =	vand.u32 $0x7F, v25;
	v36 =	vand.u32 $0x7F, v26;
	v13 =	vand.u32 $0xFFFFFC00, v13  }
0x41: {  	v12 =	vld [tilespmem:s21+$0x17400];
	v26 =	vshll.u32 v26, $0x3;
	v18 =	vand.u32 $0xFFFFFC00, v16;
	v16 =	vor.u32 v8, v13  }
0x42: {  	v14 =	vld [tilespmem:s21+$0x17C00];
	v37 =	vshll.u32 v27, $0x3;
	v19 =	vand.u32 $0xFFFFFC00, v19;
	v17 =	vor.u32 v17, v18  }
0x43: {  	v15 =	vld [tilespmem:s21+$0x18000];
	v39 =	vand.u32 $0x7F, v27;
	v23 =	vand.u32 $0xFFFFFC00, v21;
	v21 =	vor.u32 v45, v19  }
0x44: {  	v22 =	vand.u32 $0xFFFFFC00, v22;
	v8 =	vld [tilespmem:s21+$0x16400];
	v13 =	vand.u32 $0xFFFFFC00, v43;
	v20 =	vor.u32 v20, v23  }
0x45: {  	v51 =	vand.u32 $0xFFFFFC00, v34;
	v19 =	vor.u32 v32, v22;
	v18 =	vor.u32 v44, v13;
	v13 =	vld [tilespmem:s21+$0x17800]  }
0x46: {  	v54 =	vand.u32 $0x7F, v28;
	v26 =	vand.u32 $0xFFFFFC00, v26;
	v27 =	vor.u32 v25, v51;
	v50 =	vld.idx.msk [tilespmem:v16+s2+$0x0], $0xffff  }
0x47: {  	v28 =	vshll.u32 v28, $0x3;
	v37 =	vand.u32 $0xFFFFFC00, v37;
	v26 =	vor.u32 v36, v26;
	v35 =	vld.idx.msk [tilespmem:v17+s2+$0x0], $0xffff  }
0x48: {  	v28 =	vand.u32 $0xFFFFFC00, v28;
	v25 =	vor.u32 v39, v37;
	v38 =	vld.idx.msk [tilespmem:v21+s2+$0x0], $0xffff  }
0x49: {  	v55 =	vshll.u32 v29, $0x3;
	v41 =	vand.u32 $0x7F, v29;
	v29 =	vor.u32 v54, v28;
	v40 =	vld.idx.msk [tilespmem:v20+s2+$0x0], $0xffff  }
0x4a: {  	v49 =	vshll.u32 v24, $0x3;
	v23 =	vand.u32 $0xFFFFFC00, v47;
	v53 =	vld.idx.msk [tilespmem:v19+s2+$0x0], $0xffff  }
0x4b: {  	v24 =	vand.u32 $0x7F, v24;
	v32 =	vand.u32 $0xFFFFFC00, v48;
	v23 =	vor.u32 v46, v23;
	v43 =	vld.idx.msk [tilespmem:v27+s2+$0x0], $0xffff  }
0x4c: {  	v59 =	vshll.u32 v31, $0x3;
	v22 =	vor.u32 v33, v32;
	v32 =	vand.u32 $0xFFFFFC00, v49;
	v61 =	vld.idx.msk [tilespmem:v26+s2+$0x0], $0xffff  }
0x4d: {  	v31 =	vand.u32 $0x7F, v31;
	v60 =	vand.u32 $0xFFFFFC00, v59;
	v24 =	vor.u32 v24, v32;
	v62 =	vld.idx.msk [tilespmem:v25+s2+$0x0], $0xffff  }
0x4e: {  	v57 =	vshll.u32 v30, $0x3;
	v37 =	vand.u32 $0xFFFFFC00, v55;
	v31 =	vor.u32 v31, v60;
	v44 =	vld.idx.msk [tilespmem:v29+s2+$0x0], $0xffff  }
0x4f: {  	v30 =	vand.u32 $0x7F, v30;
	v36 =	vand.u32 $0xFFFFFC00, v57;
	v28 =	vor.u32 v41, v37;
	v52 =	vld.idx.msk [tilespmem:v18+s2+$0x0], $0xffff  }
0x50: {  	v30 =	vor.u32 v30, v36;
	v56 =	vld.idx.msk [tilespmem:v23+s2+$0x0], $0xffff  }
0x51: {  	v42 =	vld.idx.msk [tilespmem:v22+s2+$0x0], $0xffff;
	v33 =	vmul.f32 v50, v4;
	v35 =	vmul.f32 v35, v5  }
0x52: {  	v58 =	vld.idx.msk [tilespmem:v24+s2+$0x0], $0xffff;
	v40 =	vmul.f32 v40, v6;
	v38 =	vmul.f32 v38, v0  }
0x53: {  	v47 =	vld.idx.msk [tilespmem:v31+s2+$0x0], $0xffff;
	v32 =	vmul.f32 v53, v1;
	v43 =	vmul.f32 v43, v9  }
0x54: {  	v45 =	vld.idx.msk [tilespmem:v28+s2+$0x0], $0xffff;
	v48 =	vmul.f32 v61, v10;
	v49 =	vmul.f32 v62, v11  }
0x55: {  	v46 =	vld.idx.msk [tilespmem:v30+s2+$0x0], $0xffff;
	v50 =	vmul.f32 v44, v12;
	v34 =	vmul.f32 v52, v2  }
0x56: {  	v39 =	vmul.f32 v56, v3;
	v63 =	vmul.f32 v42, v7  }
0x57: {  	v33 =	vadd.f32 v40, v33;
	v32 =	vadd.f32 v32, v35;
	v42 =	vmul.f32 v58, v8  }
0x58: {  	v53 =	vmul.f32 v47, v15;
	v34 =	vadd.f32 v39, v34;
	v38 =	vadd.f32 v63, v38  }
0x59: {  	v51 =	vmul.f32 v45, v13;
	v33 =	vadd.f32 v42, v33;
	v32 =	vadd.f32 v43, v32  }
0x5a: {  	v52 =	vmul.f32 v46, v14;
	v34 =	vadd.f32 v48, v34;
	v35 =	vadd.f32 v49, v38  }
0x5b: {  	v33 =	vadd.f32 v50, v33;
	v32 =	vadd.f32 v51, v32  }
0x5c: {  	v34 =	vadd.f32 v52, v34;
	v35 =	vadd.f32 v53, v35;
	_ =	sdelay $0x1  }
0x5d: {  	v55 =	vor.u32 $0x80, v16;
	v32 =	vadd.f32 v32, v33;
	v54 =	vadd.f32 v35, v34  }
0x5e: {  	v56 =	vor.u32 $0x80, v17  }
0x5f: {  	v57 =	vor.u32 $0x80, v18;
	v32 =	vadd.f32 v54, v32  }
0x60: {  	v58 =	vor.u32 $0x80, v21  }
0x61: {  	v59 =	vor.u32 $0x80, v20;
	[tilespmem:s21+$0x18400] =	vst v32  }
0x62: {  	v60 =	vor.u32 $0x80, v19;
	v34 =	vld.idx.msk [tilespmem:v55+s2+$0x0], $0xffff  }
0x63: {  	v61 =	vor.u32 $0x80, v23;
	v35 =	vld.idx.msk [tilespmem:v56+s2+$0x0], $0xffff  }
0x64: {  	v62 =	vor.u32 $0x80, v22;
	v33 =	vld.idx.msk [tilespmem:v57+s2+$0x0], $0xffff  }
0x65: {  	v63 =	vor.u32 $0x80, v24;
	v36 =	vld.idx.msk [tilespmem:v58+s2+$0x0], $0xffff  }
0x66: {  	v48 =	vor.u32 $0x80, v27;
	v32 =	vld.idx.msk [tilespmem:v59+s2+$0x0], $0xffff  }
0x67: {  	v49 =	vor.u32 $0x80, v26;
	v37 =	vld.idx.msk [tilespmem:v60+s2+$0x0], $0xffff  }
0x68: {  	v50 =	vor.u32 $0x80, v25;
	v38 =	vld.idx.msk [tilespmem:v61+s2+$0x0], $0xffff  }
0x69: {  	v51 =	vor.u32 $0x80, v29;
	v39 =	vld.idx.msk [tilespmem:v62+s2+$0x0], $0xffff  }
0x6a: {  	v52 =	vor.u32 $0x80, v28;
	v40 =	vld.idx.msk [tilespmem:v63+s2+$0x0], $0xffff  }
0x6b: {  	v53 =	vor.u32 $0x80, v30;
	v41 =	vld.idx.msk [tilespmem:v48+s2+$0x0], $0xffff  }
0x6c: {  	v54 =	vor.u32 $0x80, v31;
	v42 =	vld.idx.msk [tilespmem:v49+s2+$0x0], $0xffff  }
0x6d: {  	v43 =	vld.idx.msk [tilespmem:v50+s2+$0x0], $0xffff;
	v34 =	vmul.f32 v34, v4;
	v35 =	vmul.f32 v35, v5  }
0x6e: {  	v44 =	vld.idx.msk [tilespmem:v51+s2+$0x0], $0xffff;
	v33 =	vmul.f32 v33, v2;
	v32 =	vmul.f32 v32, v6  }
0x6f: {  	v45 =	vld.idx.msk [tilespmem:v52+s2+$0x0], $0xffff;
	v36 =	vmul.f32 v36, v0;
	v37 =	vmul.f32 v37, v1  }
0x70: {  	v46 =	vld.idx.msk [tilespmem:v53+s2+$0x0], $0xffff;
	v55 =	vmul.f32 v38, v3;
	v56 =	vmul.f32 v39, v7  }
0x71: {  	v47 =	vld.idx.msk [tilespmem:v54+s2+$0x0], $0xffff;
	v57 =	vmul.f32 v40, v8;
	v58 =	vmul.f32 v41, v9  }
0x72: {  	v60 =	vmul.f32 v42, v10;
	v61 =	vmul.f32 v43, v11  }
0x73: {  	v62 =	vmul.f32 v44, v12;
	v32 =	vadd.f32 v32, v34;
	v35 =	vadd.f32 v37, v35  }
0x74: {  	v63 =	vmul.f32 v45, v13;
	v33 =	vadd.f32 v55, v33;
	v59 =	vadd.f32 v56, v36  }
0x75: {  	v42 =	vmul.f32 v46, v14;
	v32 =	vadd.f32 v57, v32;
	v35 =	vadd.f32 v58, v35  }
0x76: {  	v43 =	vmul.f32 v47, v15;
	v33 =	vadd.f32 v60, v33;
	v34 =	vadd.f32 v61, v59  }
0x77: {  	v32 =	vadd.f32 v62, v32;
	v35 =	vadd.f32 v63, v35  }
0x78: {  	v33 =	vadd.f32 v42, v33;
	v34 =	vadd.f32 v43, v34;
	_ =	sdelay $0x1  }
0x79: {  	v44 =	vor.u32 $0x100, v16;
	v32 =	vadd.f32 v35, v32;
	v33 =	vadd.f32 v34, v33  }
0x7a: {  	v45 =	vor.u32 $0x100, v17  }
0x7b: {  	v46 =	vor.u32 $0x100, v18;
	v32 =	vadd.f32 v33, v32  }
0x7c: {  	v47 =	vor.u32 $0x100, v21  }
0x7d: {  	v48 =	vor.u32 $0x100, v20;
	[tilespmem:s21+$0x18800] =	vst v32  }
0x7e: {  	v49 =	vor.u32 $0x100, v19;
	v34 =	vld.idx.msk [tilespmem:v44+s2+$0x0], $0xffff  }
0x7f: {  	v50 =	vor.u32 $0x100, v23;
	v35 =	vld.idx.msk [tilespmem:v45+s2+$0x0], $0xffff  }
0x80: {  	v51 =	vor.u32 $0x100, v22;
	v33 =	vld.idx.msk [tilespmem:v46+s2+$0x0], $0xffff  }
0x81: {  	v52 =	vor.u32 $0x100, v24;
	v36 =	vld.idx.msk [tilespmem:v47+s2+$0x0], $0xffff  }
0x82: {  	v53 =	vor.u32 $0x100, v27;
	v32 =	vld.idx.msk [tilespmem:v48+s2+$0x0], $0xffff  }
0x83: {  	v54 =	vor.u32 $0x100, v26;
	v37 =	vld.idx.msk [tilespmem:v49+s2+$0x0], $0xffff  }
0x84: {  	v55 =	vor.u32 $0x100, v25;
	v38 =	vld.idx.msk [tilespmem:v50+s2+$0x0], $0xffff  }
0x85: {  	v56 =	vor.u32 $0x100, v29;
	v39 =	vld.idx.msk [tilespmem:v51+s2+$0x0], $0xffff  }
0x86: {  	v57 =	vor.u32 $0x100, v28;
	v40 =	vld.idx.msk [tilespmem:v52+s2+$0x0], $0xffff  }
0x87: {  	v58 =	vor.u32 $0x100, v30;
	v41 =	vld.idx.msk [tilespmem:v53+s2+$0x0], $0xffff  }
0x88: {  	v59 =	vor.u32 $0x100, v31;
	v42 =	vld.idx.msk [tilespmem:v54+s2+$0x0], $0xffff  }
0x89: {  	v43 =	vld.idx.msk [tilespmem:v55+s2+$0x0], $0xffff;
	v34 =	vmul.f32 v34, v4;
	v35 =	vmul.f32 v35, v5  }
0x8a: {  	v44 =	vld.idx.msk [tilespmem:v56+s2+$0x0], $0xffff;
	v33 =	vmul.f32 v33, v2;
	v32 =	vmul.f32 v32, v6  }
0x8b: {  	v45 =	vld.idx.msk [tilespmem:v57+s2+$0x0], $0xffff;
	v36 =	vmul.f32 v36, v0;
	v37 =	vmul.f32 v37, v1  }
0x8c: {  	v46 =	vld.idx.msk [tilespmem:v58+s2+$0x0], $0xffff;
	v60 =	vmul.f32 v38, v3;
	v61 =	vmul.f32 v39, v7  }
0x8d: {  	v47 =	vld.idx.msk [tilespmem:v59+s2+$0x0], $0xffff;
	v62 =	vmul.f32 v40, v8;
	v63 =	vmul.f32 v41, v9  }
0x8e: {  	v49 =	vmul.f32 v42, v10;
	v50 =	vmul.f32 v43, v11  }
0x8f: {  	v51 =	vmul.f32 v44, v12;
	v32 =	vadd.f32 v32, v34;
	v35 =	vadd.f32 v37, v35  }
0x90: {  	v52 =	vmul.f32 v45, v13;
	v33 =	vadd.f32 v60, v33;
	v48 =	vadd.f32 v61, v36  }
0x91: {  	v53 =	vmul.f32 v46, v14;
	v32 =	vadd.f32 v62, v32;
	v35 =	vadd.f32 v63, v35  }
0x92: {  	v54 =	vmul.f32 v47, v15;
	v33 =	vadd.f32 v49, v33;
	v34 =	vadd.f32 v50, v48  }
0x93: {  	v32 =	vadd.f32 v51, v32;
	v35 =	vadd.f32 v52, v35  }
0x94: {  	v33 =	vadd.f32 v53, v33;
	v34 =	vadd.f32 v54, v34;
	_ =	sdelay $0x1  }
0x95: {  	v55 =	vor.u32 $0x180, v16;
	v32 =	vadd.f32 v35, v32;
	v33 =	vadd.f32 v34, v33  }
0x96: {  	v56 =	vor.u32 $0x180, v17  }
0x97: {  	v57 =	vor.u32 $0x180, v18;
	v32 =	vadd.f32 v33, v32  }
0x98: {  	v58 =	vor.u32 $0x180, v21  }
0x99: {  	v59 =	vor.u32 $0x180, v20;
	[tilespmem:s21+$0x18C00] =	vst v32  }
0x9a: {  	v60 =	vor.u32 $0x180, v19;
	v34 =	vld.idx.msk [tilespmem:v55+s2+$0x0], $0xffff  }
0x9b: {  	v61 =	vor.u32 $0x180, v23;
	v35 =	vld.idx.msk [tilespmem:v56+s2+$0x0], $0xffff  }
0x9c: {  	v62 =	vor.u32 $0x180, v22;
	v33 =	vld.idx.msk [tilespmem:v57+s2+$0x0], $0xffff  }
0x9d: {  	v63 =	vor.u32 $0x180, v24;
	v36 =	vld.idx.msk [tilespmem:v58+s2+$0x0], $0xffff  }
0x9e: {  	v48 =	vor.u32 $0x180, v27;
	v32 =	vld.idx.msk [tilespmem:v59+s2+$0x0], $0xffff  }
0x9f: {  	v49 =	vor.u32 $0x180, v26;
	v37 =	vld.idx.msk [tilespmem:v60+s2+$0x0], $0xffff  }
0xa0: {  	v50 =	vor.u32 $0x180, v25;
	v38 =	vld.idx.msk [tilespmem:v61+s2+$0x0], $0xffff  }
0xa1: {  	v51 =	vor.u32 $0x180, v29;
	v39 =	vld.idx.msk [tilespmem:v62+s2+$0x0], $0xffff  }
0xa2: {  	v52 =	vor.u32 $0x180, v28;
	v40 =	vld.idx.msk [tilespmem:v63+s2+$0x0], $0xffff  }
0xa3: {  	v53 =	vor.u32 $0x180, v30;
	v41 =	vld.idx.msk [tilespmem:v48+s2+$0x0], $0xffff  }
0xa4: {  	v54 =	vor.u32 $0x180, v31;
	v42 =	vld.idx.msk [tilespmem:v49+s2+$0x0], $0xffff  }
0xa5: {  	v43 =	vld.idx.msk [tilespmem:v50+s2+$0x0], $0xffff;
	v34 =	vmul.f32 v34, v4;
	v35 =	vmul.f32 v35, v5  }
0xa6: {  	v44 =	vld.idx.msk [tilespmem:v51+s2+$0x0], $0xffff;
	v33 =	vmul.f32 v33, v2;
	v32 =	vmul.f32 v32, v6  }
0xa7: {  	v45 =	vld.idx.msk [tilespmem:v52+s2+$0x0], $0xffff;
	v36 =	vmul.f32 v36, v0;
	v37 =	vmul.f32 v37, v1  }
0xa8: {  	v46 =	vld.idx.msk [tilespmem:v53+s2+$0x0], $0xffff;
	v55 =	vmul.f32 v38, v3;
	v56 =	vmul.f32 v39, v7  }
0xa9: {  	v47 =	vld.idx.msk [tilespmem:v54+s2+$0x0], $0xffff;
	v57 =	vmul.f32 v40, v8;
	v58 =	vmul.f32 v41, v9  }
0xaa: {  	v60 =	vmul.f32 v42, v10;
	v61 =	vmul.f32 v43, v11  }
0xab: {  	v62 =	vmul.f32 v44, v12;
	v32 =	vadd.f32 v32, v34;
	v35 =	vadd.f32 v37, v35  }
0xac: {  	v63 =	vmul.f32 v45, v13;
	v33 =	vadd.f32 v55, v33;
	v59 =	vadd.f32 v56, v36  }
0xad: {  	v42 =	vmul.f32 v46, v14;
	v32 =	vadd.f32 v57, v32;
	v35 =	vadd.f32 v58, v35  }
0xae: {  	v43 =	vmul.f32 v47, v15;
	v33 =	vadd.f32 v60, v33;
	v34 =	vadd.f32 v61, v59  }
0xaf: {  	v32 =	vadd.f32 v62, v32;
	v35 =	vadd.f32 v63, v35  }
0xb0: {  	v33 =	vadd.f32 v42, v33;
	v34 =	vadd.f32 v43, v34;
	_ =	sdelay $0x1  }
0xb1: {  	v44 =	vor.u32 $0x200, v16;
	v32 =	vadd.f32 v35, v32;
	v33 =	vadd.f32 v34, v33  }
0xb2: {  	v45 =	vor.u32 $0x200, v17  }
0xb3: {  	v46 =	vor.u32 $0x200, v18;
	v32 =	vadd.f32 v33, v32  }
0xb4: {  	v47 =	vor.u32 $0x200, v21  }
0xb5: {  	v48 =	vor.u32 $0x200, v20;
	[tilespmem:s21+$0x19000] =	vst v32  }
0xb6: {  	v49 =	vor.u32 $0x200, v19;
	v34 =	vld.idx.msk [tilespmem:v44+s2+$0x0], $0xffff  }
0xb7: {  	v50 =	vor.u32 $0x200, v23;
	v35 =	vld.idx.msk [tilespmem:v45+s2+$0x0], $0xffff  }
0xb8: {  	v51 =	vor.u32 $0x200, v22;
	v33 =	vld.idx.msk [tilespmem:v46+s2+$0x0], $0xffff  }
0xb9: {  	v52 =	vor.u32 $0x200, v24;
	v36 =	vld.idx.msk [tilespmem:v47+s2+$0x0], $0xffff  }
0xba: {  	v53 =	vor.u32 $0x200, v27;
	v32 =	vld.idx.msk [tilespmem:v48+s2+$0x0], $0xffff  }
0xbb: {  	v54 =	vor.u32 $0x200, v26;
	v37 =	vld.idx.msk [tilespmem:v49+s2+$0x0], $0xffff  }
0xbc: {  	v55 =	vor.u32 $0x200, v25;
	v38 =	vld.idx.msk [tilespmem:v50+s2+$0x0], $0xffff  }
0xbd: {  	v56 =	vor.u32 $0x200, v29;
	v39 =	vld.idx.msk [tilespmem:v51+s2+$0x0], $0xffff  }
0xbe: {  	v57 =	vor.u32 $0x200, v28;
	v40 =	vld.idx.msk [tilespmem:v52+s2+$0x0], $0xffff  }
0xbf: {  	v58 =	vor.u32 $0x200, v30;
	v41 =	vld.idx.msk [tilespmem:v53+s2+$0x0], $0xffff  }
0xc0: {  	v59 =	vor.u32 $0x200, v31;
	v42 =	vld.idx.msk [tilespmem:v54+s2+$0x0], $0xffff  }
0xc1: {  	v43 =	vld.idx.msk [tilespmem:v55+s2+$0x0], $0xffff;
	v34 =	vmul.f32 v34, v4;
	v35 =	vmul.f32 v35, v5  }
0xc2: {  	v44 =	vld.idx.msk [tilespmem:v56+s2+$0x0], $0xffff;
	v33 =	vmul.f32 v33, v2;
	v32 =	vmul.f32 v32, v6  }
0xc3: {  	v45 =	vld.idx.msk [tilespmem:v57+s2+$0x0], $0xffff;
	v36 =	vmul.f32 v36, v0;
	v37 =	vmul.f32 v37, v1  }
0xc4: {  	v46 =	vld.idx.msk [tilespmem:v58+s2+$0x0], $0xffff;
	v60 =	vmul.f32 v38, v3;
	v61 =	vmul.f32 v39, v7  }
0xc5: {  	v47 =	vld.idx.msk [tilespmem:v59+s2+$0x0], $0xffff;
	v62 =	vmul.f32 v40, v8;
	v63 =	vmul.f32 v41, v9  }
0xc6: {  	v49 =	vmul.f32 v42, v10;
	v50 =	vmul.f32 v43, v11  }
0xc7: {  	v51 =	vmul.f32 v44, v12;
	v32 =	vadd.f32 v32, v34;
	v35 =	vadd.f32 v37, v35  }
0xc8: {  	v52 =	vmul.f32 v45, v13;
	v33 =	vadd.f32 v60, v33;
	v48 =	vadd.f32 v61, v36  }
0xc9: {  	v53 =	vmul.f32 v46, v14;
	v32 =	vadd.f32 v62, v32;
	v35 =	vadd.f32 v63, v35  }
0xca: {  	v54 =	vmul.f32 v47, v15;
	v33 =	vadd.f32 v49, v33;
	v34 =	vadd.f32 v50, v48  }
0xcb: {  	v32 =	vadd.f32 v51, v32;
	v35 =	vadd.f32 v52, v35  }
0xcc: {  	v33 =	vadd.f32 v53, v33;
	v34 =	vadd.f32 v54, v34;
	_ =	sdelay $0x1  }
0xcd: {  	v55 =	vor.u32 $0x280, v16;
	v32 =	vadd.f32 v35, v32;
	v33 =	vadd.f32 v34, v33  }
0xce: {  	v56 =	vor.u32 $0x280, v17  }
0xcf: {  	v57 =	vor.u32 $0x280, v18;
	v32 =	vadd.f32 v33, v32  }
0xd0: {  	v58 =	vor.u32 $0x280, v21  }
0xd1: {  	v59 =	vor.u32 $0x280, v20;
	[tilespmem:s21+$0x19400] =	vst v32  }
0xd2: {  	v60 =	vor.u32 $0x280, v19;
	v34 =	vld.idx.msk [tilespmem:v55+s2+$0x0], $0xffff  }
0xd3: {  	v61 =	vor.u32 $0x280, v23;
	v35 =	vld.idx.msk [tilespmem:v56+s2+$0x0], $0xffff  }
0xd4: {  	v62 =	vor.u32 $0x280, v22;
	v33 =	vld.idx.msk [tilespmem:v57+s2+$0x0], $0xffff  }
0xd5: {  	v63 =	vor.u32 $0x280, v24;
	v36 =	vld.idx.msk [tilespmem:v58+s2+$0x0], $0xffff  }
0xd6: {  	v48 =	vor.u32 $0x280, v27;
	v32 =	vld.idx.msk [tilespmem:v59+s2+$0x0], $0xffff  }
0xd7: {  	v49 =	vor.u32 $0x280, v26;
	v37 =	vld.idx.msk [tilespmem:v60+s2+$0x0], $0xffff  }
0xd8: {  	v50 =	vor.u32 $0x280, v25;
	v38 =	vld.idx.msk [tilespmem:v61+s2+$0x0], $0xffff  }
0xd9: {  	v51 =	vor.u32 $0x280, v29;
	v39 =	vld.idx.msk [tilespmem:v62+s2+$0x0], $0xffff  }
0xda: {  	v52 =	vor.u32 $0x280, v28;
	v40 =	vld.idx.msk [tilespmem:v63+s2+$0x0], $0xffff  }
0xdb: {  	v53 =	vor.u32 $0x280, v30;
	v41 =	vld.idx.msk [tilespmem:v48+s2+$0x0], $0xffff  }
0xdc: {  	v54 =	vor.u32 $0x280, v31;
	v42 =	vld.idx.msk [tilespmem:v49+s2+$0x0], $0xffff  }
0xdd: {  	v43 =	vld.idx.msk [tilespmem:v50+s2+$0x0], $0xffff;
	v34 =	vmul.f32 v34, v4;
	v35 =	vmul.f32 v35, v5  }
0xde: {  	v44 =	vld.idx.msk [tilespmem:v51+s2+$0x0], $0xffff;
	v33 =	vmul.f32 v33, v2;
	v32 =	vmul.f32 v32, v6  }
0xdf: {  	v45 =	vld.idx.msk [tilespmem:v52+s2+$0x0], $0xffff;
	v36 =	vmul.f32 v36, v0;
	v37 =	vmul.f32 v37, v1  }
0xe0: {  	v46 =	vld.idx.msk [tilespmem:v53+s2+$0x0], $0xffff;
	v55 =	vmul.f32 v38, v3;
	v56 =	vmul.f32 v39, v7  }
0xe1: {  	v47 =	vld.idx.msk [tilespmem:v54+s2+$0x0], $0xffff;
	v57 =	vmul.f32 v40, v8;
	v58 =	vmul.f32 v41, v9  }
0xe2: {  	v60 =	vmul.f32 v42, v10;
	v61 =	vmul.f32 v43, v11  }
0xe3: {  	v62 =	vmul.f32 v44, v12;
	v32 =	vadd.f32 v32, v34;
	v35 =	vadd.f32 v37, v35  }
0xe4: {  	v63 =	vmul.f32 v45, v13;
	v33 =	vadd.f32 v55, v33;
	v59 =	vadd.f32 v56, v36  }
0xe5: {  	v42 =	vmul.f32 v46, v14;
	v32 =	vadd.f32 v57, v32;
	v35 =	vadd.f32 v58, v35  }
0xe6: {  	v43 =	vmul.f32 v47, v15;
	v33 =	vadd.f32 v60, v33;
	v34 =	vadd.f32 v61, v59  }
0xe7: {  	v32 =	vadd.f32 v62, v32;
	v35 =	vadd.f32 v63, v35  }
0xe8: {  	v33 =	vadd.f32 v42, v33;
	v34 =	vadd.f32 v43, v34;
	_ =	sdelay $0x1  }
0xe9: {  	v44 =	vor.u32 $0x300, v16;
	v32 =	vadd.f32 v35, v32;
	v33 =	vadd.f32 v34, v33  }
0xea: {  	v45 =	vor.u32 $0x300, v17  }
0xeb: {  	v46 =	vor.u32 $0x300, v18;
	v32 =	vadd.f32 v33, v32  }
0xec: {  	v47 =	vor.u32 $0x300, v21  }
0xed: {  	v48 =	vor.u32 $0x300, v20;
	[tilespmem:s21+$0x19800] =	vst v32  }
0xee: {  	v49 =	vor.u32 $0x300, v19;
	v34 =	vld.idx.msk [tilespmem:v44+s2+$0x0], $0xffff  }
0xef: {  	v50 =	vor.u32 $0x300, v23;
	v35 =	vld.idx.msk [tilespmem:v45+s2+$0x0], $0xffff  }
0xf0: {  	v51 =	vor.u32 $0x300, v22;
	v33 =	vld.idx.msk [tilespmem:v46+s2+$0x0], $0xffff  }
0xf1: {  	v52 =	vor.u32 $0x300, v24;
	v36 =	vld.idx.msk [tilespmem:v47+s2+$0x0], $0xffff  }
0xf2: {  	v53 =	vor.u32 $0x300, v27;
	v32 =	vld.idx.msk [tilespmem:v48+s2+$0x0], $0xffff  }
0xf3: {  	v54 =	vor.u32 $0x300, v26;
	v37 =	vld.idx.msk [tilespmem:v49+s2+$0x0], $0xffff  }
0xf4: {  	v55 =	vor.u32 $0x300, v25;
	v38 =	vld.idx.msk [tilespmem:v50+s2+$0x0], $0xffff  }
0xf5: {  	v56 =	vor.u32 $0x300, v29;
	v39 =	vld.idx.msk [tilespmem:v51+s2+$0x0], $0xffff  }
0xf6: {  	v57 =	vor.u32 $0x300, v28;
	v40 =	vld.idx.msk [tilespmem:v52+s2+$0x0], $0xffff  }
0xf7: {  	v58 =	vor.u32 $0x300, v30;
	v41 =	vld.idx.msk [tilespmem:v53+s2+$0x0], $0xffff  }
0xf8: {  	v59 =	vor.u32 $0x300, v31;
	v42 =	vld.idx.msk [tilespmem:v54+s2+$0x0], $0xffff  }
0xf9: {  	v43 =	vld.idx.msk [tilespmem:v55+s2+$0x0], $0xffff;
	v34 =	vmul.f32 v34, v4;
	v35 =	vmul.f32 v35, v5  }
0xfa: {  	v44 =	vld.idx.msk [tilespmem:v56+s2+$0x0], $0xffff;
	v33 =	vmul.f32 v33, v2;
	v32 =	vmul.f32 v32, v6  }
0xfb: {  	v45 =	vld.idx.msk [tilespmem:v57+s2+$0x0], $0xffff;
	v36 =	vmul.f32 v36, v0;
	v37 =	vmul.f32 v37, v1  }
0xfc: {  	v46 =	vld.idx.msk [tilespmem:v58+s2+$0x0], $0xffff;
	v60 =	vmul.f32 v38, v3;
	v61 =	vmul.f32 v39, v7  }
0xfd: {  	v47 =	vld.idx.msk [tilespmem:v59+s2+$0x0], $0xffff;
	v62 =	vmul.f32 v40, v8;
	v63 =	vmul.f32 v41, v9  }
0xfe: {  	v49 =	vmul.f32 v42, v10;
	v50 =	vmul.f32 v43, v11  }
0xff: {  	v51 =	vmul.f32 v44, v12;
	v32 =	vadd.f32 v32, v34;
	v35 =	vadd.f32 v37, v35  }
0x100: {  	v52 =	vmul.f32 v45, v13;
	v33 =	vadd.f32 v60, v33;
	v48 =	vadd.f32 v61, v36  }
0x101: {  	v53 =	vmul.f32 v46, v14;
	v32 =	vadd.f32 v62, v32;
	v35 =	vadd.f32 v63, v35  }
0x102: {  	v54 =	vmul.f32 v47, v15;
	v33 =	vadd.f32 v49, v33;
	v34 =	vadd.f32 v50, v48  }
0x103: {  	v32 =	vadd.f32 v51, v32;
	v35 =	vadd.f32 v52, v35  }
0x104: {  	v33 =	vadd.f32 v53, v33;
	v34 =	vadd.f32 v54, v34;
	_ =	sdelay $0x1  }
0x105: {  	v55 =	vor.u32 $0x380, v16;
	v32 =	vadd.f32 v35, v32;
	v33 =	vadd.f32 v34, v33  }
0x106: {  	v56 =	vor.u32 $0x380, v17  }
0x107: {  	v57 =	vor.u32 $0x380, v18;
	v32 =	vadd.f32 v33, v32  }
0x108: {  	v58 =	vor.u32 $0x380, v21  }
0x109: {  	v59 =	vor.u32 $0x380, v20;
	[tilespmem:s21+$0x19C00] =	vst v32  }
0x10a: {  	v60 =	vor.u32 $0x380, v19;
	v34 =	vld.idx.msk [tilespmem:v55+s2+$0x0], $0xffff  }
0x10b: {  	v61 =	vor.u32 $0x380, v23;
	v35 =	vld.idx.msk [tilespmem:v56+s2+$0x0], $0xffff  }
0x10c: {  	v62 =	vor.u32 $0x380, v22;
	v33 =	vld.idx.msk [tilespmem:v57+s2+$0x0], $0xffff  }
0x10d: {  	v63 =	vor.u32 $0x380, v24;
	v36 =	vld.idx.msk [tilespmem:v58+s2+$0x0], $0xffff  }
0x10e: {  	v48 =	vor.u32 $0x380, v27;
	v32 =	vld.idx.msk [tilespmem:v59+s2+$0x0], $0xffff  }
0x10f: {  	v49 =	vor.u32 $0x380, v26;
	v37 =	vld.idx.msk [tilespmem:v60+s2+$0x0], $0xffff  }
0x110: {  	v50 =	vor.u32 $0x380, v25;
	v38 =	vld.idx.msk [tilespmem:v61+s2+$0x0], $0xffff  }
0x111: {  	v51 =	vor.u32 $0x380, v29;
	v39 =	vld.idx.msk [tilespmem:v62+s2+$0x0], $0xffff  }
0x112: {  	v52 =	vor.u32 $0x380, v28;
	v40 =	vld.idx.msk [tilespmem:v63+s2+$0x0], $0xffff  }
0x113: {  	v53 =	vor.u32 $0x380, v30;
	v41 =	vld.idx.msk [tilespmem:v48+s2+$0x0], $0xffff  }
0x114: {  	v54 =	vor.u32 $0x380, v31;
	v42 =	vld.idx.msk [tilespmem:v49+s2+$0x0], $0xffff  }
0x115: {  	v43 =	vld.idx.msk [tilespmem:v50+s2+$0x0], $0xffff;
	v34 =	vmul.f32 v34, v4;
	v35 =	vmul.f32 v35, v5  }
0x116: {  	v44 =	vld.idx.msk [tilespmem:v51+s2+$0x0], $0xffff;
	v33 =	vmul.f32 v33, v2;
	v32 =	vmul.f32 v32, v6  }
0x117: {  	v45 =	vld.idx.msk [tilespmem:v52+s2+$0x0], $0xffff;
	v36 =	vmul.f32 v36, v0;
	v37 =	vmul.f32 v37, v1  }
0x118: {  	v46 =	vld.idx.msk [tilespmem:v53+s2+$0x0], $0xffff;
	v55 =	vmul.f32 v38, v3;
	v56 =	vmul.f32 v39, v7  }
0x119: {  	v47 =	vld.idx.msk [tilespmem:v54+s2+$0x0], $0xffff;
	v57 =	vmul.f32 v40, v8;
	v58 =	vmul.f32 v41, v9  }
0x11a: {  	v60 =	vmul.f32 v42, v10;
	v61 =	vmul.f32 v43, v11  }
0x11b: {  	v62 =	vmul.f32 v44, v12;
	v32 =	vadd.f32 v32, v34;
	v35 =	vadd.f32 v37, v35  }
0x11c: {  	v63 =	vmul.f32 v45, v13;
	v33 =	vadd.f32 v55, v33;
	v59 =	vadd.f32 v56, v36  }
0x11d: {  	v42 =	vmul.f32 v46, v14;
	v32 =	vadd.f32 v57, v32;
	v35 =	vadd.f32 v58, v35  }
0x11e: {  	v43 =	vmul.f32 v47, v15;
	v33 =	vadd.f32 v60, v33;
	v34 =	vadd.f32 v61, v59  }
0x11f: {  	v32 =	vadd.f32 v62, v32;
	v35 =	vadd.f32 v63, v35  }
0x120: {  	v33 =	vadd.f32 v42, v33;
	v34 =	vadd.f32 v43, v34;
	_ =	sdelay $0x1  }
0x121: {  	v44 =	vadd.s32 $0x8000, v16;
	v32 =	vadd.f32 v35, v32;
	v33 =	vadd.f32 v34, v33  }
0x122: {  	v45 =	vadd.s32 $0x8000, v17  }
0x123: {  	v46 =	vadd.s32 $0x8000, v18;
	v32 =	vadd.f32 v33, v32  }
0x124: {  	v47 =	vadd.s32 $0x8000, v21  }
0x125: {  	v48 =	vadd.s32 $0x8000, v20;
	[tilespmem:s21+$0x1A000] =	vst v32  }
0x126: {  	v49 =	vadd.s32 $0x8000, v19;
	v34 =	vld.idx.msk [tilespmem:v44+s2+$0x0], $0xffff  }
0x127: {  	v50 =	vadd.s32 $0x8000, v23;
	v35 =	vld.idx.msk [tilespmem:v45+s2+$0x0], $0xffff  }
0x128: {  	v51 =	vadd.s32 $0x8000, v22;
	v33 =	vld.idx.msk [tilespmem:v46+s2+$0x0], $0xffff  }
0x129: {  	v52 =	vadd.s32 $0x8000, v24;
	v36 =	vld.idx.msk [tilespmem:v47+s2+$0x0], $0xffff  }
0x12a: {  	v53 =	vadd.s32 $0x8000, v27;
	v32 =	vld.idx.msk [tilespmem:v48+s2+$0x0], $0xffff  }
0x12b: {  	v54 =	vadd.s32 $0x8000, v26;
	v37 =	vld.idx.msk [tilespmem:v49+s2+$0x0], $0xffff  }
0x12c: {  	v55 =	vadd.s32 $0x8000, v25;
	v38 =	vld.idx.msk [tilespmem:v50+s2+$0x0], $0xffff  }
0x12d: {  	v56 =	vadd.s32 $0x8000, v29;
	v39 =	vld.idx.msk [tilespmem:v51+s2+$0x0], $0xffff  }
0x12e: {  	v57 =	vadd.s32 $0x8000, v28;
	v40 =	vld.idx.msk [tilespmem:v52+s2+$0x0], $0xffff  }
0x12f: {  	v58 =	vadd.s32 $0x8000, v30;
	v41 =	vld.idx.msk [tilespmem:v53+s2+$0x0], $0xffff  }
0x130: {  	v59 =	vadd.s32 $0x8000, v31;
	v42 =	vld.idx.msk [tilespmem:v54+s2+$0x0], $0xffff  }
0x131: {  	v43 =	vld.idx.msk [tilespmem:v55+s2+$0x0], $0xffff;
	v34 =	vmul.f32 v34, v4;
	v35 =	vmul.f32 v35, v5  }
0x132: {  	v44 =	vld.idx.msk [tilespmem:v56+s2+$0x0], $0xffff;
	v33 =	vmul.f32 v33, v2;
	v32 =	vmul.f32 v32, v6  }
0x133: {  	v45 =	vld.idx.msk [tilespmem:v57+s2+$0x0], $0xffff;
	v36 =	vmul.f32 v36, v0;
	v37 =	vmul.f32 v37, v1  }
0x134: {  	v46 =	vld.idx.msk [tilespmem:v58+s2+$0x0], $0xffff;
	v60 =	vmul.f32 v38, v3;
	v61 =	vmul.f32 v39, v7  }
0x135: {  	v47 =	vld.idx.msk [tilespmem:v59+s2+$0x0], $0xffff;
	v62 =	vmul.f32 v40, v8;
	v63 =	vmul.f32 v41, v9  }
0x136: {  	v49 =	vmul.f32 v42, v10;
	v50 =	vmul.f32 v43, v11  }
0x137: {  	v51 =	vmul.f32 v44, v12;
	v32 =	vadd.f32 v32, v34;
	v35 =	vadd.f32 v37, v35  }
0x138: {  	v52 =	vmul.f32 v45, v13;
	v33 =	vadd.f32 v60, v33;
	v48 =	vadd.f32 v61, v36  }
0x139: {  	v53 =	vmul.f32 v46, v14;
	v32 =	vadd.f32 v62, v32;
	v35 =	vadd.f32 v63, v35  }
0x13a: {  	v54 =	vmul.f32 v47, v15;
	v33 =	vadd.f32 v49, v33;
	v34 =	vadd.f32 v50, v48  }
0x13b: {  	v32 =	vadd.f32 v51, v32;
	v35 =	vadd.f32 v52, v35  }
0x13c: {  	v33 =	vadd.f32 v53, v33;
	v34 =	vadd.f32 v54, v34;
	_ =	sdelay $0x1  }
0x13d: {  	v55 =	vadd.s32 $0x8080, v16;
	v32 =	vadd.f32 v35, v32;
	v33 =	vadd.f32 v34, v33  }
0x13e: {  	v56 =	vadd.s32 $0x8080, v17  }
0x13f: {  	v57 =	vadd.s32 $0x8080, v18;
	v32 =	vadd.f32 v33, v32  }
0x140: {  	v58 =	vadd.s32 $0x8080, v21  }
0x141: {  	v59 =	vadd.s32 $0x8080, v20;
	[tilespmem:s21+$0x1A400] =	vst v32  }
0x142: {  	v60 =	vadd.s32 $0x8080, v19;
	v34 =	vld.idx.msk [tilespmem:v55+s2+$0x0], $0xffff  }
0x143: {  	v61 =	vadd.s32 $0x8080, v23;
	v35 =	vld.idx.msk [tilespmem:v56+s2+$0x0], $0xffff  }
0x144: {  	v62 =	vadd.s32 $0x8080, v22;
	v33 =	vld.idx.msk [tilespmem:v57+s2+$0x0], $0xffff  }
0x145: {  	v63 =	vadd.s32 $0x8080, v24;
	v36 =	vld.idx.msk [tilespmem:v58+s2+$0x0], $0xffff  }
0x146: {  	v48 =	vadd.s32 $0x8080, v27;
	v32 =	vld.idx.msk [tilespmem:v59+s2+$0x0], $0xffff  }
0x147: {  	v49 =	vadd.s32 $0x8080, v26;
	v37 =	vld.idx.msk [tilespmem:v60+s2+$0x0], $0xffff  }
0x148: {  	v50 =	vadd.s32 $0x8080, v25;
	v38 =	vld.idx.msk [tilespmem:v61+s2+$0x0], $0xffff  }
0x149: {  	v51 =	vadd.s32 $0x8080, v29;
	v39 =	vld.idx.msk [tilespmem:v62+s2+$0x0], $0xffff  }
0x14a: {  	v52 =	vadd.s32 $0x8080, v28;
	v40 =	vld.idx.msk [tilespmem:v63+s2+$0x0], $0xffff  }
0x14b: {  	v53 =	vadd.s32 $0x8080, v30;
	v41 =	vld.idx.msk [tilespmem:v48+s2+$0x0], $0xffff  }
0x14c: {  	v54 =	vadd.s32 $0x8080, v31;
	v42 =	vld.idx.msk [tilespmem:v49+s2+$0x0], $0xffff  }
0x14d: {  	v43 =	vld.idx.msk [tilespmem:v50+s2+$0x0], $0xffff;
	v34 =	vmul.f32 v34, v4;
	v35 =	vmul.f32 v35, v5  }
0x14e: {  	v44 =	vld.idx.msk [tilespmem:v51+s2+$0x0], $0xffff;
	v33 =	vmul.f32 v33, v2;
	v32 =	vmul.f32 v32, v6  }
0x14f: {  	v45 =	vld.idx.msk [tilespmem:v52+s2+$0x0], $0xffff;
	v36 =	vmul.f32 v36, v0;
	v37 =	vmul.f32 v37, v1  }
0x150: {  	v46 =	vld.idx.msk [tilespmem:v53+s2+$0x0], $0xffff;
	v55 =	vmul.f32 v38, v3;
	v56 =	vmul.f32 v39, v7  }
0x151: {  	v47 =	vld.idx.msk [tilespmem:v54+s2+$0x0], $0xffff;
	v57 =	vmul.f32 v40, v8;
	v58 =	vmul.f32 v41, v9  }
0x152: {  	v60 =	vmul.f32 v42, v10;
	v61 =	vmul.f32 v43, v11  }
0x153: {  	v62 =	vmul.f32 v44, v12;
	v32 =	vadd.f32 v32, v34;
	v35 =	vadd.f32 v37, v35  }
0x154: {  	v63 =	vmul.f32 v45, v13;
	v33 =	vadd.f32 v55, v33;
	v59 =	vadd.f32 v56, v36  }
0x155: {  	v42 =	vmul.f32 v46, v14;
	v32 =	vadd.f32 v57, v32;
	v35 =	vadd.f32 v58, v35  }
0x156: {  	v43 =	vmul.f32 v47, v15;
	v33 =	vadd.f32 v60, v33;
	v34 =	vadd.f32 v61, v59  }
0x157: {  	v32 =	vadd.f32 v62, v32;
	v35 =	vadd.f32 v63, v35  }
0x158: {  	v33 =	vadd.f32 v42, v33;
	v34 =	vadd.f32 v43, v34;
	_ =	sdelay $0x1  }
0x159: {  	v44 =	vadd.s32 $0x8100, v16;
	v32 =	vadd.f32 v35, v32;
	v33 =	vadd.f32 v34, v33  }
0x15a: {  	v45 =	vadd.s32 $0x8100, v17  }
0x15b: {  	v46 =	vadd.s32 $0x8100, v18;
	v32 =	vadd.f32 v33, v32  }
0x15c: {  	v47 =	vadd.s32 $0x8100, v21  }
0x15d: {  	v48 =	vadd.s32 $0x8100, v20;
	[tilespmem:s21+$0x1A800] =	vst v32  }
0x15e: {  	v49 =	vadd.s32 $0x8100, v19;
	v34 =	vld.idx.msk [tilespmem:v44+s2+$0x0], $0xffff  }
0x15f: {  	v50 =	vadd.s32 $0x8100, v23;
	v35 =	vld.idx.msk [tilespmem:v45+s2+$0x0], $0xffff  }
0x160: {  	v51 =	vadd.s32 $0x8100, v22;
	v33 =	vld.idx.msk [tilespmem:v46+s2+$0x0], $0xffff  }
0x161: {  	v52 =	vadd.s32 $0x8100, v24;
	v36 =	vld.idx.msk [tilespmem:v47+s2+$0x0], $0xffff  }
0x162: {  	v53 =	vadd.s32 $0x8100, v27;
	v32 =	vld.idx.msk [tilespmem:v48+s2+$0x0], $0xffff  }
0x163: {  	v54 =	vadd.s32 $0x8100, v26;
	v37 =	vld.idx.msk [tilespmem:v49+s2+$0x0], $0xffff  }
0x164: {  	v55 =	vadd.s32 $0x8100, v25;
	v38 =	vld.idx.msk [tilespmem:v50+s2+$0x0], $0xffff  }
0x165: {  	v56 =	vadd.s32 $0x8100, v29;
	v39 =	vld.idx.msk [tilespmem:v51+s2+$0x0], $0xffff  }
0x166: {  	v57 =	vadd.s32 $0x8100, v28;
	v40 =	vld.idx.msk [tilespmem:v52+s2+$0x0], $0xffff  }
0x167: {  	v58 =	vadd.s32 $0x8100, v30;
	v41 =	vld.idx.msk [tilespmem:v53+s2+$0x0], $0xffff  }
0x168: {  	v59 =	vadd.s32 $0x8100, v31;
	v42 =	vld.idx.msk [tilespmem:v54+s2+$0x0], $0xffff  }
0x169: {  	v43 =	vld.idx.msk [tilespmem:v55+s2+$0x0], $0xffff;
	v34 =	vmul.f32 v34, v4;
	v35 =	vmul.f32 v35, v5  }
0x16a: {  	v44 =	vld.idx.msk [tilespmem:v56+s2+$0x0], $0xffff;
	v33 =	vmul.f32 v33, v2;
	v32 =	vmul.f32 v32, v6  }
0x16b: {  	v45 =	vld.idx.msk [tilespmem:v57+s2+$0x0], $0xffff;
	v36 =	vmul.f32 v36, v0;
	v37 =	vmul.f32 v37, v1  }
0x16c: {  	v46 =	vld.idx.msk [tilespmem:v58+s2+$0x0], $0xffff;
	v60 =	vmul.f32 v38, v3;
	v61 =	vmul.f32 v39, v7  }
0x16d: {  	v47 =	vld.idx.msk [tilespmem:v59+s2+$0x0], $0xffff;
	v62 =	vmul.f32 v40, v8;
	v63 =	vmul.f32 v41, v9  }
0x16e: {  	v49 =	vmul.f32 v42, v10;
	v50 =	vmul.f32 v43, v11  }
0x16f: {  	v51 =	vmul.f32 v44, v12;
	v32 =	vadd.f32 v32, v34;
	v35 =	vadd.f32 v37, v35  }
0x170: {  	v52 =	vmul.f32 v45, v13;
	v33 =	vadd.f32 v60, v33;
	v48 =	vadd.f32 v61, v36  }
0x171: {  	v53 =	vmul.f32 v46, v14;
	v32 =	vadd.f32 v62, v32;
	v35 =	vadd.f32 v63, v35  }
0x172: {  	v54 =	vmul.f32 v47, v15;
	v33 =	vadd.f32 v49, v33;
	v34 =	vadd.f32 v50, v48  }
0x173: {  	v32 =	vadd.f32 v51, v32;
	v35 =	vadd.f32 v52, v35  }
0x174: {  	v33 =	vadd.f32 v53, v33;
	v34 =	vadd.f32 v54, v34;
	_ =	sdelay $0x1  }
0x175: {  	v55 =	vadd.s32 $0x8180, v16;
	v32 =	vadd.f32 v35, v32;
	v33 =	vadd.f32 v34, v33  }
0x176: {  	v56 =	vadd.s32 $0x8180, v17  }
0x177: {  	v57 =	vadd.s32 $0x8180, v18;
	v32 =	vadd.f32 v33, v32  }
0x178: {  	v58 =	vadd.s32 $0x8180, v21  }
0x179: {  	v59 =	vadd.s32 $0x8180, v20;
	[tilespmem:s21+$0x1AC00] =	vst v32  }
0x17a: {  	v60 =	vadd.s32 $0x8180, v19;
	v34 =	vld.idx.msk [tilespmem:v55+s2+$0x0], $0xffff  }
0x17b: {  	v61 =	vadd.s32 $0x8180, v23;
	v35 =	vld.idx.msk [tilespmem:v56+s2+$0x0], $0xffff  }
0x17c: {  	v62 =	vadd.s32 $0x8180, v22;
	v33 =	vld.idx.msk [tilespmem:v57+s2+$0x0], $0xffff  }
0x17d: {  	v63 =	vadd.s32 $0x8180, v24;
	v36 =	vld.idx.msk [tilespmem:v58+s2+$0x0], $0xffff  }
0x17e: {  	v48 =	vadd.s32 $0x8180, v27;
	v32 =	vld.idx.msk [tilespmem:v59+s2+$0x0], $0xffff  }
0x17f: {  	v49 =	vadd.s32 $0x8180, v26;
	v37 =	vld.idx.msk [tilespmem:v60+s2+$0x0], $0xffff  }
0x180: {  	v50 =	vadd.s32 $0x8180, v25;
	v38 =	vld.idx.msk [tilespmem:v61+s2+$0x0], $0xffff  }
0x181: {  	v51 =	vadd.s32 $0x8180, v29;
	v39 =	vld.idx.msk [tilespmem:v62+s2+$0x0], $0xffff  }
0x182: {  	v52 =	vadd.s32 $0x8180, v28;
	v40 =	vld.idx.msk [tilespmem:v63+s2+$0x0], $0xffff  }
0x183: {  	v53 =	vadd.s32 $0x8180, v30;
	v41 =	vld.idx.msk [tilespmem:v48+s2+$0x0], $0xffff  }
0x184: {  	v54 =	vadd.s32 $0x8180, v31;
	v42 =	vld.idx.msk [tilespmem:v49+s2+$0x0], $0xffff  }
0x185: {  	v43 =	vld.idx.msk [tilespmem:v50+s2+$0x0], $0xffff;
	v34 =	vmul.f32 v34, v4;
	v35 =	vmul.f32 v35, v5  }
0x186: {  	v44 =	vld.idx.msk [tilespmem:v51+s2+$0x0], $0xffff;
	v33 =	vmul.f32 v33, v2;
	v32 =	vmul.f32 v32, v6  }
0x187: {  	v45 =	vld.idx.msk [tilespmem:v52+s2+$0x0], $0xffff;
	v36 =	vmul.f32 v36, v0;
	v37 =	vmul.f32 v37, v1  }
0x188: {  	v46 =	vld.idx.msk [tilespmem:v53+s2+$0x0], $0xffff;
	v55 =	vmul.f32 v38, v3;
	v56 =	vmul.f32 v39, v7  }
0x189: {  	v47 =	vld.idx.msk [tilespmem:v54+s2+$0x0], $0xffff;
	v57 =	vmul.f32 v40, v8;
	v58 =	vmul.f32 v41, v9  }
0x18a: {  	v60 =	vmul.f32 v42, v10;
	v61 =	vmul.f32 v43, v11  }
0x18b: {  	v62 =	vmul.f32 v44, v12;
	v32 =	vadd.f32 v32, v34;
	v35 =	vadd.f32 v37, v35  }
0x18c: {  	v63 =	vmul.f32 v45, v13;
	v33 =	vadd.f32 v55, v33;
	v59 =	vadd.f32 v56, v36  }
0x18d: {  	v42 =	vmul.f32 v46, v14;
	v32 =	vadd.f32 v57, v32;
	v35 =	vadd.f32 v58, v35  }
0x18e: {  	v43 =	vmul.f32 v47, v15;
	v33 =	vadd.f32 v60, v33;
	v34 =	vadd.f32 v61, v59  }
0x18f: {  	v32 =	vadd.f32 v62, v32;
	v35 =	vadd.f32 v63, v35  }
0x190: {  	v33 =	vadd.f32 v42, v33;
	v34 =	vadd.f32 v43, v34;
	_ =	sdelay $0x1  }
0x191: {  	v44 =	vadd.s32 $0x8200, v16;
	v32 =	vadd.f32 v35, v32;
	v33 =	vadd.f32 v34, v33  }
0x192: {  	v45 =	vadd.s32 $0x8200, v17  }
0x193: {  	v46 =	vadd.s32 $0x8200, v18;
	v32 =	vadd.f32 v33, v32  }
0x194: {  	v47 =	vadd.s32 $0x8200, v21  }
0x195: {  	v48 =	vadd.s32 $0x8200, v20;
	[tilespmem:s21+$0x1B000] =	vst v32  }
0x196: {  	v49 =	vadd.s32 $0x8200, v19;
	v34 =	vld.idx.msk [tilespmem:v44+s2+$0x0], $0xffff  }
0x197: {  	v50 =	vadd.s32 $0x8200, v23;
	v35 =	vld.idx.msk [tilespmem:v45+s2+$0x0], $0xffff  }
0x198: {  	v51 =	vadd.s32 $0x8200, v22;
	v33 =	vld.idx.msk [tilespmem:v46+s2+$0x0], $0xffff  }
0x199: {  	v52 =	vadd.s32 $0x8200, v24;
	v36 =	vld.idx.msk [tilespmem:v47+s2+$0x0], $0xffff  }
0x19a: {  	v53 =	vadd.s32 $0x8200, v27;
	v32 =	vld.idx.msk [tilespmem:v48+s2+$0x0], $0xffff  }
0x19b: {  	v54 =	vadd.s32 $0x8200, v26;
	v37 =	vld.idx.msk [tilespmem:v49+s2+$0x0], $0xffff  }
0x19c: {  	v55 =	vadd.s32 $0x8200, v25;
	v38 =	vld.idx.msk [tilespmem:v50+s2+$0x0], $0xffff  }
0x19d: {  	v56 =	vadd.s32 $0x8200, v29;
	v39 =	vld.idx.msk [tilespmem:v51+s2+$0x0], $0xffff  }
0x19e: {  	v57 =	vadd.s32 $0x8200, v28;
	v40 =	vld.idx.msk [tilespmem:v52+s2+$0x0], $0xffff  }
0x19f: {  	v58 =	vadd.s32 $0x8200, v30;
	v41 =	vld.idx.msk [tilespmem:v53+s2+$0x0], $0xffff  }
0x1a0: {  	v59 =	vadd.s32 $0x8200, v31;
	v42 =	vld.idx.msk [tilespmem:v54+s2+$0x0], $0xffff  }
0x1a1: {  	v43 =	vld.idx.msk [tilespmem:v55+s2+$0x0], $0xffff;
	v34 =	vmul.f32 v34, v4;
	v35 =	vmul.f32 v35, v5  }
0x1a2: {  	v44 =	vld.idx.msk [tilespmem:v56+s2+$0x0], $0xffff;
	v33 =	vmul.f32 v33, v2;
	v32 =	vmul.f32 v32, v6  }
0x1a3: {  	v45 =	vld.idx.msk [tilespmem:v57+s2+$0x0], $0xffff;
	v36 =	vmul.f32 v36, v0;
	v37 =	vmul.f32 v37, v1  }
0x1a4: {  	v46 =	vld.idx.msk [tilespmem:v58+s2+$0x0], $0xffff;
	v60 =	vmul.f32 v38, v3;
	v61 =	vmul.f32 v39, v7  }
0x1a5: {  	v47 =	vld.idx.msk [tilespmem:v59+s2+$0x0], $0xffff;
	v62 =	vmul.f32 v40, v8;
	v63 =	vmul.f32 v41, v9  }
0x1a6: {  	v49 =	vmul.f32 v42, v10;
	v50 =	vmul.f32 v43, v11  }
0x1a7: {  	v51 =	vmul.f32 v44, v12;
	v32 =	vadd.f32 v32, v34;
	v35 =	vadd.f32 v37, v35  }
0x1a8: {  	v52 =	vmul.f32 v45, v13;
	v33 =	vadd.f32 v60, v33;
	v48 =	vadd.f32 v61, v36  }
0x1a9: {  	v53 =	vmul.f32 v46, v14;
	v32 =	vadd.f32 v62, v32;
	v35 =	vadd.f32 v63, v35  }
0x1aa: {  	v54 =	vmul.f32 v47, v15;
	v33 =	vadd.f32 v49, v33;
	v34 =	vadd.f32 v50, v48  }
0x1ab: {  	v32 =	vadd.f32 v51, v32;
	v35 =	vadd.f32 v52, v35  }
0x1ac: {  	v33 =	vadd.f32 v53, v33;
	v34 =	vadd.f32 v54, v34;
	_ =	sdelay $0x1  }
0x1ad: {  	v55 =	vadd.s32 $0x8280, v16;
	v32 =	vadd.f32 v35, v32;
	v33 =	vadd.f32 v34, v33  }
0x1ae: {  	v56 =	vadd.s32 $0x8280, v17  }
0x1af: {  	v57 =	vadd.s32 $0x8280, v18;
	v32 =	vadd.f32 v33, v32  }
0x1b0: {  	v58 =	vadd.s32 $0x8280, v21  }
0x1b1: {  	v59 =	vadd.s32 $0x8280, v20;
	[tilespmem:s21+$0x1B400] =	vst v32  }
0x1b2: {  	v60 =	vadd.s32 $0x8280, v19;
	v34 =	vld.idx.msk [tilespmem:v55+s2+$0x0], $0xffff  }
0x1b3: {  	v61 =	vadd.s32 $0x8280, v23;
	v35 =	vld.idx.msk [tilespmem:v56+s2+$0x0], $0xffff  }
0x1b4: {  	v62 =	vadd.s32 $0x8280, v22;
	v33 =	vld.idx.msk [tilespmem:v57+s2+$0x0], $0xffff  }
0x1b5: {  	v63 =	vadd.s32 $0x8280, v24;
	v36 =	vld.idx.msk [tilespmem:v58+s2+$0x0], $0xffff  }
0x1b6: {  	v48 =	vadd.s32 $0x8280, v27;
	v32 =	vld.idx.msk [tilespmem:v59+s2+$0x0], $0xffff  }
0x1b7: {  	v49 =	vadd.s32 $0x8280, v26;
	v37 =	vld.idx.msk [tilespmem:v60+s2+$0x0], $0xffff  }
0x1b8: {  	v50 =	vadd.s32 $0x8280, v25;
	v38 =	vld.idx.msk [tilespmem:v61+s2+$0x0], $0xffff  }
0x1b9: {  	v51 =	vadd.s32 $0x8280, v29;
	v39 =	vld.idx.msk [tilespmem:v62+s2+$0x0], $0xffff  }
0x1ba: {  	v52 =	vadd.s32 $0x8280, v28;
	v40 =	vld.idx.msk [tilespmem:v63+s2+$0x0], $0xffff  }
0x1bb: {  	v53 =	vadd.s32 $0x8280, v30;
	v41 =	vld.idx.msk [tilespmem:v48+s2+$0x0], $0xffff  }
0x1bc: {  	v54 =	vadd.s32 $0x8280, v31;
	v42 =	vld.idx.msk [tilespmem:v49+s2+$0x0], $0xffff  }
0x1bd: {  	v43 =	vld.idx.msk [tilespmem:v50+s2+$0x0], $0xffff;
	v34 =	vmul.f32 v34, v4;
	v35 =	vmul.f32 v35, v5  }
0x1be: {  	v44 =	vld.idx.msk [tilespmem:v51+s2+$0x0], $0xffff;
	v33 =	vmul.f32 v33, v2;
	v32 =	vmul.f32 v32, v6  }
0x1bf: {  	v45 =	vld.idx.msk [tilespmem:v52+s2+$0x0], $0xffff;
	v36 =	vmul.f32 v36, v0;
	v37 =	vmul.f32 v37, v1  }
0x1c0: {  	v46 =	vld.idx.msk [tilespmem:v53+s2+$0x0], $0xffff;
	v55 =	vmul.f32 v38, v3;
	v56 =	vmul.f32 v39, v7  }
0x1c1: {  	v47 =	vld.idx.msk [tilespmem:v54+s2+$0x0], $0xffff;
	v57 =	vmul.f32 v40, v8;
	v58 =	vmul.f32 v41, v9  }
0x1c2: {  	v60 =	vmul.f32 v42, v10;
	v61 =	vmul.f32 v43, v11  }
0x1c3: {  	v62 =	vmul.f32 v44, v12;
	v32 =	vadd.f32 v32, v34;
	v35 =	vadd.f32 v37, v35  }
0x1c4: {  	v63 =	vmul.f32 v45, v13;
	v33 =	vadd.f32 v55, v33;
	v59 =	vadd.f32 v56, v36  }
0x1c5: {  	v42 =	vmul.f32 v46, v14;
	v32 =	vadd.f32 v57, v32;
	v35 =	vadd.f32 v58, v35  }
0x1c6: {  	v43 =	vmul.f32 v47, v15;
	v33 =	vadd.f32 v60, v33;
	v34 =	vadd.f32 v61, v59  }
0x1c7: {  	v32 =	vadd.f32 v62, v32;
	v35 =	vadd.f32 v63, v35  }
0x1c8: {  	v33 =	vadd.f32 v42, v33;
	v34 =	vadd.f32 v43, v34;
	_ =	sdelay $0x1  }
0x1c9: {  	v44 =	vadd.s32 $0x8300, v16;
	v32 =	vadd.f32 v35, v32;
	v33 =	vadd.f32 v34, v33  }
0x1ca: {  	v45 =	vadd.s32 $0x8300, v17  }
0x1cb: {  	v46 =	vadd.s32 $0x8300, v18;
	v32 =	vadd.f32 v33, v32  }
0x1cc: {  	v47 =	vadd.s32 $0x8300, v21  }
0x1cd: {  	v48 =	vadd.s32 $0x8300, v20;
	[tilespmem:s21+$0x1B800] =	vst v32  }
0x1ce: {  	v49 =	vadd.s32 $0x8300, v19;
	v34 =	vld.idx.msk [tilespmem:v44+s2+$0x0], $0xffff  }
0x1cf: {  	v50 =	vadd.s32 $0x8300, v23;
	v35 =	vld.idx.msk [tilespmem:v45+s2+$0x0], $0xffff  }
0x1d0: {  	v51 =	vadd.s32 $0x8300, v22;
	v33 =	vld.idx.msk [tilespmem:v46+s2+$0x0], $0xffff  }
0x1d1: {  	v52 =	vadd.s32 $0x8300, v24;
	v36 =	vld.idx.msk [tilespmem:v47+s2+$0x0], $0xffff  }
0x1d2: {  	v53 =	vadd.s32 $0x8300, v27;
	v32 =	vld.idx.msk [tilespmem:v48+s2+$0x0], $0xffff  }
0x1d3: {  	v54 =	vadd.s32 $0x8300, v26;
	v37 =	vld.idx.msk [tilespmem:v49+s2+$0x0], $0xffff  }
0x1d4: {  	v55 =	vadd.s32 $0x8300, v25;
	v38 =	vld.idx.msk [tilespmem:v50+s2+$0x0], $0xffff  }
0x1d5: {  	v56 =	vadd.s32 $0x8300, v29;
	v39 =	vld.idx.msk [tilespmem:v51+s2+$0x0], $0xffff  }
0x1d6: {  	v57 =	vadd.s32 $0x8300, v28;
	v40 =	vld.idx.msk [tilespmem:v52+s2+$0x0], $0xffff  }
0x1d7: {  	v58 =	vadd.s32 $0x8300, v30;
	v41 =	vld.idx.msk [tilespmem:v53+s2+$0x0], $0xffff  }
0x1d8: {  	v59 =	vadd.s32 $0x8300, v31;
	v42 =	vld.idx.msk [tilespmem:v54+s2+$0x0], $0xffff  }
0x1d9: {  	v43 =	vld.idx.msk [tilespmem:v55+s2+$0x0], $0xffff;
	v34 =	vmul.f32 v34, v4;
	v35 =	vmul.f32 v35, v5  }
0x1da: {  	v44 =	vld.idx.msk [tilespmem:v56+s2+$0x0], $0xffff;
	v33 =	vmul.f32 v33, v2;
	v32 =	vmul.f32 v32, v6  }
0x1db: {  	v45 =	vld.idx.msk [tilespmem:v57+s2+$0x0], $0xffff;
	v36 =	vmul.f32 v36, v0;
	v37 =	vmul.f32 v37, v1  }
0x1dc: {  	v46 =	vld.idx.msk [tilespmem:v58+s2+$0x0], $0xffff;
	v60 =	vmul.f32 v38, v3;
	v61 =	vmul.f32 v39, v7  }
0x1dd: {  	v47 =	vld.idx.msk [tilespmem:v59+s2+$0x0], $0xffff;
	v62 =	vmul.f32 v40, v8;
	v63 =	vmul.f32 v41, v9  }
0x1de: {  	v42 =	vmul.f32 v42, v10;
	v43 =	vmul.f32 v43, v11  }
0x1df: {  	v48 =	vmul.f32 v44, v12;
	v32 =	vadd.f32 v32, v34;
	v35 =	vadd.f32 v37, v35  }
0x1e0: {  	v49 =	vmul.f32 v45, v13;
	v33 =	vadd.f32 v60, v33;
	v41 =	vadd.f32 v61, v36  }
0x1e1: {  	v50 =	vmul.f32 v46, v14;
	v32 =	vadd.f32 v62, v32;
	v35 =	vadd.f32 v63, v35  }
0x1e2: {  	v51 =	vmul.f32 v47, v15;
	v33 =	vadd.f32 v42, v33;
	v34 =	vadd.f32 v43, v41  }
0x1e3: {  	v32 =	vadd.f32 v48, v32;
	v35 =	vadd.f32 v49, v35  }
0x1e4: {  	v33 =	vadd.f32 v50, v33;
	v34 =	vadd.f32 v51, v34;
	_ =	sdelay $0x1  }
0x1e5: {  	v16 =	vadd.s32 $0x8380, v16;
	v32 =	vadd.f32 v35, v32;
	v33 =	vadd.f32 v34, v33  }
0x1e6: {  	v17 =	vadd.s32 $0x8380, v17  }
0x1e7: {  	v18 =	vadd.s32 $0x8380, v18;
	v32 =	vadd.f32 v33, v32  }
0x1e8: {  	v21 =	vadd.s32 $0x8380, v21  }
0x1e9: {  	v20 =	vadd.s32 $0x8380, v20;
	[tilespmem:s21+$0x1BC00] =	vst v32  }
0x1ea: {  	v19 =	vadd.s32 $0x8380, v19;
	v16 =	vld.idx.msk [tilespmem:v16+s2+$0x0], $0xffff  }
0x1eb: {  	v23 =	vadd.s32 $0x8380, v23;
	v17 =	vld.idx.msk [tilespmem:v17+s2+$0x0], $0xffff  }
0x1ec: {  	v22 =	vadd.s32 $0x8380, v22;
	v18 =	vld.idx.msk [tilespmem:v18+s2+$0x0], $0xffff  }
0x1ed: {  	v24 =	vadd.s32 $0x8380, v24;
	v21 =	vld.idx.msk [tilespmem:v21+s2+$0x0], $0xffff  }
0x1ee: {  	v27 =	vadd.s32 $0x8380, v27;
	v20 =	vld.idx.msk [tilespmem:v20+s2+$0x0], $0xffff  }
0x1ef: {  	v26 =	vadd.s32 $0x8380, v26;
	v19 =	vld.idx.msk [tilespmem:v19+s2+$0x0], $0xffff  }
0x1f0: {  	v25 =	vadd.s32 $0x8380, v25;
	v23 =	vld.idx.msk [tilespmem:v23+s2+$0x0], $0xffff  }
0x1f1: {  	v29 =	vadd.s32 $0x8380, v29;
	v22 =	vld.idx.msk [tilespmem:v22+s2+$0x0], $0xffff  }
0x1f2: {  	v28 =	vadd.s32 $0x8380, v28;
	v24 =	vld.idx.msk [tilespmem:v24+s2+$0x0], $0xffff  }
0x1f3: {  	v30 =	vadd.s32 $0x8380, v30;
	v27 =	vld.idx.msk [tilespmem:v27+s2+$0x0], $0xffff  }
0x1f4: {  	v31 =	vadd.s32 $0x8380, v31;
	v26 =	vld.idx.msk [tilespmem:v26+s2+$0x0], $0xffff  }
0x1f5: {  	v25 =	vld.idx.msk [tilespmem:v25+s2+$0x0], $0xffff;
	v4 =	vmul.f32 v16, v4;
	v5 =	vmul.f32 v17, v5  }
0x1f6: {  	v29 =	vld.idx.msk [tilespmem:v29+s2+$0x0], $0xffff;
	v2 =	vmul.f32 v18, v2;
	v6 =	vmul.f32 v20, v6  }
0x1f7: {  	v52 =	vld.idx.msk [tilespmem:v28+s2+$0x0], $0xffff;
	v0 =	vmul.f32 v21, v0;
	v1 =	vmul.f32 v19, v1  }
0x1f8: {  	v53 =	vld.idx.msk [tilespmem:v30+s2+$0x0], $0xffff;
	v3 =	vmul.f32 v23, v3;
	v55 =	vmul.f32 v22, v7  }
0x1f9: {  	v54 =	vld.idx.msk [tilespmem:v31+s2+$0x0], $0xffff;
	v56 =	vmul.f32 v24, v8;
	v57 =	vmul.f32 v27, v9  }
0x1fa: {  	v58 =	vmul.f32 v26, v10;
	v59 =	vmul.f32 v25, v11  }
0x1fb: {  	v60 =	vmul.f32 v29, v12;
	v4 =	vadd.f32 v6, v4;
	v1 =	vadd.f32 v1, v5  }
0x1fc: {  	v61 =	vmul.f32 v52, v13;
	v2 =	vadd.f32 v3, v2;
	v0 =	vadd.f32 v55, v0  }
0x1fd: {  	v62 =	vmul.f32 v53, v14;
	v4 =	vadd.f32 v56, v4;
	v1 =	vadd.f32 v57, v1  }
0x1fe: {  	v63 =	vmul.f32 v54, v15;
	v2 =	vadd.f32 v58, v2;
	v0 =	vadd.f32 v59, v0  }
0x1ff: {  	v3 =	vadd.f32 v60, v4;
	v1 =	vadd.f32 v61, v1  }
0x200: {  	v2 =	vadd.f32 v62, v2;
	v0 =	vadd.f32 v63, v0  }
0x201: {  	p0 =	sne.s32 s20, $0xFFFFFFC0  }
.Ltmp0:
0x202: {  	v1 =	vadd.f32 v1, v3;
	v0 =	vadd.f32 v0, v2;
	(pc) =	sbr.rel @p0 .LBB2_3-.Ltmp0, $3  }
0x203: {  	_ = 	snop  }
0x204: {  	v0 =	vadd.f32 v0, v1;
	_ =	sdelay $0x1  }
0x205: {  	s20 =	sadd.s32 $0x40, s20;
	[tilespmem:s21+$0x1C000] =	vst v0  }
0x206: {  	s19 =	smul.u32 $0xC0000, s19;
	s20 =	sshll.u32 s18, $0xE  }
0x207: {  	s31 =	sshll.u32 s18, $0x7;
	s20 =	sand.u32 $0xE0000, s20  }
0x208: {  	s18 =	sand.u32 $0x380, s31;
	s19 =	sadd.s32 s19, s20  }
0x209: {  	s17 =	sadd.s32 $0x1, s17;
	s18 =	sor.u32 s18, s19  }
0x20a: {  	p0 =	sne.s32 s17, $0xC;
	s18 =	sshrl.u32 s18, $0x3  }
.Ltmp1:
0x20b: {  	s18 =	sadd.s32 s7, s18;
	(pc) =	sbr.rel @p0 .LBB2_2-.Ltmp1, $4  }
0x20c: {  	[hbm4b:s18+s11] =	stream.strided.scatter [tilespmem:s15], [sflag:$0x1], $0x4000, s12, s11, $0x38;
	[tilespmem:$0x1C000] =	vst v63  }
0x20d: {  	_ =	swait.ge [sflag:s10], $0x4000  }
0x20e: {  	[sflag:s10] =	ssyncset.done $0x0  }
0x20f: {  	[sflag:s10] =	ssyncadd.s32 $0xFFFFC000  }
0x210: {  	s16 =	sadd.s32 $0x1, s16  }
0x211: {  	p0 =	sne.s32 s16, s9  }
.Ltmp2:
0x212: {  	_ = 	snop;
	(pc) =	sbr.rel @p0 .LBB2_1-.Ltmp2, $1  }
0x213: {  	_ =	sdelay $0x3  }
0x214: {  	_ =	sfence.sel $0x180000  }
0x215: {  	[bflag:$0x0] =	sbarrier.arrive $0xFFFF  }
0x216: {  	p0 =	sne.s32 s4, $0x0;
	_ =	strace $0x90000047  }
0x217: {  	s0 =	sadd.s32 @!p0 $0x100000, s0;
	[bflag:$0x2] =	sbarrier.arrive $0xFFFF  }
0x218: {  	[sflag:s0] =	ssyncadd.tile.s32 @!p0 $0x1;
	_ =	shalt  }
.Lfunc_end2:
_tile_overlayer_lowered:
.L_overlay_start_2:
0x219: {  	(tag) =	ssettag $0x2  }
0x21a: {  	s0 =	rddreg [dreg:$0x0];
	s2 =	stileid.u32  }
0x21b: {  	s1 =	rddreg [dreg:$0x1];
	p0 =	sne.s32 s2, $0x0  }
0x21c: {  	s3 =	rddreg [dreg:$0x2];
	[bflag:$0x3] =	sbarrier.arrive $0xFFFF;
	s2 =	simm.s32 @!p0 $0x1C01  }
0x21d: {  	[timem:s3], [sflag:s2] =	dma.local @!p0 [hbm:s0], s1  }
0x21e: {  	s0 =	simm.s32 @!p0 $0x1  }
0x21f: {  	_ =	swait.ge @!p0 [sflag:s0], s1  }
0x220: {  	s1 =	ssub.s32 @!p0 $0x0, s1;
	[sflag:s0] =	ssyncset.done @!p0 $0x0  }
0x221: {  	[sflag:s0] =	ssyncadd.s32 @!p0 s1  }
0x222: {  	[bflag:$0x3] =	sbarrier.arrive $0xFFFF  }
0x223: {  	_ =	shalt  }

</sc_bundles>
